<compile_context>
chip_gen: v7x
topology: tpu7x:2x2x1
jax: 0.10.2.dev20260603
libtpu: 0.0.44.dev20260713+nightly
codegen_flags: <defaults>
</compile_context>

<pallas_src>
import functools
import math

import jax
import jax.numpy as jnp
from jax import lax
from jax.experimental import pallas as pl
from jax.experimental.pallas import tpu as pltpu
from jax.experimental.pallas import tpu_sc as plsc

DIM = 64
SCALE = math.sqrt(DIM)

NC = 2
NS = 16
NW = NC * NS
LANES = 16
NB = 4
SPLIT = 128


@functools.lru_cache(maxsize=None)
def _build(n_rows: int, n_cols: int, vocab: int):
    rows_per_w = n_rows // NW
    assert rows_per_w * NW == n_rows and rows_per_w % NB == 0
    rest = n_cols - SPLIT
    assert 0 < rest <= SPLIT and SPLIT % 8 == 0

    mesh = plsc.VectorSubcoreMesh(core_axis_name="c", subcore_axis_name="s")

    scratch = (
        [pltpu.VMEM((rows_per_w, n_cols), jnp.int32)]
        + [pltpu.VMEM((n_cols, DIM), jnp.float32) for _ in range(2 * NB)]
        + [pltpu.SemaphoreType.DMA for _ in range(2 * NB)]
    )

    @functools.partial(
        pl.kernel,
        mesh=mesh,
        compiler_params=pltpu.CompilerParams(use_tc_tiling_on_sc=False),
        out_type=jax.ShapeDtypeStruct((n_rows, n_cols, DIM), jnp.float32),
        scratch_types=scratch,
    )
    def emb_kernel(tok_hbm, table_hbm, out_hbm, tok_v, *bufs):
        rows_in = bufs[:NB]
        rows_out = bufs[NB:2 * NB]
        in_sem = bufs[2 * NB:3 * NB]
        out_sem = bufs[3 * NB:]

        wid = lax.axis_index("s") * NC + lax.axis_index("c")
        wbase = wid * rows_per_w
        pltpu.sync_copy(tok_hbm.at[pl.ds(wbase, rows_per_w)], tok_v)

        def fire_gather(r, b):
            pltpu.async_copy(
                table_hbm.at[tok_v.at[r, pl.ds(0, SPLIT)]],
                rows_in[b].at[pl.ds(0, SPLIT)],
                in_sem[b],
            )
            pltpu.async_copy(
                table_hbm.at[tok_v.at[r, pl.ds(SPLIT, rest)]],
                rows_in[b].at[pl.ds(SPLIT, rest)],
                in_sem[b],
            )

        def wait_gather(r, b):
            pltpu.make_async_copy(
                table_hbm.at[tok_v.at[r, pl.ds(0, SPLIT)]],
                rows_in[b].at[pl.ds(0, SPLIT)],
                in_sem[b],
            ).wait()
            pltpu.make_async_copy(
                table_hbm.at[tok_v.at[r, pl.ds(SPLIT, rest)]],
                rows_in[b].at[pl.ds(SPLIT, rest)],
                in_sem[b],
            ).wait()

        for b in range(NB):
            fire_gather(b, b)

        @pl.loop(0, rows_per_w, step=NB)
        def row_group(g):
            for b in range(NB):
                r = g + b
                wait_gather(r, b)

                @pl.when(r >= NB)
                def _():
                    pltpu.make_async_copy(
                        rows_out[b], out_hbm.at[wbase], out_sem[b]
                    ).wait()

                src = rows_in[b]
                dst = rows_out[b]

                @plsc.parallel_loop(0, n_cols, unroll=8)
                def scale_row(t):
                    for c in range(DIM // LANES):
                        sl = pl.ds(c * LANES, LANES)
                        dst[t, sl] = src[t, sl] * SCALE

                pltpu.async_copy(dst, out_hbm.at[wbase + r], out_sem[b])

                @pl.when(r + NB < rows_per_w)
                def _():
                    fire_gather(r + NB, b)

        for b in range(NB):
            pltpu.make_async_copy(
                rows_out[b], out_hbm.at[wbase], out_sem[b]
            ).wait()

    return emb_kernel


NSPLIT = 2


def kernel(tokens, W):
    n_rows, n_cols = tokens.shape
    chunk = n_rows // NSPLIT
    f = _build(chunk, n_cols, W.shape[0])
    toks = tokens.astype(jnp.int32)
    parts = [f(lax.slice_in_dim(toks, k * chunk, (k + 1) * chunk), W)
             for k in range(NSPLIT)]
    return jnp.concatenate(parts, axis=0)

# --- scband reference (transcript-rebuilt; emitter-appended) ---
"""Pipeline reference for scband-token-embedding-56839597195717 (READ-ONLY COPY).

The authoritative reference and input builder live on the scoring server;
editing this copy changes nothing except your own understanding.
"""

import jax, jax.numpy as jnp
import numpy as np
import math

PAD_IDX = 0
VOCAB = 1000000
DIM = 64

def setup_inputs(seed: int = 0) -> dict:
    key = jax.random.key(seed)
    k1, k2 = jax.random.split(key)
    tokens = jax.random.randint(k1, (4096, 200), 0, VOCAB, dtype=jnp.int32)
    W = jax.random.normal(k2, (VOCAB, DIM), dtype=jnp.float32) * 0.02
    # nn.Embedding(padding_idx=PAD_IDX) initializes the padding row to zeros
    W = W.at[PAD_IDX].set(0.0)
    return {"tokens": tokens, "W": W}

def reference(tokens, W):
    # TokenEmbedding.forward: embedding lookup scaled by sqrt(embedding_dim)
    emb = jnp.take(W, tokens.astype(jnp.int32), axis=0)
    return emb * math.sqrt(DIM)

if __name__ == "__main__":
    import jax
    _d = setup_inputs()
    print(jax.jit(kernel)(*tuple(_d.values())))

</pallas_src>

<mosaic_0001>
#map = affine_map<(d0, d1) -> (0, 0)>
#map1 = affine_map<(d0, d1) -> (0, 0, 0)>
module attributes {stable_mosaic.version = 14 : i64} {
  func.func @emb_kernel(%arg0: i32, %arg1: i32, %arg2: memref<2048x200xi32, #tpu.memory_space<hbm>>, %arg3: memref<1000000x64xf32, #tpu.memory_space<hbm>>, %arg4: memref<2048x200x64xf32, #tpu.memory_space<hbm>>, %arg5: memref<64x200xi32, #tpu.memory_space<vmem>>, %arg6: memref<200x64xf32, #tpu.memory_space<vmem>>, %arg7: memref<200x64xf32, #tpu.memory_space<vmem>>, %arg8: memref<200x64xf32, #tpu.memory_space<vmem>>, %arg9: memref<200x64xf32, #tpu.memory_space<vmem>>, %arg10: memref<200x64xf32, #tpu.memory_space<vmem>>, %arg11: memref<200x64xf32, #tpu.memory_space<vmem>>, %arg12: memref<200x64xf32, #tpu.memory_space<vmem>>, %arg13: memref<200x64xf32, #tpu.memory_space<vmem>>, %arg14: memref<!tpu.dma_semaphore, #tpu.memory_space<semaphore_mem>>, %arg15: memref<!tpu.dma_semaphore, #tpu.memory_space<semaphore_mem>>, %arg16: memref<!tpu.dma_semaphore, #tpu.memory_space<semaphore_mem>>, %arg17: memref<!tpu.dma_semaphore, #tpu.memory_space<semaphore_mem>>, %arg18: memref<!tpu.dma_semaphore, #tpu.memory_space<semaphore_mem>>, %arg19: memref<!tpu.dma_semaphore, #tpu.memory_space<semaphore_mem>>, %arg20: memref<!tpu.dma_semaphore, #tpu.memory_space<semaphore_mem>>, %arg21: memref<!tpu.dma_semaphore, #tpu.memory_space<semaphore_mem>>) attributes {dimension_semantics = [#tpu.dimension_semantics<core_parallel>, #tpu.dimension_semantics<subcore_parallel>], iteration_bounds = array<i64: 2, 16>, scalar_prefetch = 0 : i64, scratch_operands = 17 : i64, tpu.core_type = #tpu.core_type<sc_vector_subcore>, window_params = [{transform_indices = #map}, {transform_indices = #map}, {transform_indices = #map1}]} {
    %mul3A = arith.constant 2 : i32
    %mul3A_0 = arith.muli %arg1, %mul3A : i32
    %add3A = arith.addi %mul3A_0, %arg0 : i32
    %mul3A_1 = arith.constant 64 : i32
    %mul3A_2 = arith.muli %add3A, %mul3A_1 : i32
    "tpu.region"() ({
      %run_scoped3A = tpu.sem_alloc : memref<!tpu.dma_semaphore, #tpu.memory_space<semaphore_mem>>
      %dma_start3A_117 = arith.constant 0 : i32
      %dma_start3A_118 = tpu.memref_slice %arg2[%mul3A_2, %dma_start3A_117] : memref<2048x200xi32, #tpu.memory_space<hbm>> -> memref<64x200xi32, #tpu.memory_space<hbm>>
      %dma_start3A_119 = arith.constant 0 : i32
      %dma_start3A_120 = tpu.memref_slice %arg2[%mul3A_2, %dma_start3A_119] : memref<2048x200xi32, #tpu.memory_space<hbm>> -> memref<64x200xi32, #tpu.memory_space<hbm>>
      tpu.enqueue_dma source(%dma_start3A_120 : memref<64x200xi32, #tpu.memory_space<hbm>>) target(%arg5 : memref<64x200xi32, #tpu.memory_space<vmem>>) target_semaphore(%run_scoped3A : memref<!tpu.dma_semaphore, #tpu.memory_space<semaphore_mem>>)
      %dma_wait3A_121 = arith.constant 0 : i32
      %dma_wait3A_122 = tpu.memref_slice %arg2[%mul3A_2, %dma_wait3A_121] : memref<2048x200xi32, #tpu.memory_space<hbm>> -> memref<64x200xi32, #tpu.memory_space<hbm>>
      %dma_wait3A_123 = arith.constant 0 : i32
      %dma_wait3A_124 = tpu.memref_slice %arg2[%mul3A_2, %dma_wait3A_123] : memref<2048x200xi32, #tpu.memory_space<hbm>> -> memref<64x200xi32, #tpu.memory_space<hbm>>
      tpu.wait_dma2 semaphore(%run_scoped3A : memref<!tpu.dma_semaphore, #tpu.memory_space<semaphore_mem>>) src(%dma_wait3A_124 : memref<64x200xi32, #tpu.memory_space<hbm>>) dst(%arg5 : memref<64x200xi32, #tpu.memory_space<vmem>>)
      tpu.yield
    }) : () -> ()
    %dma_start3A = arith.constant 0 : i32
    %dma_start3A_3 = arith.constant 0 : i32
    %dma_start3A_4 = arith.constant 0 : i32
    %dma_start3A_5 = tpu.memref_slice %arg6[%dma_start3A_3, %dma_start3A_4] : memref<200x64xf32, #tpu.memory_space<vmem>> -> memref<128x64xf32, #tpu.memory_space<vmem>>
    %dma_start3A_6 = arith.constant 0 : i32
    %dma_start3A_7 = tpu.memref_slice %arg5[%dma_start3A, %dma_start3A_6] : memref<64x200xi32, #tpu.memory_space<vmem>> -> memref<1x128xi32, #tpu.memory_space<vmem>>
    %dma_start3A_8 = tpu.memref_squeeze %dma_start3A_7 : memref<1x128xi32, #tpu.memory_space<vmem>> -> memref<128xi32, #tpu.memory_space<vmem>>
    %dma_start3A_9 = arith.constant 0 : i32
    %dma_start3A_10 = arith.constant 0 : i32
    %dma_start3A_11 = tpu.memref_slice %arg3[%dma_start3A_9, %dma_start3A_10] : memref<1000000x64xf32, #tpu.memory_space<hbm>> -> memref<1000000x64xf32, #tpu.memory_space<hbm>>
    tpu.enqueue_indirect_dma source(%dma_start3A_11 : memref<1000000x64xf32, #tpu.memory_space<hbm>>) target(%dma_start3A_5 : memref<128x64xf32, #tpu.memory_space<vmem>>) offsets(%dma_start3A_8 : memref<128xi32, #tpu.memory_space<vmem>>) semaphore(%arg14 : memref<!tpu.dma_semaphore, #tpu.memory_space<semaphore_mem>>)
    %dma_start3A_12 = arith.constant 0 : i32
    %dma_start3A_13 = arith.constant 128 : i32
    %dma_start3A_14 = arith.constant 0 : i32
    %dma_start3A_15 = tpu.memref_slice %arg6[%dma_start3A_13, %dma_start3A_14] : memref<200x64xf32, #tpu.memory_space<vmem>> -> memref<72x64xf32, #tpu.memory_space<vmem>>
    %dma_start3A_16 = arith.constant 128 : i32
    %dma_start3A_17 = tpu.memref_slice %arg5[%dma_start3A_12, %dma_start3A_16] : memref<64x200xi32, #tpu.memory_space<vmem>> -> memref<1x72xi32, #tpu.memory_space<vmem>>
    %dma_start3A_18 = tpu.memref_squeeze %dma_start3A_17 : memref<1x72xi32, #tpu.memory_space<vmem>> -> memref<72xi32, #tpu.memory_space<vmem>>
    %dma_start3A_19 = arith.constant 0 : i32
    %dma_start3A_20 = arith.constant 0 : i32
    %dma_start3A_21 = tpu.memref_slice %arg3[%dma_start3A_19, %dma_start3A_20] : memref<1000000x64xf32, #tpu.memory_space<hbm>> -> memref<1000000x64xf32, #tpu.memory_space<hbm>>
    tpu.enqueue_indirect_dma source(%dma_start3A_21 : memref<1000000x64xf32, #tpu.memory_space<hbm>>) target(%dma_start3A_15 : memref<72x64xf32, #tpu.memory_space<vmem>>) offsets(%dma_start3A_18 : memref<72xi32, #tpu.memory_space<vmem>>) semaphore(%arg14 : memref<!tpu.dma_semaphore, #tpu.memory_space<semaphore_mem>>)
    %dma_start3A_22 = arith.constant 1 : i32
    %dma_start3A_23 = arith.constant 0 : i32
    %dma_start3A_24 = arith.constant 0 : i32
    %dma_start3A_25 = tpu.memref_slice %arg7[%dma_start3A_23, %dma_start3A_24] : memref<200x64xf32, #tpu.memory_space<vmem>> -> memref<128x64xf32, #tpu.memory_space<vmem>>
    %dma_start3A_26 = arith.constant 0 : i32
    %dma_start3A_27 = tpu.memref_slice %arg5[%dma_start3A_22, %dma_start3A_26] : memref<64x200xi32, #tpu.memory_space<vmem>> -> memref<1x128xi32, #tpu.memory_space<vmem>>
    %dma_start3A_28 = tpu.memref_squeeze %dma_start3A_27 : memref<1x128xi32, #tpu.memory_space<vmem>> -> memref<128xi32, #tpu.memory_space<vmem>>
    %dma_start3A_29 = arith.constant 0 : i32
    %dma_start3A_30 = arith.constant 0 : i32
    %dma_start3A_31 = tpu.memref_slice %arg3[%dma_start3A_29, %dma_start3A_30] : memref<1000000x64xf32, #tpu.memory_space<hbm>> -> memref<1000000x64xf32, #tpu.memory_space<hbm>>
    tpu.enqueue_indirect_dma source(%dma_start3A_31 : memref<1000000x64xf32, #tpu.memory_space<hbm>>) target(%dma_start3A_25 : memref<128x64xf32, #tpu.memory_space<vmem>>) offsets(%dma_start3A_28 : memref<128xi32, #tpu.memory_space<vmem>>) semaphore(%arg15 : memref<!tpu.dma_semaphore, #tpu.memory_space<semaphore_mem>>)
    %dma_start3A_32 = arith.constant 1 : i32
    %dma_start3A_33 = arith.constant 128 : i32
    %dma_start3A_34 = arith.constant 0 : i32
    %dma_start3A_35 = tpu.memref_slice %arg7[%dma_start3A_33, %dma_start3A_34] : memref<200x64xf32, #tpu.memory_space<vmem>> -> memref<72x64xf32, #tpu.memory_space<vmem>>
    %dma_start3A_36 = arith.constant 128 : i32
    %dma_start3A_37 = tpu.memref_slice %arg5[%dma_start3A_32, %dma_start3A_36] : memref<64x200xi32, #tpu.memory_space<vmem>> -> memref<1x72xi32, #tpu.memory_space<vmem>>
    %dma_start3A_38 = tpu.memref_squeeze %dma_start3A_37 : memref<1x72xi32, #tpu.memory_space<vmem>> -> memref<72xi32, #tpu.memory_space<vmem>>
    %dma_start3A_39 = arith.constant 0 : i32
    %dma_start3A_40 = arith.constant 0 : i32
    %dma_start3A_41 = tpu.memref_slice %arg3[%dma_start3A_39, %dma_start3A_40] : memref<1000000x64xf32, #tpu.memory_space<hbm>> -> memref<1000000x64xf32, #tpu.memory_space<hbm>>
    tpu.enqueue_indirect_dma source(%dma_start3A_41 : memref<1000000x64xf32, #tpu.memory_space<hbm>>) target(%dma_start3A_35 : memref<72x64xf32, #tpu.memory_space<vmem>>) offsets(%dma_start3A_38 : memref<72xi32, #tpu.memory_space<vmem>>) semaphore(%arg15 : memref<!tpu.dma_semaphore, #tpu.memory_space<semaphore_mem>>)
    %dma_start3A_42 = arith.constant 2 : i32
    %dma_start3A_43 = arith.constant 0 : i32
    %dma_start3A_44 = arith.constant 0 : i32
    %dma_start3A_45 = tpu.memref_slice %arg8[%dma_start3A_43, %dma_start3A_44] : memref<200x64xf32, #tpu.memory_space<vmem>> -> memref<128x64xf32, #tpu.memory_space<vmem>>
    %dma_start3A_46 = arith.constant 0 : i32
    %dma_start3A_47 = tpu.memref_slice %arg5[%dma_start3A_42, %dma_start3A_46] : memref<64x200xi32, #tpu.memory_space<vmem>> -> memref<1x128xi32, #tpu.memory_space<vmem>>
    %dma_start3A_48 = tpu.memref_squeeze %dma_start3A_47 : memref<1x128xi32, #tpu.memory_space<vmem>> -> memref<128xi32, #tpu.memory_space<vmem>>
    %dma_start3A_49 = arith.constant 0 : i32
    %dma_start3A_50 = arith.constant 0 : i32
    %dma_start3A_51 = tpu.memref_slice %arg3[%dma_start3A_49, %dma_start3A_50] : memref<1000000x64xf32, #tpu.memory_space<hbm>> -> memref<1000000x64xf32, #tpu.memory_space<hbm>>
    tpu.enqueue_indirect_dma source(%dma_start3A_51 : memref<1000000x64xf32, #tpu.memory_space<hbm>>) target(%dma_start3A_45 : memref<128x64xf32, #tpu.memory_space<vmem>>) offsets(%dma_start3A_48 : memref<128xi32, #tpu.memory_space<vmem>>) semaphore(%arg16 : memref<!tpu.dma_semaphore, #tpu.memory_space<semaphore_mem>>)
    %dma_start3A_52 = arith.constant 2 : i32
    %dma_start3A_53 = arith.constant 128 : i32
    %dma_start3A_54 = arith.constant 0 : i32
    %dma_start3A_55 = tpu.memref_slice %arg8[%dma_start3A_53, %dma_start3A_54] : memref<200x64xf32, #tpu.memory_space<vmem>> -> memref<72x64xf32, #tpu.memory_space<vmem>>
    %dma_start3A_56 = arith.constant 128 : i32
    %dma_start3A_57 = tpu.memref_slice %arg5[%dma_start3A_52, %dma_start3A_56] : memref<64x200xi32, #tpu.memory_space<vmem>> -> memref<1x72xi32, #tpu.memory_space<vmem>>
    %dma_start3A_58 = tpu.memref_squeeze %dma_start3A_57 : memref<1x72xi32, #tpu.memory_space<vmem>> -> memref<72xi32, #tpu.memory_space<vmem>>
    %dma_start3A_59 = arith.constant 0 : i32
    %dma_start3A_60 = arith.constant 0 : i32
    %dma_start3A_61 = tpu.memref_slice %arg3[%dma_start3A_59, %dma_start3A_60] : memref<1000000x64xf32, #tpu.memory_space<hbm>> -> memref<1000000x64xf32, #tpu.memory_space<hbm>>
    tpu.enqueue_indirect_dma source(%dma_start3A_61 : memref<1000000x64xf32, #tpu.memory_space<hbm>>) target(%dma_start3A_55 : memref<72x64xf32, #tpu.memory_space<vmem>>) offsets(%dma_start3A_58 : memref<72xi32, #tpu.memory_space<vmem>>) semaphore(%arg16 : memref<!tpu.dma_semaphore, #tpu.memory_space<semaphore_mem>>)
    %dma_start3A_62 = arith.constant 3 : i32
    %dma_start3A_63 = arith.constant 0 : i32
    %dma_start3A_64 = arith.constant 0 : i32
    %dma_start3A_65 = tpu.memref_slice %arg9[%dma_start3A_63, %dma_start3A_64] : memref<200x64xf32, #tpu.memory_space<vmem>> -> memref<128x64xf32, #tpu.memory_space<vmem>>
    %dma_start3A_66 = arith.constant 0 : i32
    %dma_start3A_67 = tpu.memref_slice %arg5[%dma_start3A_62, %dma_start3A_66] : memref<64x200xi32, #tpu.memory_space<vmem>> -> memref<1x128xi32, #tpu.memory_space<vmem>>
    %dma_start3A_68 = tpu.memref_squeeze %dma_start3A_67 : memref<1x128xi32, #tpu.memory_space<vmem>> -> memref<128xi32, #tpu.memory_space<vmem>>
    %dma_start3A_69 = arith.constant 0 : i32
    %dma_start3A_70 = arith.constant 0 : i32
    %dma_start3A_71 = tpu.memref_slice %arg3[%dma_start3A_69, %dma_start3A_70] : memref<1000000x64xf32, #tpu.memory_space<hbm>> -> memref<1000000x64xf32, #tpu.memory_space<hbm>>
    tpu.enqueue_indirect_dma source(%dma_start3A_71 : memref<1000000x64xf32, #tpu.memory_space<hbm>>) target(%dma_start3A_65 : memref<128x64xf32, #tpu.memory_space<vmem>>) offsets(%dma_start3A_68 : memref<128xi32, #tpu.memory_space<vmem>>) semaphore(%arg17 : memref<!tpu.dma_semaphore, #tpu.memory_space<semaphore_mem>>)
    %dma_start3A_72 = arith.constant 3 : i32
    %dma_start3A_73 = arith.constant 128 : i32
    %dma_start3A_74 = arith.constant 0 : i32
    %dma_start3A_75 = tpu.memref_slice %arg9[%dma_start3A_73, %dma_start3A_74] : memref<200x64xf32, #tpu.memory_space<vmem>> -> memref<72x64xf32, #tpu.memory_space<vmem>>
    %dma_start3A_76 = arith.constant 128 : i32
    %dma_start3A_77 = tpu.memref_slice %arg5[%dma_start3A_72, %dma_start3A_76] : memref<64x200xi32, #tpu.memory_space<vmem>> -> memref<1x72xi32, #tpu.memory_space<vmem>>
    %dma_start3A_78 = tpu.memref_squeeze %dma_start3A_77 : memref<1x72xi32, #tpu.memory_space<vmem>> -> memref<72xi32, #tpu.memory_space<vmem>>
    %dma_start3A_79 = arith.constant 0 : i32
    %dma_start3A_80 = arith.constant 0 : i32
    %dma_start3A_81 = tpu.memref_slice %arg3[%dma_start3A_79, %dma_start3A_80] : memref<1000000x64xf32, #tpu.memory_space<hbm>> -> memref<1000000x64xf32, #tpu.memory_space<hbm>>
    tpu.enqueue_indirect_dma source(%dma_start3A_81 : memref<1000000x64xf32, #tpu.memory_space<hbm>>) target(%dma_start3A_75 : memref<72x64xf32, #tpu.memory_space<vmem>>) offsets(%dma_start3A_78 : memref<72xi32, #tpu.memory_space<vmem>>) semaphore(%arg17 : memref<!tpu.dma_semaphore, #tpu.memory_space<semaphore_mem>>)
    %scan3A = arith.constant 0 : i32
    %scan3A_82 = arith.constant 16 : i32
    %scan3A_83 = arith.addi %scan3A, %scan3A_82 : i32
    %scan3A_84 = arith.constant 1 : i32
    scf.for %scan3A_117 = %scan3A to %scan3A_83 step %scan3A_84  : i32 {
      %mul3A_118 = arith.constant 4 : i32
      %mul3A_119 = arith.muli %scan3A_117, %mul3A_118 : i32
      %add3A_120 = arith.constant 0 : i32
      %add3A_121 = arith.addi %add3A_120, %mul3A_119 : i32
      %add3A_122 = arith.constant 0 : i32
      %add3A_123 = arith.addi %add3A_121, %add3A_122 : i32
      %dma_wait3A_124 = arith.constant 0 : i32
      %dma_wait3A_125 = arith.constant 0 : i32
      %dma_wait3A_126 = tpu.memref_slice %arg6[%dma_wait3A_124, %dma_wait3A_125] : memref<200x64xf32, #tpu.memory_space<vmem>> -> memref<128x64xf32, #tpu.memory_space<vmem>>
      %dma_wait3A_127 = arith.constant 0 : i32
      %dma_wait3A_128 = tpu.memref_slice %arg5[%add3A_123, %dma_wait3A_127] : memref<64x200xi32, #tpu.memory_space<vmem>> -> memref<1x128xi32, #tpu.memory_space<vmem>>
      %dma_wait3A_129 = tpu.memref_squeeze %dma_wait3A_128 : memref<1x128xi32, #tpu.memory_space<vmem>> -> memref<128xi32, #tpu.memory_space<vmem>>
      %dma_wait3A_130 = arith.constant 0 : i32
      %dma_wait3A_131 = arith.constant 0 : i32
      %dma_wait3A_132 = tpu.memref_slice %arg3[%dma_wait3A_130, %dma_wait3A_131] : memref<1000000x64xf32, #tpu.memory_space<hbm>> -> memref<1000000x64xf32, #tpu.memory_space<hbm>>
      tpu.wait_indirect_dma semaphore(%arg14 : memref<!tpu.dma_semaphore, #tpu.memory_space<semaphore_mem>>) src(%dma_wait3A_132 : memref<1000000x64xf32, #tpu.memory_space<hbm>>) dst(%dma_wait3A_126 : memref<128x64xf32, #tpu.memory_space<vmem>>)
      %dma_wait3A_133 = arith.constant 128 : i32
      %dma_wait3A_134 = arith.constant 0 : i32
      %dma_wait3A_135 = tpu.memref_slice %arg6[%dma_wait3A_133, %dma_wait3A_134] : memref<200x64xf32, #tpu.memory_space<vmem>> -> memref<72x64xf32, #tpu.memory_space<vmem>>
      %dma_wait3A_136 = arith.constant 128 : i32
      %dma_wait3A_137 = tpu.memref_slice %arg5[%add3A_123, %dma_wait3A_136] : memref<64x200xi32, #tpu.memory_space<vmem>> -> memref<1x72xi32, #tpu.memory_space<vmem>>
      %dma_wait3A_138 = tpu.memref_squeeze %dma_wait3A_137 : memref<1x72xi32, #tpu.memory_space<vmem>> -> memref<72xi32, #tpu.memory_space<vmem>>
      %dma_wait3A_139 = arith.constant 0 : i32
      %dma_wait3A_140 = arith.constant 0 : i32
      %dma_wait3A_141 = tpu.memref_slice %arg3[%dma_wait3A_139, %dma_wait3A_140] : memref<1000000x64xf32, #tpu.memory_space<hbm>> -> memref<1000000x64xf32, #tpu.memory_space<hbm>>
      tpu.wait_indirect_dma semaphore(%arg14 : memref<!tpu.dma_semaphore, #tpu.memory_space<semaphore_mem>>) src(%dma_wait3A_141 : memref<1000000x64xf32, #tpu.memory_space<hbm>>) dst(%dma_wait3A_135 : memref<72x64xf32, #tpu.memory_space<vmem>>)
      %ge3A = arith.constant 4 : i32
      %ge3A_142 = arith.cmpi sge, %add3A_123, %ge3A : i32
      %convert_element_type3A = arith.extui %ge3A_142 : i1 to i32
      %cond3A = arith.constant 0 : i32
      %cond3A_143 = arith.cmpi ne, %convert_element_type3A, %cond3A : i32
      scf.if %cond3A_143 {
        %dma_wait3A_293 = arith.constant 0 : i32
        %dma_wait3A_294 = arith.constant 0 : i32
        %dma_wait3A_295 = tpu.memref_slice %arg4[%mul3A_2, %dma_wait3A_293, %dma_wait3A_294] : memref<2048x200x64xf32, #tpu.memory_space<hbm>> -> memref<1x200x64xf32, #tpu.memory_space<hbm>>
        %dma_wait3A_296 = tpu.memref_squeeze %dma_wait3A_295 : memref<1x200x64xf32, #tpu.memory_space<hbm>> -> memref<200x64xf32, #tpu.memory_space<hbm>>
        %dma_wait3A_297 = arith.constant 0 : i32
        %dma_wait3A_298 = arith.constant 0 : i32
        %dma_wait3A_299 = tpu.memref_slice %arg4[%mul3A_2, %dma_wait3A_297, %dma_wait3A_298] : memref<2048x200x64xf32, #tpu.memory_space<hbm>> -> memref<1x200x64xf32, #tpu.memory_space<hbm>>
        %dma_wait3A_300 = tpu.memref_squeeze %dma_wait3A_299 : memref<1x200x64xf32, #tpu.memory_space<hbm>> -> memref<200x64xf32, #tpu.memory_space<hbm>>
        tpu.wait_dma2 semaphore(%arg18 : memref<!tpu.dma_semaphore, #tpu.memory_space<semaphore_mem>>) src(%arg10 : memref<200x64xf32, #tpu.memory_space<vmem>>) dst(%dma_wait3A_300 : memref<200x64xf32, #tpu.memory_space<hbm>>)
      } else {
      }
      %parallel_loop3A = arith.constant 0 : i32
      %parallel_loop3A_144 = arith.constant 200 : i32
      %parallel_loop3A_145 = arith.constant 1 : i32
      scf.for %parallel_loop3A_293 = %parallel_loop3A to %parallel_loop3A_144 step %parallel_loop3A_145  : i32 {
        %parallel_loop3A_294 = arith.index_cast %parallel_loop3A_293 : i32 to index
        %parallel_loop3A_295 = arith.constant 0 : index
        %parallel_loop3A_296 = tpu.vector_load %arg6[%parallel_loop3A_294, %parallel_loop3A_295] {strides = array<i32>} : memref<200x64xf32, #tpu.memory_space<vmem>>, vector<1x16xf32>,
        %parallel_loop3A_297 = vector.shape_cast %parallel_loop3A_296 : vector<1x16xf32> to vector<16xf32>
        %parallel_loop3A_298 = arith.constant 8.000000e+00 : f32
        %parallel_loop3A_299 = vector.broadcast %parallel_loop3A_298 : f32 to vector<16xf32>
        %parallel_loop3A_300 = arith.mulf %parallel_loop3A_297, %parallel_loop3A_299 : vector<16xf32>
        %parallel_loop3A_301 = arith.index_cast %parallel_loop3A_293 : i32 to index
        %parallel_loop3A_302 = arith.constant 0 : index
        %parallel_loop3A_303 = tpu.vector_load %arg10[%parallel_loop3A_301, %parallel_loop3A_302] {strides = array<i32>} : memref<200x64xf32, #tpu.memory_space<vmem>>, vector<1x16xf32>,
        %parallel_loop3A_304 = vector.shape_cast %parallel_loop3A_303 : vector<1x16xf32> to vector<16xf32>
        %parallel_loop3A_305 = vector.shape_cast %parallel_loop3A_300 : vector<16xf32> to vector<1x16xf32>
        tpu.vector_store %arg10[%parallel_loop3A_301, %parallel_loop3A_302], %parallel_loop3A_305 {strides = array<i32>} : memref<200x64xf32, #tpu.memory_space<vmem>>, vector<1x16xf32>,
        %parallel_loop3A_306 = arith.index_cast %parallel_loop3A_293 : i32 to index
        %parallel_loop3A_307 = arith.constant 16 : index
        %parallel_loop3A_308 = tpu.vector_load %arg6[%parallel_loop3A_306, %parallel_loop3A_307] {strides = array<i32>} : memref<200x64xf32, #tpu.memory_space<vmem>>, vector<1x16xf32>,
        %parallel_loop3A_309 = vector.shape_cast %parallel_loop3A_308 : vector<1x16xf32> to vector<16xf32>
        %parallel_loop3A_310 = arith.constant 8.000000e+00 : f32
        %parallel_loop3A_311 = vector.broadcast %parallel_loop3A_310 : f32 to vector<16xf32>
        %parallel_loop3A_312 = arith.mulf %parallel_loop3A_309, %parallel_loop3A_311 : vector<16xf32>
        %parallel_loop3A_313 = arith.index_cast %parallel_loop3A_293 : i32 to index
        %parallel_loop3A_314 = arith.constant 16 : index
        %parallel_loop3A_315 = tpu.vector_load %arg10[%parallel_loop3A_313, %parallel_loop3A_314] {strides = array<i32>} : memref<200x64xf32, #tpu.memory_space<vmem>>, vector<1x16xf32>,
        %parallel_loop3A_316 = vector.shape_cast %parallel_loop3A_315 : vector<1x16xf32> to vector<16xf32>
        %parallel_loop3A_317 = vector.shape_cast %parallel_loop3A_312 : vector<16xf32> to vector<1x16xf32>
        tpu.vector_store %arg10[%parallel_loop3A_313, %parallel_loop3A_314], %parallel_loop3A_317 {strides = array<i32>} : memref<200x64xf32, #tpu.memory_space<vmem>>, vector<1x16xf32>,
        %parallel_loop3A_318 = arith.index_cast %parallel_loop3A_293 : i32 to index
        %parallel_loop3A_319 = arith.constant 32 : index
        %parallel_loop3A_320 = tpu.vector_load %arg6[%parallel_loop3A_318, %parallel_loop3A_319] {strides = array<i32>} : memref<200x64xf32, #tpu.memory_space<vmem>>, vector<1x16xf32>,
        %parallel_loop3A_321 = vector.shape_cast %parallel_loop3A_320 : vector<1x16xf32> to vector<16xf32>
        %parallel_loop3A_322 = arith.constant 8.000000e+00 : f32
        %parallel_loop3A_323 = vector.broadcast %parallel_loop3A_322 : f32 to vector<16xf32>
        %parallel_loop3A_324 = arith.mulf %parallel_loop3A_321, %parallel_loop3A_323 : vector<16xf32>
        %parallel_loop3A_325 = arith.index_cast %parallel_loop3A_293 : i32 to index
        %parallel_loop3A_326 = arith.constant 32 : index
        %parallel_loop3A_327 = tpu.vector_load %arg10[%parallel_loop3A_325, %parallel_loop3A_326] {strides = array<i32>} : memref<200x64xf32, #tpu.memory_space<vmem>>, vector<1x16xf32>,
        %parallel_loop3A_328 = vector.shape_cast %parallel_loop3A_327 : vector<1x16xf32> to vector<16xf32>
        %parallel_loop3A_329 = vector.shape_cast %parallel_loop3A_324 : vector<16xf32> to vector<1x16xf32>
        tpu.vector_store %arg10[%parallel_loop3A_325, %parallel_loop3A_326], %parallel_loop3A_329 {strides = array<i32>} : memref<200x64xf32, #tpu.memory_space<vmem>>, vector<1x16xf32>,
        %parallel_loop3A_330 = arith.index_cast %parallel_loop3A_293 : i32 to index
        %parallel_loop3A_331 = arith.constant 48 : index
        %parallel_loop3A_332 = tpu.vector_load %arg6[%parallel_loop3A_330, %parallel_loop3A_331] {strides = array<i32>} : memref<200x64xf32, #tpu.memory_space<vmem>>, vector<1x16xf32>,
        %parallel_loop3A_333 = vector.shape_cast %parallel_loop3A_332 : vector<1x16xf32> to vector<16xf32>
        %parallel_loop3A_334 = arith.constant 8.000000e+00 : f32
        %parallel_loop3A_335 = vector.broadcast %parallel_loop3A_334 : f32 to vector<16xf32>
        %parallel_loop3A_336 = arith.mulf %parallel_loop3A_333, %parallel_loop3A_335 : vector<16xf32>
        %parallel_loop3A_337 = arith.index_cast %parallel_loop3A_293 : i32 to index
        %parallel_loop3A_338 = arith.constant 48 : index
        %parallel_loop3A_339 = tpu.vector_load %arg10[%parallel_loop3A_337, %parallel_loop3A_338] {strides = array<i32>} : memref<200x64xf32, #tpu.memory_space<vmem>>, vector<1x16xf32>,
        %parallel_loop3A_340 = vector.shape_cast %parallel_loop3A_339 : vector<1x16xf32> to vector<16xf32>
        %parallel_loop3A_341 = vector.shape_cast %parallel_loop3A_336 : vector<16xf32> to vector<1x16xf32>
        tpu.vector_store %arg10[%parallel_loop3A_337, %parallel_loop3A_338], %parallel_loop3A_341 {strides = array<i32>} : memref<200x64xf32, #tpu.memory_space<vmem>>, vector<1x16xf32>,
      } {sc.loop_unroll_factor = 8 : i64, sc.parallel_access}
      %add3A_146 = arith.addi %mul3A_2, %add3A_123 : i32
      %dma_start3A_147 = arith.constant 0 : i32
      %dma_start3A_148 = arith.constant 0 : i32
      %dma_start3A_149 = tpu.memref_slice %arg4[%add3A_146, %dma_start3A_147, %dma_start3A_148] : memref<2048x200x64xf32, #tpu.memory_space<hbm>> -> memref<1x200x64xf32, #tpu.memory_space<hbm>>
      %dma_start3A_150 = tpu.memref_squeeze %dma_start3A_149 : memref<1x200x64xf32, #tpu.memory_space<hbm>> -> memref<200x64xf32, #tpu.memory_space<hbm>>
      %dma_start3A_151 = arith.constant 0 : i32
      %dma_start3A_152 = arith.constant 0 : i32
      %dma_start3A_153 = tpu.memref_slice %arg4[%add3A_146, %dma_start3A_151, %dma_start3A_152] : memref<2048x200x64xf32, #tpu.memory_space<hbm>> -> memref<1x200x64xf32, #tpu.memory_space<hbm>>
      %dma_start3A_154 = tpu.memref_squeeze %dma_start3A_153 : memref<1x200x64xf32, #tpu.memory_space<hbm>> -> memref<200x64xf32, #tpu.memory_space<hbm>>
      tpu.enqueue_dma source(%arg10 : memref<200x64xf32, #tpu.memory_space<vmem>>) target(%dma_start3A_154 : memref<200x64xf32, #tpu.memory_space<hbm>>) target_semaphore(%arg18 : memref<!tpu.dma_semaphore, #tpu.memory_space<semaphore_mem>>)
      %add3A_155 = arith.constant 4 : i32
      %add3A_156 = arith.addi %add3A_123, %add3A_155 : i32
      %lt3A = arith.constant 64 : i32
      %lt3A_157 = arith.cmpi slt, %add3A_156, %lt3A : i32
      %convert_element_type3A_158 = arith.extui %lt3A_157 : i1 to i32
      %cond3A_159 = arith.constant 0 : i32
      %cond3A_160 = arith.cmpi ne, %convert_element_type3A_158, %cond3A_159 : i32
      scf.if %cond3A_160 {
        %add3A_293 = arith.constant 4 : i32
        %add3A_294 = arith.addi %add3A_123, %add3A_293 : i32
        %dma_start3A_295 = arith.constant 0 : i32
        %dma_start3A_296 = arith.constant 0 : i32
        %dma_start3A_297 = tpu.memref_slice %arg6[%dma_start3A_295, %dma_start3A_296] : memref<200x64xf32, #tpu.memory_space<vmem>> -> memref<128x64xf32, #tpu.memory_space<vmem>>
        %dma_start3A_298 = arith.constant 0 : i32
        %dma_start3A_299 = tpu.memref_slice %arg5[%add3A_294, %dma_start3A_298] : memref<64x200xi32, #tpu.memory_space<vmem>> -> memref<1x128xi32, #tpu.memory_space<vmem>>
        %dma_start3A_300 = tpu.memref_squeeze %dma_start3A_299 : memref<1x128xi32, #tpu.memory_space<vmem>> -> memref<128xi32, #tpu.memory_space<vmem>>
        %dma_start3A_301 = arith.constant 0 : i32
        %dma_start3A_302 = arith.constant 0 : i32
        %dma_start3A_303 = tpu.memref_slice %arg3[%dma_start3A_301, %dma_start3A_302] : memref<1000000x64xf32, #tpu.memory_space<hbm>> -> memref<1000000x64xf32, #tpu.memory_space<hbm>>
        tpu.enqueue_indirect_dma source(%dma_start3A_303 : memref<1000000x64xf32, #tpu.memory_space<hbm>>) target(%dma_start3A_297 : memref<128x64xf32, #tpu.memory_space<vmem>>) offsets(%dma_start3A_300 : memref<128xi32, #tpu.memory_space<vmem>>) semaphore(%arg14 : memref<!tpu.dma_semaphore, #tpu.memory_space<semaphore_mem>>)
        %dma_start3A_304 = arith.constant 128 : i32
        %dma_start3A_305 = arith.constant 0 : i32
        %dma_start3A_306 = tpu.memref_slice %arg6[%dma_start3A_304, %dma_start3A_305] : memref<200x64xf32, #tpu.memory_space<vmem>> -> memref<72x64xf32, #tpu.memory_space<vmem>>
        %dma_start3A_307 = arith.constant 128 : i32
        %dma_start3A_308 = tpu.memref_slice %arg5[%add3A_294, %dma_start3A_307] : memref<64x200xi32, #tpu.memory_space<vmem>> -> memref<1x72xi32, #tpu.memory_space<vmem>>
        %dma_start3A_309 = tpu.memref_squeeze %dma_start3A_308 : memref<1x72xi32, #tpu.memory_space<vmem>> -> memref<72xi32, #tpu.memory_space<vmem>>
        %dma_start3A_310 = arith.constant 0 : i32
        %dma_start3A_311 = arith.constant 0 : i32
        %dma_start3A_312 = tpu.memref_slice %arg3[%dma_start3A_310, %dma_start3A_311] : memref<1000000x64xf32, #tpu.memory_space<hbm>> -> memref<1000000x64xf32, #tpu.memory_space<hbm>>
        tpu.enqueue_indirect_dma source(%dma_start3A_312 : memref<1000000x64xf32, #tpu.memory_space<hbm>>) target(%dma_start3A_306 : memref<72x64xf32, #tpu.memory_space<vmem>>) offsets(%dma_start3A_309 : memref<72xi32, #tpu.memory_space<vmem>>) semaphore(%arg14 : memref<!tpu.dma_semaphore, #tpu.memory_space<semaphore_mem>>)
      } else {
      }
      %add3A_161 = arith.constant 1 : i32
      %add3A_162 = arith.addi %add3A_121, %add3A_161 : i32
      %dma_wait3A_163 = arith.constant 0 : i32
      %dma_wait3A_164 = arith.constant 0 : i32
      %dma_wait3A_165 = tpu.memref_slice %arg7[%dma_wait3A_163, %dma_wait3A_164] : memref<200x64xf32, #tpu.memory_space<vmem>> -> memref<128x64xf32, #tpu.memory_space<vmem>>
      %dma_wait3A_166 = arith.constant 0 : i32
      %dma_wait3A_167 = tpu.memref_slice %arg5[%add3A_162, %dma_wait3A_166] : memref<64x200xi32, #tpu.memory_space<vmem>> -> memref<1x128xi32, #tpu.memory_space<vmem>>
      %dma_wait3A_168 = tpu.memref_squeeze %dma_wait3A_167 : memref<1x128xi32, #tpu.memory_space<vmem>> -> memref<128xi32, #tpu.memory_space<vmem>>
      %dma_wait3A_169 = arith.constant 0 : i32
      %dma_wait3A_170 = arith.constant 0 : i32
      %dma_wait3A_171 = tpu.memref_slice %arg3[%dma_wait3A_169, %dma_wait3A_170] : memref<1000000x64xf32, #tpu.memory_space<hbm>> -> memref<1000000x64xf32, #tpu.memory_space<hbm>>
      tpu.wait_indirect_dma semaphore(%arg15 : memref<!tpu.dma_semaphore, #tpu.memory_space<semaphore_mem>>) src(%dma_wait3A_171 : memref<1000000x64xf32, #tpu.memory_space<hbm>>) dst(%dma_wait3A_165 : memref<128x64xf32, #tpu.memory_space<vmem>>)
      %dma_wait3A_172 = arith.constant 128 : i32
      %dma_wait3A_173 = arith.constant 0 : i32
      %dma_wait3A_174 = tpu.memref_slice %arg7[%dma_wait3A_172, %dma_wait3A_173] : memref<200x64xf32, #tpu.memory_space<vmem>> -> memref<72x64xf32, #tpu.memory_space<vmem>>
      %dma_wait3A_175 = arith.constant 128 : i32
      %dma_wait3A_176 = tpu.memref_slice %arg5[%add3A_162, %dma_wait3A_175] : memref<64x200xi32, #tpu.memory_space<vmem>> -> memref<1x72xi32, #tpu.memory_space<vmem>>
      %dma_wait3A_177 = tpu.memref_squeeze %dma_wait3A_176 : memref<1x72xi32, #tpu.memory_space<vmem>> -> memref<72xi32, #tpu.memory_space<vmem>>
      %dma_wait3A_178 = arith.constant 0 : i32
      %dma_wait3A_179 = arith.constant 0 : i32
      %dma_wait3A_180 = tpu.memref_slice %arg3[%dma_wait3A_178, %dma_wait3A_179] : memref<1000000x64xf32, #tpu.memory_space<hbm>> -> memref<1000000x64xf32, #tpu.memory_space<hbm>>
      tpu.wait_indirect_dma semaphore(%arg15 : memref<!tpu.dma_semaphore, #tpu.memory_space<semaphore_mem>>) src(%dma_wait3A_180 : memref<1000000x64xf32, #tpu.memory_space<hbm>>) dst(%dma_wait3A_174 : memref<72x64xf32, #tpu.memory_space<vmem>>)
      %ge3A_181 = arith.constant 4 : i32
      %ge3A_182 = arith.cmpi sge, %add3A_162, %ge3A_181 : i32
      %convert_element_type3A_183 = arith.extui %ge3A_182 : i1 to i32
      %cond3A_184 = arith.constant 0 : i32
      %cond3A_185 = arith.cmpi ne, %convert_element_type3A_183, %cond3A_184 : i32
      scf.if %cond3A_185 {
        %dma_wait3A_293 = arith.constant 0 : i32
        %dma_wait3A_294 = arith.constant 0 : i32
        %dma_wait3A_295 = tpu.memref_slice %arg4[%mul3A_2, %dma_wait3A_293, %dma_wait3A_294] : memref<2048x200x64xf32, #tpu.memory_space<hbm>> -> memref<1x200x64xf32, #tpu.memory_space<hbm>>
        %dma_wait3A_296 = tpu.memref_squeeze %dma_wait3A_295 : memref<1x200x64xf32, #tpu.memory_space<hbm>> -> memref<200x64xf32, #tpu.memory_space<hbm>>
        %dma_wait3A_297 = arith.constant 0 : i32
        %dma_wait3A_298 = arith.constant 0 : i32
        %dma_wait3A_299 = tpu.memref_slice %arg4[%mul3A_2, %dma_wait3A_297, %dma_wait3A_298] : memref<2048x200x64xf32, #tpu.memory_space<hbm>> -> memref<1x200x64xf32, #tpu.memory_space<hbm>>
        %dma_wait3A_300 = tpu.memref_squeeze %dma_wait3A_299 : memref<1x200x64xf32, #tpu.memory_space<hbm>> -> memref<200x64xf32, #tpu.memory_space<hbm>>
        tpu.wait_dma2 semaphore(%arg19 : memref<!tpu.dma_semaphore, #tpu.memory_space<semaphore_mem>>) src(%arg11 : memref<200x64xf32, #tpu.memory_space<vmem>>) dst(%dma_wait3A_300 : memref<200x64xf32, #tpu.memory_space<hbm>>)
      } else {
      }
      %parallel_loop3A_186 = arith.constant 0 : i32
      %parallel_loop3A_187 = arith.constant 200 : i32
      %parallel_loop3A_188 = arith.constant 1 : i32
      scf.for %parallel_loop3A_293 = %parallel_loop3A_186 to %parallel_loop3A_187 step %parallel_loop3A_188  : i32 {
        %parallel_loop3A_294 = arith.index_cast %parallel_loop3A_293 : i32 to index
        %parallel_loop3A_295 = arith.constant 0 : index
        %parallel_loop3A_296 = tpu.vector_load %arg7[%parallel_loop3A_294, %parallel_loop3A_295] {strides = array<i32>} : memref<200x64xf32, #tpu.memory_space<vmem>>, vector<1x16xf32>,
        %parallel_loop3A_297 = vector.shape_cast %parallel_loop3A_296 : vector<1x16xf32> to vector<16xf32>
        %parallel_loop3A_298 = arith.constant 8.000000e+00 : f32
        %parallel_loop3A_299 = vector.broadcast %parallel_loop3A_298 : f32 to vector<16xf32>
        %parallel_loop3A_300 = arith.mulf %parallel_loop3A_297, %parallel_loop3A_299 : vector<16xf32>
        %parallel_loop3A_301 = arith.index_cast %parallel_loop3A_293 : i32 to index
        %parallel_loop3A_302 = arith.constant 0 : index
        %parallel_loop3A_303 = tpu.vector_load %arg11[%parallel_loop3A_301, %parallel_loop3A_302] {strides = array<i32>} : memref<200x64xf32, #tpu.memory_space<vmem>>, vector<1x16xf32>,
        %parallel_loop3A_304 = vector.shape_cast %parallel_loop3A_303 : vector<1x16xf32> to vector<16xf32>
        %parallel_loop3A_305 = vector.shape_cast %parallel_loop3A_300 : vector<16xf32> to vector<1x16xf32>
        tpu.vector_store %arg11[%parallel_loop3A_301, %parallel_loop3A_302], %parallel_loop3A_305 {strides = array<i32>} : memref<200x64xf32, #tpu.memory_space<vmem>>, vector<1x16xf32>,
        %parallel_loop3A_306 = arith.index_cast %parallel_loop3A_293 : i32 to index
        %parallel_loop3A_307 = arith.constant 16 : index
        %parallel_loop3A_308 = tpu.vector_load %arg7[%parallel_loop3A_306, %parallel_loop3A_307] {strides = array<i32>} : memref<200x64xf32, #tpu.memory_space<vmem>>, vector<1x16xf32>,
        %parallel_loop3A_309 = vector.shape_cast %parallel_loop3A_308 : vector<1x16xf32> to vector<16xf32>
        %parallel_loop3A_310 = arith.constant 8.000000e+00 : f32
        %parallel_loop3A_311 = vector.broadcast %parallel_loop3A_310 : f32 to vector<16xf32>
        %parallel_loop3A_312 = arith.mulf %parallel_loop3A_309, %parallel_loop3A_311 : vector<16xf32>
        %parallel_loop3A_313 = arith.index_cast %parallel_loop3A_293 : i32 to index
        %parallel_loop3A_314 = arith.constant 16 : index
        %parallel_loop3A_315 = tpu.vector_load %arg11[%parallel_loop3A_313, %parallel_loop3A_314] {strides = array<i32>} : memref<200x64xf32, #tpu.memory_space<vmem>>, vector<1x16xf32>,
        %parallel_loop3A_316 = vector.shape_cast %parallel_loop3A_315 : vector<1x16xf32> to vector<16xf32>
        %parallel_loop3A_317 = vector.shape_cast %parallel_loop3A_312 : vector<16xf32> to vector<1x16xf32>
        tpu.vector_store %arg11[%parallel_loop3A_313, %parallel_loop3A_314], %parallel_loop3A_317 {strides = array<i32>} : memref<200x64xf32, #tpu.memory_space<vmem>>, vector<1x16xf32>,
        %parallel_loop3A_318 = arith.index_cast %parallel_loop3A_293 : i32 to index
        %parallel_loop3A_319 = arith.constant 32 : index
        %parallel_loop3A_320 = tpu.vector_load %arg7[%parallel_loop3A_318, %parallel_loop3A_319] {strides = array<i32>} : memref<200x64xf32, #tpu.memory_space<vmem>>, vector<1x16xf32>,
        %parallel_loop3A_321 = vector.shape_cast %parallel_loop3A_320 : vector<1x16xf32> to vector<16xf32>
        %parallel_loop3A_322 = arith.constant 8.000000e+00 : f32
        %parallel_loop3A_323 = vector.broadcast %parallel_loop3A_322 : f32 to vector<16xf32>
        %parallel_loop3A_324 = arith.mulf %parallel_loop3A_321, %parallel_loop3A_323 : vector<16xf32>
        %parallel_loop3A_325 = arith.index_cast %parallel_loop3A_293 : i32 to index
        %parallel_loop3A_326 = arith.constant 32 : index
        %parallel_loop3A_327 = tpu.vector_load %arg11[%parallel_loop3A_325, %parallel_loop3A_326] {strides = array<i32>} : memref<200x64xf32, #tpu.memory_space<vmem>>, vector<1x16xf32>,
        %parallel_loop3A_328 = vector.shape_cast %parallel_loop3A_327 : vector<1x16xf32> to vector<16xf32>
        %parallel_loop3A_329 = vector.shape_cast %parallel_loop3A_324 : vector<16xf32> to vector<1x16xf32>
        tpu.vector_store %arg11[%parallel_loop3A_325, %parallel_loop3A_326], %parallel_loop3A_329 {strides = array<i32>} : memref<200x64xf32, #tpu.memory_space<vmem>>, vector<1x16xf32>,
        %parallel_loop3A_330 = arith.index_cast %parallel_loop3A_293 : i32 to index
        %parallel_loop3A_331 = arith.constant 48 : index
        %parallel_loop3A_332 = tpu.vector_load %arg7[%parallel_loop3A_330, %parallel_loop3A_331] {strides = array<i32>} : memref<200x64xf32, #tpu.memory_space<vmem>>, vector<1x16xf32>,
        %parallel_loop3A_333 = vector.shape_cast %parallel_loop3A_332 : vector<1x16xf32> to vector<16xf32>
        %parallel_loop3A_334 = arith.constant 8.000000e+00 : f32
        %parallel_loop3A_335 = vector.broadcast %parallel_loop3A_334 : f32 to vector<16xf32>
        %parallel_loop3A_336 = arith.mulf %parallel_loop3A_333, %parallel_loop3A_335 : vector<16xf32>
        %parallel_loop3A_337 = arith.index_cast %parallel_loop3A_293 : i32 to index
        %parallel_loop3A_338 = arith.constant 48 : index
        %parallel_loop3A_339 = tpu.vector_load %arg11[%parallel_loop3A_337, %parallel_loop3A_338] {strides = array<i32>} : memref<200x64xf32, #tpu.memory_space<vmem>>, vector<1x16xf32>,
        %parallel_loop3A_340 = vector.shape_cast %parallel_loop3A_339 : vector<1x16xf32> to vector<16xf32>
        %parallel_loop3A_341 = vector.shape_cast %parallel_loop3A_336 : vector<16xf32> to vector<1x16xf32>
        tpu.vector_store %arg11[%parallel_loop3A_337, %parallel_loop3A_338], %parallel_loop3A_341 {strides = array<i32>} : memref<200x64xf32, #tpu.memory_space<vmem>>, vector<1x16xf32>,
      } {sc.loop_unroll_factor = 8 : i64, sc.parallel_access}
      %add3A_189 = arith.addi %mul3A_2, %add3A_162 : i32
      %dma_start3A_190 = arith.constant 0 : i32
      %dma_start3A_191 = arith.constant 0 : i32
      %dma_start3A_192 = tpu.memref_slice %arg4[%add3A_189, %dma_start3A_190, %dma_start3A_191] : memref<2048x200x64xf32, #tpu.memory_space<hbm>> -> memref<1x200x64xf32, #tpu.memory_space<hbm>>
      %dma_start3A_193 = tpu.memref_squeeze %dma_start3A_192 : memref<1x200x64xf32, #tpu.memory_space<hbm>> -> memref<200x64xf32, #tpu.memory_space<hbm>>
      %dma_start3A_194 = arith.constant 0 : i32
      %dma_start3A_195 = arith.constant 0 : i32
      %dma_start3A_196 = tpu.memref_slice %arg4[%add3A_189, %dma_start3A_194, %dma_start3A_195] : memref<2048x200x64xf32, #tpu.memory_space<hbm>> -> memref<1x200x64xf32, #tpu.memory_space<hbm>>
      %dma_start3A_197 = tpu.memref_squeeze %dma_start3A_196 : memref<1x200x64xf32, #tpu.memory_space<hbm>> -> memref<200x64xf32, #tpu.memory_space<hbm>>
      tpu.enqueue_dma source(%arg11 : memref<200x64xf32, #tpu.memory_space<vmem>>) target(%dma_start3A_197 : memref<200x64xf32, #tpu.memory_space<hbm>>) target_semaphore(%arg19 : memref<!tpu.dma_semaphore, #tpu.memory_space<semaphore_mem>>)
      %add3A_198 = arith.constant 4 : i32
      %add3A_199 = arith.addi %add3A_162, %add3A_198 : i32
      %lt3A_200 = arith.constant 64 : i32
      %lt3A_201 = arith.cmpi slt, %add3A_199, %lt3A_200 : i32
      %convert_element_type3A_202 = arith.extui %lt3A_201 : i1 to i32
      %cond3A_203 = arith.constant 0 : i32
      %cond3A_204 = arith.cmpi ne, %convert_element_type3A_202, %cond3A_203 : i32
      scf.if %cond3A_204 {
        %add3A_293 = arith.constant 4 : i32
        %add3A_294 = arith.addi %add3A_162, %add3A_293 : i32
        %dma_start3A_295 = arith.constant 0 : i32
        %dma_start3A_296 = arith.constant 0 : i32
        %dma_start3A_297 = tpu.memref_slice %arg7[%dma_start3A_295, %dma_start3A_296] : memref<200x64xf32, #tpu.memory_space<vmem>> -> memref<128x64xf32, #tpu.memory_space<vmem>>
        %dma_start3A_298 = arith.constant 0 : i32
        %dma_start3A_299 = tpu.memref_slice %arg5[%add3A_294, %dma_start3A_298] : memref<64x200xi32, #tpu.memory_space<vmem>> -> memref<1x128xi32, #tpu.memory_space<vmem>>
        %dma_start3A_300 = tpu.memref_squeeze %dma_start3A_299 : memref<1x128xi32, #tpu.memory_space<vmem>> -> memref<128xi32, #tpu.memory_space<vmem>>
        %dma_start3A_301 = arith.constant 0 : i32
        %dma_start3A_302 = arith.constant 0 : i32
        %dma_start3A_303 = tpu.memref_slice %arg3[%dma_start3A_301, %dma_start3A_302] : memref<1000000x64xf32, #tpu.memory_space<hbm>> -> memref<1000000x64xf32, #tpu.memory_space<hbm>>
        tpu.enqueue_indirect_dma source(%dma_start3A_303 : memref<1000000x64xf32, #tpu.memory_space<hbm>>) target(%dma_start3A_297 : memref<128x64xf32, #tpu.memory_space<vmem>>) offsets(%dma_start3A_300 : memref<128xi32, #tpu.memory_space<vmem>>) semaphore(%arg15 : memref<!tpu.dma_semaphore, #tpu.memory_space<semaphore_mem>>)
        %dma_start3A_304 = arith.constant 128 : i32
        %dma_start3A_305 = arith.constant 0 : i32
        %dma_start3A_306 = tpu.memref_slice %arg7[%dma_start3A_304, %dma_start3A_305] : memref<200x64xf32, #tpu.memory_space<vmem>> -> memref<72x64xf32, #tpu.memory_space<vmem>>
        %dma_start3A_307 = arith.constant 128 : i32
        %dma_start3A_308 = tpu.memref_slice %arg5[%add3A_294, %dma_start3A_307] : memref<64x200xi32, #tpu.memory_space<vmem>> -> memref<1x72xi32, #tpu.memory_space<vmem>>
        %dma_start3A_309 = tpu.memref_squeeze %dma_start3A_308 : memref<1x72xi32, #tpu.memory_space<vmem>> -> memref<72xi32, #tpu.memory_space<vmem>>
        %dma_start3A_310 = arith.constant 0 : i32
        %dma_start3A_311 = arith.constant 0 : i32
        %dma_start3A_312 = tpu.memref_slice %arg3[%dma_start3A_310, %dma_start3A_311] : memref<1000000x64xf32, #tpu.memory_space<hbm>> -> memref<1000000x64xf32, #tpu.memory_space<hbm>>
        tpu.enqueue_indirect_dma source(%dma_start3A_312 : memref<1000000x64xf32, #tpu.memory_space<hbm>>) target(%dma_start3A_306 : memref<72x64xf32, #tpu.memory_space<vmem>>) offsets(%dma_start3A_309 : memref<72xi32, #tpu.memory_space<vmem>>) semaphore(%arg15 : memref<!tpu.dma_semaphore, #tpu.memory_space<semaphore_mem>>)
      } else {
      }
      %add3A_205 = arith.constant 2 : i32
      %add3A_206 = arith.addi %add3A_121, %add3A_205 : i32
      %dma_wait3A_207 = arith.constant 0 : i32
      %dma_wait3A_208 = arith.constant 0 : i32
      %dma_wait3A_209 = tpu.memref_slice %arg8[%dma_wait3A_207, %dma_wait3A_208] : memref<200x64xf32, #tpu.memory_space<vmem>> -> memref<128x64xf32, #tpu.memory_space<vmem>>
      %dma_wait3A_210 = arith.constant 0 : i32
      %dma_wait3A_211 = tpu.memref_slice %arg5[%add3A_206, %dma_wait3A_210] : memref<64x200xi32, #tpu.memory_space<vmem>> -> memref<1x128xi32, #tpu.memory_space<vmem>>
      %dma_wait3A_212 = tpu.memref_squeeze %dma_wait3A_211 : memref<1x128xi32, #tpu.memory_space<vmem>> -> memref<128xi32, #tpu.memory_space<vmem>>
      %dma_wait3A_213 = arith.constant 0 : i32
      %dma_wait3A_214 = arith.constant 0 : i32
      %dma_wait3A_215 = tpu.memref_slice %arg3[%dma_wait3A_213, %dma_wait3A_214] : memref<1000000x64xf32, #tpu.memory_space<hbm>> -> memref<1000000x64xf32, #tpu.memory_space<hbm>>
      tpu.wait_indirect_dma semaphore(%arg16 : memref<!tpu.dma_semaphore, #tpu.memory_space<semaphore_mem>>) src(%dma_wait3A_215 : memref<1000000x64xf32, #tpu.memory_space<hbm>>) dst(%dma_wait3A_209 : memref<128x64xf32, #tpu.memory_space<vmem>>)
      %dma_wait3A_216 = arith.constant 128 : i32
      %dma_wait3A_217 = arith.constant 0 : i32
      %dma_wait3A_218 = tpu.memref_slice %arg8[%dma_wait3A_216, %dma_wait3A_217] : memref<200x64xf32, #tpu.memory_space<vmem>> -> memref<72x64xf32, #tpu.memory_space<vmem>>
      %dma_wait3A_219 = arith.constant 128 : i32
      %dma_wait3A_220 = tpu.memref_slice %arg5[%add3A_206, %dma_wait3A_219] : memref<64x200xi32, #tpu.memory_space<vmem>> -> memref<1x72xi32, #tpu.memory_space<vmem>>
      %dma_wait3A_221 = tpu.memref_squeeze %dma_wait3A_220 : memref<1x72xi32, #tpu.memory_space<vmem>> -> memref<72xi32, #tpu.memory_space<vmem>>
      %dma_wait3A_222 = arith.constant 0 : i32
      %dma_wait3A_223 = arith.constant 0 : i32
      %dma_wait3A_224 = tpu.memref_slice %arg3[%dma_wait3A_222, %dma_wait3A_223] : memref<1000000x64xf32, #tpu.memory_space<hbm>> -> memref<1000000x64xf32, #tpu.memory_space<hbm>>
      tpu.wait_indirect_dma semaphore(%arg16 : memref<!tpu.dma_semaphore, #tpu.memory_space<semaphore_mem>>) src(%dma_wait3A_224 : memref<1000000x64xf32, #tpu.memory_space<hbm>>) dst(%dma_wait3A_218 : memref<72x64xf32, #tpu.memory_space<vmem>>)
      %ge3A_225 = arith.constant 4 : i32
      %ge3A_226 = arith.cmpi sge, %add3A_206, %ge3A_225 : i32
      %convert_element_type3A_227 = arith.extui %ge3A_226 : i1 to i32
      %cond3A_228 = arith.constant 0 : i32
      %cond3A_229 = arith.cmpi ne, %convert_element_type3A_227, %cond3A_228 : i32
      scf.if %cond3A_229 {
        %dma_wait3A_293 = arith.constant 0 : i32
        %dma_wait3A_294 = arith.constant 0 : i32
        %dma_wait3A_295 = tpu.memref_slice %arg4[%mul3A_2, %dma_wait3A_293, %dma_wait3A_294] : memref<2048x200x64xf32, #tpu.memory_space<hbm>> -> memref<1x200x64xf32, #tpu.memory_space<hbm>>
        %dma_wait3A_296 = tpu.memref_squeeze %dma_wait3A_295 : memref<1x200x64xf32, #tpu.memory_space<hbm>> -> memref<200x64xf32, #tpu.memory_space<hbm>>
        %dma_wait3A_297 = arith.constant 0 : i32
        %dma_wait3A_298 = arith.constant 0 : i32
        %dma_wait3A_299 = tpu.memref_slice %arg4[%mul3A_2, %dma_wait3A_297, %dma_wait3A_298] : memref<2048x200x64xf32, #tpu.memory_space<hbm>> -> memref<1x200x64xf32, #tpu.memory_space<hbm>>
        %dma_wait3A_300 = tpu.memref_squeeze %dma_wait3A_299 : memref<1x200x64xf32, #tpu.memory_space<hbm>> -> memref<200x64xf32, #tpu.memory_space<hbm>>
        tpu.wait_dma2 semaphore(%arg20 : memref<!tpu.dma_semaphore, #tpu.memory_space<semaphore_mem>>) src(%arg12 : memref<200x64xf32, #tpu.memory_space<vmem>>) dst(%dma_wait3A_300 : memref<200x64xf32, #tpu.memory_space<hbm>>)
      } else {
      }
      %parallel_loop3A_230 = arith.constant 0 : i32
      %parallel_loop3A_231 = arith.constant 200 : i32
      %parallel_loop3A_232 = arith.constant 1 : i32
      scf.for %parallel_loop3A_293 = %parallel_loop3A_230 to %parallel_loop3A_231 step %parallel_loop3A_232  : i32 {
        %parallel_loop3A_294 = arith.index_cast %parallel_loop3A_293 : i32 to index
        %parallel_loop3A_295 = arith.constant 0 : index
        %parallel_loop3A_296 = tpu.vector_load %arg8[%parallel_loop3A_294, %parallel_loop3A_295] {strides = array<i32>} : memref<200x64xf32, #tpu.memory_space<vmem>>, vector<1x16xf32>,
        %parallel_loop3A_297 = vector.shape_cast %parallel_loop3A_296 : vector<1x16xf32> to vector<16xf32>
        %parallel_loop3A_298 = arith.constant 8.000000e+00 : f32
        %parallel_loop3A_299 = vector.broadcast %parallel_loop3A_298 : f32 to vector<16xf32>
        %parallel_loop3A_300 = arith.mulf %parallel_loop3A_297, %parallel_loop3A_299 : vector<16xf32>
        %parallel_loop3A_301 = arith.index_cast %parallel_loop3A_293 : i32 to index
        %parallel_loop3A_302 = arith.constant 0 : index
        %parallel_loop3A_303 = tpu.vector_load %arg12[%parallel_loop3A_301, %parallel_loop3A_302] {strides = array<i32>} : memref<200x64xf32, #tpu.memory_space<vmem>>, vector<1x16xf32>,
        %parallel_loop3A_304 = vector.shape_cast %parallel_loop3A_303 : vector<1x16xf32> to vector<16xf32>
        %parallel_loop3A_305 = vector.shape_cast %parallel_loop3A_300 : vector<16xf32> to vector<1x16xf32>
        tpu.vector_store %arg12[%parallel_loop3A_301, %parallel_loop3A_302], %parallel_loop3A_305 {strides = array<i32>} : memref<200x64xf32, #tpu.memory_space<vmem>>, vector<1x16xf32>,
        %parallel_loop3A_306 = arith.index_cast %parallel_loop3A_293 : i32 to index
        %parallel_loop3A_307 = arith.constant 16 : index
        %parallel_loop3A_308 = tpu.vector_load %arg8[%parallel_loop3A_306, %parallel_loop3A_307] {strides = array<i32>} : memref<200x64xf32, #tpu.memory_space<vmem>>, vector<1x16xf32>,
        %parallel_loop3A_309 = vector.shape_cast %parallel_loop3A_308 : vector<1x16xf32> to vector<16xf32>
        %parallel_loop3A_310 = arith.constant 8.000000e+00 : f32
        %parallel_loop3A_311 = vector.broadcast %parallel_loop3A_310 : f32 to vector<16xf32>
        %parallel_loop3A_312 = arith.mulf %parallel_loop3A_309, %parallel_loop3A_311 : vector<16xf32>
        %parallel_loop3A_313 = arith.index_cast %parallel_loop3A_293 : i32 to index
        %parallel_loop3A_314 = arith.constant 16 : index
        %parallel_loop3A_315 = tpu.vector_load %arg12[%parallel_loop3A_313, %parallel_loop3A_314] {strides = array<i32>} : memref<200x64xf32, #tpu.memory_space<vmem>>, vector<1x16xf32>,
        %parallel_loop3A_316 = vector.shape_cast %parallel_loop3A_315 : vector<1x16xf32> to vector<16xf32>
        %parallel_loop3A_317 = vector.shape_cast %parallel_loop3A_312 : vector<16xf32> to vector<1x16xf32>
        tpu.vector_store %arg12[%parallel_loop3A_313, %parallel_loop3A_314], %parallel_loop3A_317 {strides = array<i32>} : memref<200x64xf32, #tpu.memory_space<vmem>>, vector<1x16xf32>,
        %parallel_loop3A_318 = arith.index_cast %parallel_loop3A_293 : i32 to index
        %parallel_loop3A_319 = arith.constant 32 : index
        %parallel_loop3A_320 = tpu.vector_load %arg8[%parallel_loop3A_318, %parallel_loop3A_319] {strides = array<i32>} : memref<200x64xf32, #tpu.memory_space<vmem>>, vector<1x16xf32>,
        %parallel_loop3A_321 = vector.shape_cast %parallel_loop3A_320 : vector<1x16xf32> to vector<16xf32>
        %parallel_loop3A_322 = arith.constant 8.000000e+00 : f32
        %parallel_loop3A_323 = vector.broadcast %parallel_loop3A_322 : f32 to vector<16xf32>
        %parallel_loop3A_324 = arith.mulf %parallel_loop3A_321, %parallel_loop3A_323 : vector<16xf32>
        %parallel_loop3A_325 = arith.index_cast %parallel_loop3A_293 : i32 to index
        %parallel_loop3A_326 = arith.constant 32 : index
        %parallel_loop3A_327 = tpu.vector_load %arg12[%parallel_loop3A_325, %parallel_loop3A_326] {strides = array<i32>} : memref<200x64xf32, #tpu.memory_space<vmem>>, vector<1x16xf32>,
        %parallel_loop3A_328 = vector.shape_cast %parallel_loop3A_327 : vector<1x16xf32> to vector<16xf32>
        %parallel_loop3A_329 = vector.shape_cast %parallel_loop3A_324 : vector<16xf32> to vector<1x16xf32>
        tpu.vector_store %arg12[%parallel_loop3A_325, %parallel_loop3A_326], %parallel_loop3A_329 {strides = array<i32>} : memref<200x64xf32, #tpu.memory_space<vmem>>, vector<1x16xf32>,
        %parallel_loop3A_330 = arith.index_cast %parallel_loop3A_293 : i32 to index
        %parallel_loop3A_331 = arith.constant 48 : index
        %parallel_loop3A_332 = tpu.vector_load %arg8[%parallel_loop3A_330, %parallel_loop3A_331] {strides = array<i32>} : memref<200x64xf32, #tpu.memory_space<vmem>>, vector<1x16xf32>,
        %parallel_loop3A_333 = vector.shape_cast %parallel_loop3A_332 : vector<1x16xf32> to vector<16xf32>
        %parallel_loop3A_334 = arith.constant 8.000000e+00 : f32
        %parallel_loop3A_335 = vector.broadcast %parallel_loop3A_334 : f32 to vector<16xf32>
        %parallel_loop3A_336 = arith.mulf %parallel_loop3A_333, %parallel_loop3A_335 : vector<16xf32>
        %parallel_loop3A_337 = arith.index_cast %parallel_loop3A_293 : i32 to index
        %parallel_loop3A_338 = arith.constant 48 : index
        %parallel_loop3A_339 = tpu.vector_load %arg12[%parallel_loop3A_337, %parallel_loop3A_338] {strides = array<i32>} : memref<200x64xf32, #tpu.memory_space<vmem>>, vector<1x16xf32>,
        %parallel_loop3A_340 = vector.shape_cast %parallel_loop3A_339 : vector<1x16xf32> to vector<16xf32>
        %parallel_loop3A_341 = vector.shape_cast %parallel_loop3A_336 : vector<16xf32> to vector<1x16xf32>
        tpu.vector_store %arg12[%parallel_loop3A_337, %parallel_loop3A_338], %parallel_loop3A_341 {strides = array<i32>} : memref<200x64xf32, #tpu.memory_space<vmem>>, vector<1x16xf32>,
      } {sc.loop_unroll_factor = 8 : i64, sc.parallel_access}
      %add3A_233 = arith.addi %mul3A_2, %add3A_206 : i32
      %dma_start3A_234 = arith.constant 0 : i32
      %dma_start3A_235 = arith.constant 0 : i32
      %dma_start3A_236 = tpu.memref_slice %arg4[%add3A_233, %dma_start3A_234, %dma_start3A_235] : memref<2048x200x64xf32, #tpu.memory_space<hbm>> -> memref<1x200x64xf32, #tpu.memory_space<hbm>>
      %dma_start3A_237 = tpu.memref_squeeze %dma_start3A_236 : memref<1x200x64xf32, #tpu.memory_space<hbm>> -> memref<200x64xf32, #tpu.memory_space<hbm>>
      %dma_start3A_238 = arith.constant 0 : i32
      %dma_start3A_239 = arith.constant 0 : i32
      %dma_start3A_240 = tpu.memref_slice %arg4[%add3A_233, %dma_start3A_238, %dma_start3A_239] : memref<2048x200x64xf32, #tpu.memory_space<hbm>> -> memref<1x200x64xf32, #tpu.memory_space<hbm>>
      %dma_start3A_241 = tpu.memref_squeeze %dma_start3A_240 : memref<1x200x64xf32, #tpu.memory_space<hbm>> -> memref<200x64xf32, #tpu.memory_space<hbm>>
      tpu.enqueue_dma source(%arg12 : memref<200x64xf32, #tpu.memory_space<vmem>>) target(%dma_start3A_241 : memref<200x64xf32, #tpu.memory_space<hbm>>) target_semaphore(%arg20 : memref<!tpu.dma_semaphore, #tpu.memory_space<semaphore_mem>>)
      %add3A_242 = arith.constant 4 : i32
      %add3A_243 = arith.addi %add3A_206, %add3A_242 : i32
      %lt3A_244 = arith.constant 64 : i32
      %lt3A_245 = arith.cmpi slt, %add3A_243, %lt3A_244 : i32
      %convert_element_type3A_246 = arith.extui %lt3A_245 : i1 to i32
      %cond3A_247 = arith.constant 0 : i32
      %cond3A_248 = arith.cmpi ne, %convert_element_type3A_246, %cond3A_247 : i32
      scf.if %cond3A_248 {
        %add3A_293 = arith.constant 4 : i32
        %add3A_294 = arith.addi %add3A_206, %add3A_293 : i32
        %dma_start3A_295 = arith.constant 0 : i32
        %dma_start3A_296 = arith.constant 0 : i32
        %dma_start3A_297 = tpu.memref_slice %arg8[%dma_start3A_295, %dma_start3A_296] : memref<200x64xf32, #tpu.memory_space<vmem>> -> memref<128x64xf32, #tpu.memory_space<vmem>>
        %dma_start3A_298 = arith.constant 0 : i32
        %dma_start3A_299 = tpu.memref_slice %arg5[%add3A_294, %dma_start3A_298] : memref<64x200xi32, #tpu.memory_space<vmem>> -> memref<1x128xi32, #tpu.memory_space<vmem>>
        %dma_start3A_300 = tpu.memref_squeeze %dma_start3A_299 : memref<1x128xi32, #tpu.memory_space<vmem>> -> memref<128xi32, #tpu.memory_space<vmem>>
        %dma_start3A_301 = arith.constant 0 : i32
        %dma_start3A_302 = arith.constant 0 : i32
        %dma_start3A_303 = tpu.memref_slice %arg3[%dma_start3A_301, %dma_start3A_302] : memref<1000000x64xf32, #tpu.memory_space<hbm>> -> memref<1000000x64xf32, #tpu.memory_space<hbm>>
        tpu.enqueue_indirect_dma source(%dma_start3A_303 : memref<1000000x64xf32, #tpu.memory_space<hbm>>) target(%dma_start3A_297 : memref<128x64xf32, #tpu.memory_space<vmem>>) offsets(%dma_start3A_300 : memref<128xi32, #tpu.memory_space<vmem>>) semaphore(%arg16 : memref<!tpu.dma_semaphore, #tpu.memory_space<semaphore_mem>>)
        %dma_start3A_304 = arith.constant 128 : i32
        %dma_start3A_305 = arith.constant 0 : i32
        %dma_start3A_306 = tpu.memref_slice %arg8[%dma_start3A_304, %dma_start3A_305] : memref<200x64xf32, #tpu.memory_space<vmem>> -> memref<72x64xf32, #tpu.memory_space<vmem>>
        %dma_start3A_307 = arith.constant 128 : i32
        %dma_start3A_308 = tpu.memref_slice %arg5[%add3A_294, %dma_start3A_307] : memref<64x200xi32, #tpu.memory_space<vmem>> -> memref<1x72xi32, #tpu.memory_space<vmem>>
        %dma_start3A_309 = tpu.memref_squeeze %dma_start3A_308 : memref<1x72xi32, #tpu.memory_space<vmem>> -> memref<72xi32, #tpu.memory_space<vmem>>
        %dma_start3A_310 = arith.constant 0 : i32
        %dma_start3A_311 = arith.constant 0 : i32
        %dma_start3A_312 = tpu.memref_slice %arg3[%dma_start3A_310, %dma_start3A_311] : memref<1000000x64xf32, #tpu.memory_space<hbm>> -> memref<1000000x64xf32, #tpu.memory_space<hbm>>
        tpu.enqueue_indirect_dma source(%dma_start3A_312 : memref<1000000x64xf32, #tpu.memory_space<hbm>>) target(%dma_start3A_306 : memref<72x64xf32, #tpu.memory_space<vmem>>) offsets(%dma_start3A_309 : memref<72xi32, #tpu.memory_space<vmem>>) semaphore(%arg16 : memref<!tpu.dma_semaphore, #tpu.memory_space<semaphore_mem>>)
      } else {
      }
      %add3A_249 = arith.constant 3 : i32
      %add3A_250 = arith.addi %add3A_121, %add3A_249 : i32
      %dma_wait3A_251 = arith.constant 0 : i32
      %dma_wait3A_252 = arith.constant 0 : i32
      %dma_wait3A_253 = tpu.memref_slice %arg9[%dma_wait3A_251, %dma_wait3A_252] : memref<200x64xf32, #tpu.memory_space<vmem>> -> memref<128x64xf32, #tpu.memory_space<vmem>>
      %dma_wait3A_254 = arith.constant 0 : i32
      %dma_wait3A_255 = tpu.memref_slice %arg5[%add3A_250, %dma_wait3A_254] : memref<64x200xi32, #tpu.memory_space<vmem>> -> memref<1x128xi32, #tpu.memory_space<vmem>>
      %dma_wait3A_256 = tpu.memref_squeeze %dma_wait3A_255 : memref<1x128xi32, #tpu.memory_space<vmem>> -> memref<128xi32, #tpu.memory_space<vmem>>
      %dma_wait3A_257 = arith.constant 0 : i32
      %dma_wait3A_258 = arith.constant 0 : i32
      %dma_wait3A_259 = tpu.memref_slice %arg3[%dma_wait3A_257, %dma_wait3A_258] : memref<1000000x64xf32, #tpu.memory_space<hbm>> -> memref<1000000x64xf32, #tpu.memory_space<hbm>>
      tpu.wait_indirect_dma semaphore(%arg17 : memref<!tpu.dma_semaphore, #tpu.memory_space<semaphore_mem>>) src(%dma_wait3A_259 : memref<1000000x64xf32, #tpu.memory_space<hbm>>) dst(%dma_wait3A_253 : memref<128x64xf32, #tpu.memory_space<vmem>>)
      %dma_wait3A_260 = arith.constant 128 : i32
      %dma_wait3A_261 = arith.constant 0 : i32
      %dma_wait3A_262 = tpu.memref_slice %arg9[%dma_wait3A_260, %dma_wait3A_261] : memref<200x64xf32, #tpu.memory_space<vmem>> -> memref<72x64xf32, #tpu.memory_space<vmem>>
      %dma_wait3A_263 = arith.constant 128 : i32
      %dma_wait3A_264 = tpu.memref_slice %arg5[%add3A_250, %dma_wait3A_263] : memref<64x200xi32, #tpu.memory_space<vmem>> -> memref<1x72xi32, #tpu.memory_space<vmem>>
      %dma_wait3A_265 = tpu.memref_squeeze %dma_wait3A_264 : memref<1x72xi32, #tpu.memory_space<vmem>> -> memref<72xi32, #tpu.memory_space<vmem>>
      %dma_wait3A_266 = arith.constant 0 : i32
      %dma_wait3A_267 = arith.constant 0 : i32
      %dma_wait3A_268 = tpu.memref_slice %arg3[%dma_wait3A_266, %dma_wait3A_267] : memref<1000000x64xf32, #tpu.memory_space<hbm>> -> memref<1000000x64xf32, #tpu.memory_space<hbm>>
      tpu.wait_indirect_dma semaphore(%arg17 : memref<!tpu.dma_semaphore, #tpu.memory_space<semaphore_mem>>) src(%dma_wait3A_268 : memref<1000000x64xf32, #tpu.memory_space<hbm>>) dst(%dma_wait3A_262 : memref<72x64xf32, #tpu.memory_space<vmem>>)
      %ge3A_269 = arith.constant 4 : i32
      %ge3A_270 = arith.cmpi sge, %add3A_250, %ge3A_269 : i32
      %convert_element_type3A_271 = arith.extui %ge3A_270 : i1 to i32
      %cond3A_272 = arith.constant 0 : i32
      %cond3A_273 = arith.cmpi ne, %convert_element_type3A_271, %cond3A_272 : i32
      scf.if %cond3A_273 {
        %dma_wait3A_293 = arith.constant 0 : i32
        %dma_wait3A_294 = arith.constant 0 : i32
        %dma_wait3A_295 = tpu.memref_slice %arg4[%mul3A_2, %dma_wait3A_293, %dma_wait3A_294] : memref<2048x200x64xf32, #tpu.memory_space<hbm>> -> memref<1x200x64xf32, #tpu.memory_space<hbm>>
        %dma_wait3A_296 = tpu.memref_squeeze %dma_wait3A_295 : memref<1x200x64xf32, #tpu.memory_space<hbm>> -> memref<200x64xf32, #tpu.memory_space<hbm>>
        %dma_wait3A_297 = arith.constant 0 : i32
        %dma_wait3A_298 = arith.constant 0 : i32
        %dma_wait3A_299 = tpu.memref_slice %arg4[%mul3A_2, %dma_wait3A_297, %dma_wait3A_298] : memref<2048x200x64xf32, #tpu.memory_space<hbm>> -> memref<1x200x64xf32, #tpu.memory_space<hbm>>
        %dma_wait3A_300 = tpu.memref_squeeze %dma_wait3A_299 : memref<1x200x64xf32, #tpu.memory_space<hbm>> -> memref<200x64xf32, #tpu.memory_space<hbm>>
        tpu.wait_dma2 semaphore(%arg21 : memref<!tpu.dma_semaphore, #tpu.memory_space<semaphore_mem>>) src(%arg13 : memref<200x64xf32, #tpu.memory_space<vmem>>) dst(%dma_wait3A_300 : memref<200x64xf32, #tpu.memory_space<hbm>>)
      } else {
      }
      %parallel_loop3A_274 = arith.constant 0 : i32
      %parallel_loop3A_275 = arith.constant 200 : i32
      %parallel_loop3A_276 = arith.constant 1 : i32
      scf.for %parallel_loop3A_293 = %parallel_loop3A_274 to %parallel_loop3A_275 step %parallel_loop3A_276  : i32 {
        %parallel_loop3A_294 = arith.index_cast %parallel_loop3A_293 : i32 to index
        %parallel_loop3A_295 = arith.constant 0 : index
        %parallel_loop3A_296 = tpu.vector_load %arg9[%parallel_loop3A_294, %parallel_loop3A_295] {strides = array<i32>} : memref<200x64xf32, #tpu.memory_space<vmem>>, vector<1x16xf32>,
        %parallel_loop3A_297 = vector.shape_cast %parallel_loop3A_296 : vector<1x16xf32> to vector<16xf32>
        %parallel_loop3A_298 = arith.constant 8.000000e+00 : f32
        %parallel_loop3A_299 = vector.broadcast %parallel_loop3A_298 : f32 to vector<16xf32>
        %parallel_loop3A_300 = arith.mulf %parallel_loop3A_297, %parallel_loop3A_299 : vector<16xf32>
        %parallel_loop3A_301 = arith.index_cast %parallel_loop3A_293 : i32 to index
        %parallel_loop3A_302 = arith.constant 0 : index
        %parallel_loop3A_303 = tpu.vector_load %arg13[%parallel_loop3A_301, %parallel_loop3A_302] {strides = array<i32>} : memref<200x64xf32, #tpu.memory_space<vmem>>, vector<1x16xf32>,
        %parallel_loop3A_304 = vector.shape_cast %parallel_loop3A_303 : vector<1x16xf32> to vector<16xf32>
        %parallel_loop3A_305 = vector.shape_cast %parallel_loop3A_300 : vector<16xf32> to vector<1x16xf32>
        tpu.vector_store %arg13[%parallel_loop3A_301, %parallel_loop3A_302], %parallel_loop3A_305 {strides = array<i32>} : memref<200x64xf32, #tpu.memory_space<vmem>>, vector<1x16xf32>,
        %parallel_loop3A_306 = arith.index_cast %parallel_loop3A_293 : i32 to index
        %parallel_loop3A_307 = arith.constant 16 : index
        %parallel_loop3A_308 = tpu.vector_load %arg9[%parallel_loop3A_306, %parallel_loop3A_307] {strides = array<i32>} : memref<200x64xf32, #tpu.memory_space<vmem>>, vector<1x16xf32>,
        %parallel_loop3A_309 = vector.shape_cast %parallel_loop3A_308 : vector<1x16xf32> to vector<16xf32>
        %parallel_loop3A_310 = arith.constant 8.000000e+00 : f32
        %parallel_loop3A_311 = vector.broadcast %parallel_loop3A_310 : f32 to vector<16xf32>
        %parallel_loop3A_312 = arith.mulf %parallel_loop3A_309, %parallel_loop3A_311 : vector<16xf32>
        %parallel_loop3A_313 = arith.index_cast %parallel_loop3A_293 : i32 to index
        %parallel_loop3A_314 = arith.constant 16 : index
        %parallel_loop3A_315 = tpu.vector_load %arg13[%parallel_loop3A_313, %parallel_loop3A_314] {strides = array<i32>} : memref<200x64xf32, #tpu.memory_space<vmem>>, vector<1x16xf32>,
        %parallel_loop3A_316 = vector.shape_cast %parallel_loop3A_315 : vector<1x16xf32> to vector<16xf32>
        %parallel_loop3A_317 = vector.shape_cast %parallel_loop3A_312 : vector<16xf32> to vector<1x16xf32>
        tpu.vector_store %arg13[%parallel_loop3A_313, %parallel_loop3A_314], %parallel_loop3A_317 {strides = array<i32>} : memref<200x64xf32, #tpu.memory_space<vmem>>, vector<1x16xf32>,
        %parallel_loop3A_318 = arith.index_cast %parallel_loop3A_293 : i32 to index
        %parallel_loop3A_319 = arith.constant 32 : index
        %parallel_loop3A_320 = tpu.vector_load %arg9[%parallel_loop3A_318, %parallel_loop3A_319] {strides = array<i32>} : memref<200x64xf32, #tpu.memory_space<vmem>>, vector<1x16xf32>,
        %parallel_loop3A_321 = vector.shape_cast %parallel_loop3A_320 : vector<1x16xf32> to vector<16xf32>
        %parallel_loop3A_322 = arith.constant 8.000000e+00 : f32
        %parallel_loop3A_323 = vector.broadcast %parallel_loop3A_322 : f32 to vector<16xf32>
        %parallel_loop3A_324 = arith.mulf %parallel_loop3A_321, %parallel_loop3A_323 : vector<16xf32>
        %parallel_loop3A_325 = arith.index_cast %parallel_loop3A_293 : i32 to index
        %parallel_loop3A_326 = arith.constant 32 : index
        %parallel_loop3A_327 = tpu.vector_load %arg13[%parallel_loop3A_325, %parallel_loop3A_326] {strides = array<i32>} : memref<200x64xf32, #tpu.memory_space<vmem>>, vector<1x16xf32>,
        %parallel_loop3A_328 = vector.shape_cast %parallel_loop3A_327 : vector<1x16xf32> to vector<16xf32>
        %parallel_loop3A_329 = vector.shape_cast %parallel_loop3A_324 : vector<16xf32> to vector<1x16xf32>
        tpu.vector_store %arg13[%parallel_loop3A_325, %parallel_loop3A_326], %parallel_loop3A_329 {strides = array<i32>} : memref<200x64xf32, #tpu.memory_space<vmem>>, vector<1x16xf32>,
        %parallel_loop3A_330 = arith.index_cast %parallel_loop3A_293 : i32 to index
        %parallel_loop3A_331 = arith.constant 48 : index
        %parallel_loop3A_332 = tpu.vector_load %arg9[%parallel_loop3A_330, %parallel_loop3A_331] {strides = array<i32>} : memref<200x64xf32, #tpu.memory_space<vmem>>, vector<1x16xf32>,
        %parallel_loop3A_333 = vector.shape_cast %parallel_loop3A_332 : vector<1x16xf32> to vector<16xf32>
        %parallel_loop3A_334 = arith.constant 8.000000e+00 : f32
        %parallel_loop3A_335 = vector.broadcast %parallel_loop3A_334 : f32 to vector<16xf32>
        %parallel_loop3A_336 = arith.mulf %parallel_loop3A_333, %parallel_loop3A_335 : vector<16xf32>
        %parallel_loop3A_337 = arith.index_cast %parallel_loop3A_293 : i32 to index
        %parallel_loop3A_338 = arith.constant 48 : index
        %parallel_loop3A_339 = tpu.vector_load %arg13[%parallel_loop3A_337, %parallel_loop3A_338] {strides = array<i32>} : memref<200x64xf32, #tpu.memory_space<vmem>>, vector<1x16xf32>,
        %parallel_loop3A_340 = vector.shape_cast %parallel_loop3A_339 : vector<1x16xf32> to vector<16xf32>
        %parallel_loop3A_341 = vector.shape_cast %parallel_loop3A_336 : vector<16xf32> to vector<1x16xf32>
        tpu.vector_store %arg13[%parallel_loop3A_337, %parallel_loop3A_338], %parallel_loop3A_341 {strides = array<i32>} : memref<200x64xf32, #tpu.memory_space<vmem>>, vector<1x16xf32>,
      } {sc.loop_unroll_factor = 8 : i64, sc.parallel_access}
      %add3A_277 = arith.addi %mul3A_2, %add3A_250 : i32
      %dma_start3A_278 = arith.constant 0 : i32
      %dma_start3A_279 = arith.constant 0 : i32
      %dma_start3A_280 = tpu.memref_slice %arg4[%add3A_277, %dma_start3A_278, %dma_start3A_279] : memref<2048x200x64xf32, #tpu.memory_space<hbm>> -> memref<1x200x64xf32, #tpu.memory_space<hbm>>
      %dma_start3A_281 = tpu.memref_squeeze %dma_start3A_280 : memref<1x200x64xf32, #tpu.memory_space<hbm>> -> memref<200x64xf32, #tpu.memory_space<hbm>>
      %dma_start3A_282 = arith.constant 0 : i32
      %dma_start3A_283 = arith.constant 0 : i32
      %dma_start3A_284 = tpu.memref_slice %arg4[%add3A_277, %dma_start3A_282, %dma_start3A_283] : memref<2048x200x64xf32, #tpu.memory_space<hbm>> -> memref<1x200x64xf32, #tpu.memory_space<hbm>>
      %dma_start3A_285 = tpu.memref_squeeze %dma_start3A_284 : memref<1x200x64xf32, #tpu.memory_space<hbm>> -> memref<200x64xf32, #tpu.memory_space<hbm>>
      tpu.enqueue_dma source(%arg13 : memref<200x64xf32, #tpu.memory_space<vmem>>) target(%dma_start3A_285 : memref<200x64xf32, #tpu.memory_space<hbm>>) target_semaphore(%arg21 : memref<!tpu.dma_semaphore, #tpu.memory_space<semaphore_mem>>)
      %add3A_286 = arith.constant 4 : i32
      %add3A_287 = arith.addi %add3A_250, %add3A_286 : i32
      %lt3A_288 = arith.constant 64 : i32
      %lt3A_289 = arith.cmpi slt, %add3A_287, %lt3A_288 : i32
      %convert_element_type3A_290 = arith.extui %lt3A_289 : i1 to i32
      %cond3A_291 = arith.constant 0 : i32
      %cond3A_292 = arith.cmpi ne, %convert_element_type3A_290, %cond3A_291 : i32
      scf.if %cond3A_292 {
        %add3A_293 = arith.constant 4 : i32
        %add3A_294 = arith.addi %add3A_250, %add3A_293 : i32
        %dma_start3A_295 = arith.constant 0 : i32
        %dma_start3A_296 = arith.constant 0 : i32
        %dma_start3A_297 = tpu.memref_slice %arg9[%dma_start3A_295, %dma_start3A_296] : memref<200x64xf32, #tpu.memory_space<vmem>> -> memref<128x64xf32, #tpu.memory_space<vmem>>
        %dma_start3A_298 = arith.constant 0 : i32
        %dma_start3A_299 = tpu.memref_slice %arg5[%add3A_294, %dma_start3A_298] : memref<64x200xi32, #tpu.memory_space<vmem>> -> memref<1x128xi32, #tpu.memory_space<vmem>>
        %dma_start3A_300 = tpu.memref_squeeze %dma_start3A_299 : memref<1x128xi32, #tpu.memory_space<vmem>> -> memref<128xi32, #tpu.memory_space<vmem>>
        %dma_start3A_301 = arith.constant 0 : i32
        %dma_start3A_302 = arith.constant 0 : i32
        %dma_start3A_303 = tpu.memref_slice %arg3[%dma_start3A_301, %dma_start3A_302] : memref<1000000x64xf32, #tpu.memory_space<hbm>> -> memref<1000000x64xf32, #tpu.memory_space<hbm>>
        tpu.enqueue_indirect_dma source(%dma_start3A_303 : memref<1000000x64xf32, #tpu.memory_space<hbm>>) target(%dma_start3A_297 : memref<128x64xf32, #tpu.memory_space<vmem>>) offsets(%dma_start3A_300 : memref<128xi32, #tpu.memory_space<vmem>>) semaphore(%arg17 : memref<!tpu.dma_semaphore, #tpu.memory_space<semaphore_mem>>)
        %dma_start3A_304 = arith.constant 128 : i32
        %dma_start3A_305 = arith.constant 0 : i32
        %dma_start3A_306 = tpu.memref_slice %arg9[%dma_start3A_304, %dma_start3A_305] : memref<200x64xf32, #tpu.memory_space<vmem>> -> memref<72x64xf32, #tpu.memory_space<vmem>>
        %dma_start3A_307 = arith.constant 128 : i32
        %dma_start3A_308 = tpu.memref_slice %arg5[%add3A_294, %dma_start3A_307] : memref<64x200xi32, #tpu.memory_space<vmem>> -> memref<1x72xi32, #tpu.memory_space<vmem>>
        %dma_start3A_309 = tpu.memref_squeeze %dma_start3A_308 : memref<1x72xi32, #tpu.memory_space<vmem>> -> memref<72xi32, #tpu.memory_space<vmem>>
        %dma_start3A_310 = arith.constant 0 : i32
        %dma_start3A_311 = arith.constant 0 : i32
        %dma_start3A_312 = tpu.memref_slice %arg3[%dma_start3A_310, %dma_start3A_311] : memref<1000000x64xf32, #tpu.memory_space<hbm>> -> memref<1000000x64xf32, #tpu.memory_space<hbm>>
        tpu.enqueue_indirect_dma source(%dma_start3A_312 : memref<1000000x64xf32, #tpu.memory_space<hbm>>) target(%dma_start3A_306 : memref<72x64xf32, #tpu.memory_space<vmem>>) offsets(%dma_start3A_309 : memref<72xi32, #tpu.memory_space<vmem>>) semaphore(%arg17 : memref<!tpu.dma_semaphore, #tpu.memory_space<semaphore_mem>>)
      } else {
      }
    }
    %scan3A_85 = arith.constant 16 : i32
    %dma_wait3A = arith.constant 0 : i32
    %dma_wait3A_86 = arith.constant 0 : i32
    %dma_wait3A_87 = tpu.memref_slice %arg4[%mul3A_2, %dma_wait3A, %dma_wait3A_86] : memref<2048x200x64xf32, #tpu.memory_space<hbm>> -> memref<1x200x64xf32, #tpu.memory_space<hbm>>
    %dma_wait3A_88 = tpu.memref_squeeze %dma_wait3A_87 : memref<1x200x64xf32, #tpu.memory_space<hbm>> -> memref<200x64xf32, #tpu.memory_space<hbm>>
    %dma_wait3A_89 = arith.constant 0 : i32
    %dma_wait3A_90 = arith.constant 0 : i32
    %dma_wait3A_91 = tpu.memref_slice %arg4[%mul3A_2, %dma_wait3A_89, %dma_wait3A_90] : memref<2048x200x64xf32, #tpu.memory_space<hbm>> -> memref<1x200x64xf32, #tpu.memory_space<hbm>>
    %dma_wait3A_92 = tpu.memref_squeeze %dma_wait3A_91 : memref<1x200x64xf32, #tpu.memory_space<hbm>> -> memref<200x64xf32, #tpu.memory_space<hbm>>
    tpu.wait_dma2 semaphore(%arg18 : memref<!tpu.dma_semaphore, #tpu.memory_space<semaphore_mem>>) src(%arg10 : memref<200x64xf32, #tpu.memory_space<vmem>>) dst(%dma_wait3A_92 : memref<200x64xf32, #tpu.memory_space<hbm>>)
    %dma_wait3A_93 = arith.constant 0 : i32
    %dma_wait3A_94 = arith.constant 0 : i32
    %dma_wait3A_95 = tpu.memref_slice %arg4[%mul3A_2, %dma_wait3A_93, %dma_wait3A_94] : memref<2048x200x64xf32, #tpu.memory_space<hbm>> -> memref<1x200x64xf32, #tpu.memory_space<hbm>>
    %dma_wait3A_96 = tpu.memref_squeeze %dma_wait3A_95 : memref<1x200x64xf32, #tpu.memory_space<hbm>> -> memref<200x64xf32, #tpu.memory_space<hbm>>
    %dma_wait3A_97 = arith.constant 0 : i32
    %dma_wait3A_98 = arith.constant 0 : i32
    %dma_wait3A_99 = tpu.memref_slice %arg4[%mul3A_2, %dma_wait3A_97, %dma_wait3A_98] : memref<2048x200x64xf32, #tpu.memory_space<hbm>> -> memref<1x200x64xf32, #tpu.memory_space<hbm>>
    %dma_wait3A_100 = tpu.memref_squeeze %dma_wait3A_99 : memref<1x200x64xf32, #tpu.memory_space<hbm>> -> memref<200x64xf32, #tpu.memory_space<hbm>>
    tpu.wait_dma2 semaphore(%arg19 : memref<!tpu.dma_semaphore, #tpu.memory_space<semaphore_mem>>) src(%arg11 : memref<200x64xf32, #tpu.memory_space<vmem>>) dst(%dma_wait3A_100 : memref<200x64xf32, #tpu.memory_space<hbm>>)
    %dma_wait3A_101 = arith.constant 0 : i32
    %dma_wait3A_102 = arith.constant 0 : i32
    %dma_wait3A_103 = tpu.memref_slice %arg4[%mul3A_2, %dma_wait3A_101, %dma_wait3A_102] : memref<2048x200x64xf32, #tpu.memory_space<hbm>> -> memref<1x200x64xf32, #tpu.memory_space<hbm>>
    %dma_wait3A_104 = tpu.memref_squeeze %dma_wait3A_103 : memref<1x200x64xf32, #tpu.memory_space<hbm>> -> memref<200x64xf32, #tpu.memory_space<hbm>>
    %dma_wait3A_105 = arith.constant 0 : i32
    %dma_wait3A_106 = arith.constant 0 : i32
    %dma_wait3A_107 = tpu.memref_slice %arg4[%mul3A_2, %dma_wait3A_105, %dma_wait3A_106] : memref<2048x200x64xf32, #tpu.memory_space<hbm>> -> memref<1x200x64xf32, #tpu.memory_space<hbm>>
    %dma_wait3A_108 = tpu.memref_squeeze %dma_wait3A_107 : memref<1x200x64xf32, #tpu.memory_space<hbm>> -> memref<200x64xf32, #tpu.memory_space<hbm>>
    tpu.wait_dma2 semaphore(%arg20 : memref<!tpu.dma_semaphore, #tpu.memory_space<semaphore_mem>>) src(%arg12 : memref<200x64xf32, #tpu.memory_space<vmem>>) dst(%dma_wait3A_108 : memref<200x64xf32, #tpu.memory_space<hbm>>)
    %dma_wait3A_109 = arith.constant 0 : i32
    %dma_wait3A_110 = arith.constant 0 : i32
    %dma_wait3A_111 = tpu.memref_slice %arg4[%mul3A_2, %dma_wait3A_109, %dma_wait3A_110] : memref<2048x200x64xf32, #tpu.memory_space<hbm>> -> memref<1x200x64xf32, #tpu.memory_space<hbm>>
    %dma_wait3A_112 = tpu.memref_squeeze %dma_wait3A_111 : memref<1x200x64xf32, #tpu.memory_space<hbm>> -> memref<200x64xf32, #tpu.memory_space<hbm>>
    %dma_wait3A_113 = arith.constant 0 : i32
    %dma_wait3A_114 = arith.constant 0 : i32
    %dma_wait3A_115 = tpu.memref_slice %arg4[%mul3A_2, %dma_wait3A_113, %dma_wait3A_114] : memref<2048x200x64xf32, #tpu.memory_space<hbm>> -> memref<1x200x64xf32, #tpu.memory_space<hbm>>
    %dma_wait3A_116 = tpu.memref_squeeze %dma_wait3A_115 : memref<1x200x64xf32, #tpu.memory_space<hbm>> -> memref<200x64xf32, #tpu.memory_space<hbm>>
    tpu.wait_dma2 semaphore(%arg21 : memref<!tpu.dma_semaphore, #tpu.memory_space<semaphore_mem>>) src(%arg13 : memref<200x64xf32, #tpu.memory_space<vmem>>) dst(%dma_wait3A_116 : memref<200x64xf32, #tpu.memory_space<hbm>>)
    return
  }
}

#map = affine_map<(d0, d1) -> (0, 0)>
#map1 = affine_map<(d0, d1) -> (0, 0, 0)>
module attributes {stable_mosaic.version = 14 : i64} {
  func.func @emb_kernel(%arg0: i32, %arg1: i32, %arg2: memref<2048x200xi32, #tpu.memory_space<hbm>>, %arg3: memref<1000000x64xf32, #tpu.memory_space<hbm>>, %arg4: memref<2048x200x64xf32, #tpu.memory_space<hbm>>, %arg5: memref<64x200xi32, #tpu.memory_space<vmem>>, %arg6: memref<200x64xf32, #tpu.memory_space<vmem>>, %arg7: memref<200x64xf32, #tpu.memory_space<vmem>>, %arg8: memref<200x64xf32, #tpu.memory_space<vmem>>, %arg9: memref<200x64xf32, #tpu.memory_space<vmem>>, %arg10: memref<200x64xf32, #tpu.memory_space<vmem>>, %arg11: memref<200x64xf32, #tpu.memory_space<vmem>>, %arg12: memref<200x64xf32, #tpu.memory_space<vmem>>, %arg13: memref<200x64xf32, #tpu.memory_space<vmem>>, %arg14: memref<!tpu.dma_semaphore, #tpu.memory_space<semaphore_mem>>, %arg15: memref<!tpu.dma_semaphore, #tpu.memory_space<semaphore_mem>>, %arg16: memref<!tpu.dma_semaphore, #tpu.memory_space<semaphore_mem>>, %arg17: memref<!tpu.dma_semaphore, #tpu.memory_space<semaphore_mem>>, %arg18: memref<!tpu.dma_semaphore, #tpu.memory_space<semaphore_mem>>, %arg19: memref<!tpu.dma_semaphore, #tpu.memory_space<semaphore_mem>>, %arg20: memref<!tpu.dma_semaphore, #tpu.memory_space<semaphore_mem>>, %arg21: memref<!tpu.dma_semaphore, #tpu.memory_space<semaphore_mem>>) attributes {dimension_semantics = [#tpu.dimension_semantics<core_parallel>, #tpu.dimension_semantics<subcore_parallel>], iteration_bounds = array<i64: 2, 16>, scalar_prefetch = 0 : i64, scratch_operands = 17 : i64, tpu.core_type = #tpu.core_type<sc_vector_subcore>, window_params = [{transform_indices = #map}, {transform_indices = #map}, {transform_indices = #map1}]} {
    %mul3A = arith.constant 2 : i32
    %mul3A_0 = arith.muli %arg1, %mul3A : i32
    %add3A = arith.addi %mul3A_0, %arg0 : i32
    %mul3A_1 = arith.constant 64 : i32
    %mul3A_2 = arith.muli %add3A, %mul3A_1 : i32
    "tpu.region"() ({
      %run_scoped3A = tpu.sem_alloc : memref<!tpu.dma_semaphore, #tpu.memory_space<semaphore_mem>>
      %dma_start3A_117 = arith.constant 0 : i32
      %dma_start3A_118 = tpu.memref_slice %arg2[%mul3A_2, %dma_start3A_117] : memref<2048x200xi32, #tpu.memory_space<hbm>> -> memref<64x200xi32, #tpu.memory_space<hbm>>
      %dma_start3A_119 = arith.constant 0 : i32
      %dma_start3A_120 = tpu.memref_slice %arg2[%mul3A_2, %dma_start3A_119] : memref<2048x200xi32, #tpu.memory_space<hbm>> -> memref<64x200xi32, #tpu.memory_space<hbm>>
      tpu.enqueue_dma source(%dma_start3A_120 : memref<64x200xi32, #tpu.memory_space<hbm>>) target(%arg5 : memref<64x200xi32, #tpu.memory_space<vmem>>) target_semaphore(%run_scoped3A : memref<!tpu.dma_semaphore, #tpu.memory_space<semaphore_mem>>)
      %dma_wait3A_121 = arith.constant 0 : i32
      %dma_wait3A_122 = tpu.memref_slice %arg2[%mul3A_2, %dma_wait3A_121] : memref<2048x200xi32, #tpu.memory_space<hbm>> -> memref<64x200xi32, #tpu.memory_space<hbm>>
      %dma_wait3A_123 = arith.constant 0 : i32
      %dma_wait3A_124 = tpu.memref_slice %arg2[%mul3A_2, %dma_wait3A_123] : memref<2048x200xi32, #tpu.memory_space<hbm>> -> memref<64x200xi32, #tpu.memory_space<hbm>>
      tpu.wait_dma2 semaphore(%run_scoped3A : memref<!tpu.dma_semaphore, #tpu.memory_space<semaphore_mem>>) src(%dma_wait3A_124 : memref<64x200xi32, #tpu.memory_space<hbm>>) dst(%arg5 : memref<64x200xi32, #tpu.memory_space<vmem>>)
      tpu.yield
    }) : () -> ()
    %dma_start3A = arith.constant 0 : i32
    %dma_start3A_3 = arith.constant 0 : i32
    %dma_start3A_4 = arith.constant 0 : i32
    %dma_start3A_5 = tpu.memref_slice %arg6[%dma_start3A_3, %dma_start3A_4] : memref<200x64xf32, #tpu.memory_space<vmem>> -> memref<128x64xf32, #tpu.memory_space<vmem>>
    %dma_start3A_6 = arith.constant 0 : i32
    %dma_start3A_7 = tpu.memref_slice %arg5[%dma_start3A, %dma_start3A_6] : memref<64x200xi32, #tpu.memory_space<vmem>> -> memref<1x128xi32, #tpu.memory_space<vmem>>
    %dma_start3A_8 = tpu.memref_squeeze %dma_start3A_7 : memref<1x128xi32, #tpu.memory_space<vmem>> -> memref<128xi32, #tpu.memory_space<vmem>>
    %dma_start3A_9 = arith.constant 0 : i32
    %dma_start3A_10 = arith.constant 0 : i32
    %dma_start3A_11 = tpu.memref_slice %arg3[%dma_start3A_9, %dma_start3A_10] : memref<1000000x64xf32, #tpu.memory_space<hbm>> -> memref<1000000x64xf32, #tpu.memory_space<hbm>>
    tpu.enqueue_indirect_dma source(%dma_start3A_11 : memref<1000000x64xf32, #tpu.memory_space<hbm>>) target(%dma_start3A_5 : memref<128x64xf32, #tpu.memory_space<vmem>>) offsets(%dma_start3A_8 : memref<128xi32, #tpu.memory_space<vmem>>) semaphore(%arg14 : memref<!tpu.dma_semaphore, #tpu.memory_space<semaphore_mem>>)
    %dma_start3A_12 = arith.constant 0 : i32
    %dma_start3A_13 = arith.constant 128 : i32
    %dma_start3A_14 = arith.constant 0 : i32
    %dma_start3A_15 = tpu.memref_slice %arg6[%dma_start3A_13, %dma_start3A_14] : memref<200x64xf32, #tpu.memory_space<vmem>> -> memref<72x64xf32, #tpu.memory_space<vmem>>
    %dma_start3A_16 = arith.constant 128 : i32
    %dma_start3A_17 = tpu.memref_slice %arg5[%dma_start3A_12, %dma_start3A_16] : memref<64x200xi32, #tpu.memory_space<vmem>> -> memref<1x72xi32, #tpu.memory_space<vmem>>
    %dma_start3A_18 = tpu.memref_squeeze %dma_start3A_17 : memref<1x72xi32, #tpu.memory_space<vmem>> -> memref<72xi32, #tpu.memory_space<vmem>>
    %dma_start3A_19 = arith.constant 0 : i32
    %dma_start3A_20 = arith.constant 0 : i32
    %dma_start3A_21 = tpu.memref_slice %arg3[%dma_start3A_19, %dma_start3A_20] : memref<1000000x64xf32, #tpu.memory_space<hbm>> -> memref<1000000x64xf32, #tpu.memory_space<hbm>>
    tpu.enqueue_indirect_dma source(%dma_start3A_21 : memref<1000000x64xf32, #tpu.memory_space<hbm>>) target(%dma_start3A_15 : memref<72x64xf32, #tpu.memory_space<vmem>>) offsets(%dma_start3A_18 : memref<72xi32, #tpu.memory_space<vmem>>) semaphore(%arg14 : memref<!tpu.dma_semaphore, #tpu.memory_space<semaphore_mem>>)
    %dma_start3A_22 = arith.constant 1 : i32
    %dma_start3A_23 = arith.constant 0 : i32
    %dma_start3A_24 = arith.constant 0 : i32
    %dma_start3A_25 = tpu.memref_slice %arg7[%dma_start3A_23, %dma_start3A_24] : memref<200x64xf32, #tpu.memory_space<vmem>> -> memref<128x64xf32, #tpu.memory_space<vmem>>
    %dma_start3A_26 = arith.constant 0 : i32
    %dma_start3A_27 = tpu.memref_slice %arg5[%dma_start3A_22, %dma_start3A_26] : memref<64x200xi32, #tpu.memory_space<vmem>> -> memref<1x128xi32, #tpu.memory_space<vmem>>
    %dma_start3A_28 = tpu.memref_squeeze %dma_start3A_27 : memref<1x128xi32, #tpu.memory_space<vmem>> -> memref<128xi32, #tpu.memory_space<vmem>>
    %dma_start3A_29 = arith.constant 0 : i32
    %dma_start3A_30 = arith.constant 0 : i32
    %dma_start3A_31 = tpu.memref_slice %arg3[%dma_start3A_29, %dma_start3A_30] : memref<1000000x64xf32, #tpu.memory_space<hbm>> -> memref<1000000x64xf32, #tpu.memory_space<hbm>>
    tpu.enqueue_indirect_dma source(%dma_start3A_31 : memref<1000000x64xf32, #tpu.memory_space<hbm>>) target(%dma_start3A_25 : memref<128x64xf32, #tpu.memory_space<vmem>>) offsets(%dma_start3A_28 : memref<128xi32, #tpu.memory_space<vmem>>) semaphore(%arg15 : memref<!tpu.dma_semaphore, #tpu.memory_space<semaphore_mem>>)
    %dma_start3A_32 = arith.constant 1 : i32
    %dma_start3A_33 = arith.constant 128 : i32
    %dma_start3A_34 = arith.constant 0 : i32
    %dma_start3A_35 = tpu.memref_slice %arg7[%dma_start3A_33, %dma_start3A_34] : memref<200x64xf32, #tpu.memory_space<vmem>> -> memref<72x64xf32, #tpu.memory_space<vmem>>
    %dma_start3A_36 = arith.constant 128 : i32
    %dma_start3A_37 = tpu.memref_slice %arg5[%dma_start3A_32, %dma_start3A_36] : memref<64x200xi32, #tpu.memory_space<vmem>> -> memref<1x72xi32, #tpu.memory_space<vmem>>
    %dma_start3A_38 = tpu.memref_squeeze %dma_start3A_37 : memref<1x72xi32, #tpu.memory_space<vmem>> -> memref<72xi32, #tpu.memory_space<vmem>>
    %dma_start3A_39 = arith.constant 0 : i32
    %dma_start3A_40 = arith.constant 0 : i32
    %dma_start3A_41 = tpu.memref_slice %arg3[%dma_start3A_39, %dma_start3A_40] : memref<1000000x64xf32, #tpu.memory_space<hbm>> -> memref<1000000x64xf32, #tpu.memory_space<hbm>>
    tpu.enqueue_indirect_dma source(%dma_start3A_41 : memref<1000000x64xf32, #tpu.memory_space<hbm>>) target(%dma_start3A_35 : memref<72x64xf32, #tpu.memory_space<vmem>>) offsets(%dma_start3A_38 : memref<72xi32, #tpu.memory_space<vmem>>) semaphore(%arg15 : memref<!tpu.dma_semaphore, #tpu.memory_space<semaphore_mem>>)
    %dma_start3A_42 = arith.constant 2 : i32
    %dma_start3A_43 = arith.constant 0 : i32
    %dma_start3A_44 = arith.constant 0 : i32
    %dma_start3A_45 = tpu.memref_slice %arg8[%dma_start3A_43, %dma_start3A_44] : memref<200x64xf32, #tpu.memory_space<vmem>> -> memref<128x64xf32, #tpu.memory_space<vmem>>
    %dma_start3A_46 = arith.constant 0 : i32
    %dma_start3A_47 = tpu.memref_slice %arg5[%dma_start3A_42, %dma_start3A_46] : memref<64x200xi32, #tpu.memory_space<vmem>> -> memref<1x128xi32, #tpu.memory_space<vmem>>
    %dma_start3A_48 = tpu.memref_squeeze %dma_start3A_47 : memref<1x128xi32, #tpu.memory_space<vmem>> -> memref<128xi32, #tpu.memory_space<vmem>>
    %dma_start3A_49 = arith.constant 0 : i32
    %dma_start3A_50 = arith.constant 0 : i32
    %dma_start3A_51 = tpu.memref_slice %arg3[%dma_start3A_49, %dma_start3A_50] : memref<1000000x64xf32, #tpu.memory_space<hbm>> -> memref<1000000x64xf32, #tpu.memory_space<hbm>>
    tpu.enqueue_indirect_dma source(%dma_start3A_51 : memref<1000000x64xf32, #tpu.memory_space<hbm>>) target(%dma_start3A_45 : memref<128x64xf32, #tpu.memory_space<vmem>>) offsets(%dma_start3A_48 : memref<128xi32, #tpu.memory_space<vmem>>) semaphore(%arg16 : memref<!tpu.dma_semaphore, #tpu.memory_space<semaphore_mem>>)
    %dma_start3A_52 = arith.constant 2 : i32
    %dma_start3A_53 = arith.constant 128 : i32
    %dma_start3A_54 = arith.constant 0 : i32
    %dma_start3A_55 = tpu.memref_slice %arg8[%dma_start3A_53, %dma_start3A_54] : memref<200x64xf32, #tpu.memory_space<vmem>> -> memref<72x64xf32, #tpu.memory_space<vmem>>
    %dma_start3A_56 = arith.constant 128 : i32
    %dma_start3A_57 = tpu.memref_slice %arg5[%dma_start3A_52, %dma_start3A_56] : memref<64x200xi32, #tpu.memory_space<vmem>> -> memref<1x72xi32, #tpu.memory_space<vmem>>
    %dma_start3A_58 = tpu.memref_squeeze %dma_start3A_57 : memref<1x72xi32, #tpu.memory_space<vmem>> -> memref<72xi32, #tpu.memory_space<vmem>>
    %dma_start3A_59 = arith.constant 0 : i32
    %dma_start3A_60 = arith.constant 0 : i32
    %dma_start3A_61 = tpu.memref_slice %arg3[%dma_start3A_59, %dma_start3A_60] : memref<1000000x64xf32, #tpu.memory_space<hbm>> -> memref<1000000x64xf32, #tpu.memory_space<hbm>>
    tpu.enqueue_indirect_dma source(%dma_start3A_61 : memref<1000000x64xf32, #tpu.memory_space<hbm>>) target(%dma_start3A_55 : memref<72x64xf32, #tpu.memory_space<vmem>>) offsets(%dma_start3A_58 : memref<72xi32, #tpu.memory_space<vmem>>) semaphore(%arg16 : memref<!tpu.dma_semaphore, #tpu.memory_space<semaphore_mem>>)
    %dma_start3A_62 = arith.constant 3 : i32
    %dma_start3A_63 = arith.constant 0 : i32
    %dma_start3A_64 = arith.constant 0 : i32
    %dma_start3A_65 = tpu.memref_slice %arg9[%dma_start3A_63, %dma_start3A_64] : memref<200x64xf32, #tpu.memory_space<vmem>> -> memref<128x64xf32, #tpu.memory_space<vmem>>
    %dma_start3A_66 = arith.constant 0 : i32
    %dma_start3A_67 = tpu.memref_slice %arg5[%dma_start3A_62, %dma_start3A_66] : memref<64x200xi32, #tpu.memory_space<vmem>> -> memref<1x128xi32, #tpu.memory_space<vmem>>
    %dma_start3A_68 = tpu.memref_squeeze %dma_start3A_67 : memref<1x128xi32, #tpu.memory_space<vmem>> -> memref<128xi32, #tpu.memory_space<vmem>>
    %dma_start3A_69 = arith.constant 0 : i32
    %dma_start3A_70 = arith.constant 0 : i32
    %dma_start3A_71 = tpu.memref_slice %arg3[%dma_start3A_69, %dma_start3A_70] : memref<1000000x64xf32, #tpu.memory_space<hbm>> -> memref<1000000x64xf32, #tpu.memory_space<hbm>>
    tpu.enqueue_indirect_dma source(%dma_start3A_71 : memref<1000000x64xf32, #tpu.memory_space<hbm>>) target(%dma_start3A_65 : memref<128x64xf32, #tpu.memory_space<vmem>>) offsets(%dma_start3A_68 : memref<128xi32, #tpu.memory_space<vmem>>) semaphore(%arg17 : memref<!tpu.dma_semaphore, #tpu.memory_space<semaphore_mem>>)
    %dma_start3A_72 = arith.constant 3 : i32
    %dma_start3A_73 = arith.constant 128 : i32
    %dma_start3A_74 = arith.constant 0 : i32
    %dma_start3A_75 = tpu.memref_slice %arg9[%dma_start3A_73, %dma_start3A_74] : memref<200x64xf32, #tpu.memory_space<vmem>> -> memref<72x64xf32, #tpu.memory_space<vmem>>
    %dma_start3A_76 = arith.constant 128 : i32
    %dma_start3A_77 = tpu.memref_slice %arg5[%dma_start3A_72, %dma_start3A_76] : memref<64x200xi32, #tpu.memory_space<vmem>> -> memref<1x72xi32, #tpu.memory_space<vmem>>
    %dma_start3A_78 = tpu.memref_squeeze %dma_start3A_77 : memref<1x72xi32, #tpu.memory_space<vmem>> -> memref<72xi32, #tpu.memory_space<vmem>>
    %dma_start3A_79 = arith.constant 0 : i32
    %dma_start3A_80 = arith.constant 0 : i32
    %dma_start3A_81 = tpu.memref_slice %arg3[%dma_start3A_79, %dma_start3A_80] : memref<1000000x64xf32, #tpu.memory_space<hbm>> -> memref<1000000x64xf32, #tpu.memory_space<hbm>>
    tpu.enqueue_indirect_dma source(%dma_start3A_81 : memref<1000000x64xf32, #tpu.memory_space<hbm>>) target(%dma_start3A_75 : memref<72x64xf32, #tpu.memory_space<vmem>>) offsets(%dma_start3A_78 : memref<72xi32, #tpu.memory_space<vmem>>) semaphore(%arg17 : memref<!tpu.dma_semaphore, #tpu.memory_space<semaphore_mem>>)
    %scan3A = arith.constant 0 : i32
    %scan3A_82 = arith.constant 16 : i32
    %scan3A_83 = arith.addi %scan3A, %scan3A_82 : i32
    %scan3A_84 = arith.constant 1 : i32
    scf.for %scan3A_117 = %scan3A to %scan3A_83 step %scan3A_84  : i32 {
      %mul3A_118 = arith.constant 4 : i32
      %mul3A_119 = arith.muli %scan3A_117, %mul3A_118 : i32
      %add3A_120 = arith.constant 0 : i32
      %add3A_121 = arith.addi %add3A_120, %mul3A_119 : i32
      %add3A_122 = arith.constant 0 : i32
      %add3A_123 = arith.addi %add3A_121, %add3A_122 : i32
      %dma_wait3A_124 = arith.constant 0 : i32
      %dma_wait3A_125 = arith.constant 0 : i32
      %dma_wait3A_126 = tpu.memref_slice %arg6[%dma_wait3A_124, %dma_wait3A_125] : memref<200x64xf32, #tpu.memory_space<vmem>> -> memref<128x64xf32, #tpu.memory_space<vmem>>
      %dma_wait3A_127 = arith.constant 0 : i32
      %dma_wait3A_128 = tpu.memref_slice %arg5[%add3A_123, %dma_wait3A_127] : memref<64x200xi32, #tpu.memory_space<vmem>> -> memref<1x128xi32, #tpu.memory_space<vmem>>
      %dma_wait3A_129 = tpu.memref_squeeze %dma_wait3A_128 : memref<1x128xi32, #tpu.memory_space<vmem>> -> memref<128xi32, #tpu.memory_space<vmem>>
      %dma_wait3A_130 = arith.constant 0 : i32
      %dma_wait3A_131 = arith.constant 0 : i32
      %dma_wait3A_132 = tpu.memref_slice %arg3[%dma_wait3A_130, %dma_wait3A_131] : memref<1000000x64xf32, #tpu.memory_space<hbm>> -> memref<1000000x64xf32, #tpu.memory_space<hbm>>
      tpu.wait_indirect_dma semaphore(%arg14 : memref<!tpu.dma_semaphore, #tpu.memory_space<semaphore_mem>>) src(%dma_wait3A_132 : memref<1000000x64xf32, #tpu.memory_space<hbm>>) dst(%dma_wait3A_126 : memref<128x64xf32, #tpu.memory_space<vmem>>)
      %dma_wait3A_133 = arith.constant 128 : i32
      %dma_wait3A_134 = arith.constant 0 : i32
      %dma_wait3A_135 = tpu.memref_slice %arg6[%dma_wait3A_133, %dma_wait3A_134] : memref<200x64xf32, #tpu.memory_space<vmem>> -> memref<72x64xf32, #tpu.memory_space<vmem>>
      %dma_wait3A_136 = arith.constant 128 : i32
      %dma_wait3A_137 = tpu.memref_slice %arg5[%add3A_123, %dma_wait3A_136] : memref<64x200xi32, #tpu.memory_space<vmem>> -> memref<1x72xi32, #tpu.memory_space<vmem>>
      %dma_wait3A_138 = tpu.memref_squeeze %dma_wait3A_137 : memref<1x72xi32, #tpu.memory_space<vmem>> -> memref<72xi32, #tpu.memory_space<vmem>>
      %dma_wait3A_139 = arith.constant 0 : i32
      %dma_wait3A_140 = arith.constant 0 : i32
      %dma_wait3A_141 = tpu.memref_slice %arg3[%dma_wait3A_139, %dma_wait3A_140] : memref<1000000x64xf32, #tpu.memory_space<hbm>> -> memref<1000000x64xf32, #tpu.memory_space<hbm>>
      tpu.wait_indirect_dma semaphore(%arg14 : memref<!tpu.dma_semaphore, #tpu.memory_space<semaphore_mem>>) src(%dma_wait3A_141 : memref<1000000x64xf32, #tpu.memory_space<hbm>>) dst(%dma_wait3A_135 : memref<72x64xf32, #tpu.memory_space<vmem>>)
      %ge3A = arith.constant 4 : i32
      %ge3A_142 = arith.cmpi sge, %add3A_123, %ge3A : i32
      %convert_element_type3A = arith.extui %ge3A_142 : i1 to i32
      %cond3A = arith.constant 0 : i32
      %cond3A_143 = arith.cmpi ne, %convert_element_type3A, %cond3A : i32
      scf.if %cond3A_143 {
        %dma_wait3A_293 = arith.constant 0 : i32
        %dma_wait3A_294 = arith.constant 0 : i32
        %dma_wait3A_295 = tpu.memref_slice %arg4[%mul3A_2, %dma_wait3A_293, %dma_wait3A_294] : memref<2048x200x64xf32, #tpu.memory_space<hbm>> -> memref<1x200x64xf32, #tpu.memory_space<hbm>>
        %dma_wait3A_296 = tpu.memref_squeeze %dma_wait3A_295 : memref<1x200x64xf32, #tpu.memory_space<hbm>> -> memref<200x64xf32, #tpu.memory_space<hbm>>
        %dma_wait3A_297 = arith.constant 0 : i32
        %dma_wait3A_298 = arith.constant 0 : i32
        %dma_wait3A_299 = tpu.memref_slice %arg4[%mul3A_2, %dma_wait3A_297, %dma_wait3A_298] : memref<2048x200x64xf32, #tpu.memory_space<hbm>> -> memref<1x200x64xf32, #tpu.memory_space<hbm>>
        %dma_wait3A_300 = tpu.memref_squeeze %dma_wait3A_299 : memref<1x200x64xf32, #tpu.memory_space<hbm>> -> memref<200x64xf32, #tpu.memory_space<hbm>>
        tpu.wait_dma2 semaphore(%arg18 : memref<!tpu.dma_semaphore, #tpu.memory_space<semaphore_mem>>) src(%arg10 : memref<200x64xf32, #tpu.memory_space<vmem>>) dst(%dma_wait3A_300 : memref<200x64xf32, #tpu.memory_space<hbm>>)
      } else {
      }
      %parallel_loop3A = arith.constant 0 : i32
      %parallel_loop3A_144 = arith.constant 200 : i32
      %parallel_loop3A_145 = arith.constant 1 : i32
      scf.for %parallel_loop3A_293 = %parallel_loop3A to %parallel_loop3A_144 step %parallel_loop3A_145  : i32 {
        %parallel_loop3A_294 = arith.index_cast %parallel_loop3A_293 : i32 to index
        %parallel_loop3A_295 = arith.constant 0 : index
        %parallel_loop3A_296 = tpu.vector_load %arg6[%parallel_loop3A_294, %parallel_loop3A_295] {strides = array<i32>} : memref<200x64xf32, #tpu.memory_space<vmem>>, vector<1x16xf32>,
        %parallel_loop3A_297 = vector.shape_cast %parallel_loop3A_296 : vector<1x16xf32> to vector<16xf32>
        %parallel_loop3A_298 = arith.constant 8.000000e+00 : f32
        %parallel_loop3A_299 = vector.broadcast %parallel_loop3A_298 : f32 to vector<16xf32>
        %parallel_loop3A_300 = arith.mulf %parallel_loop3A_297, %parallel_loop3A_299 : vector<16xf32>
        %parallel_loop3A_301 = arith.index_cast %parallel_loop3A_293 : i32 to index
        %parallel_loop3A_302 = arith.constant 0 : index
        %parallel_loop3A_303 = tpu.vector_load %arg10[%parallel_loop3A_301, %parallel_loop3A_302] {strides = array<i32>} : memref<200x64xf32, #tpu.memory_space<vmem>>, vector<1x16xf32>,
        %parallel_loop3A_304 = vector.shape_cast %parallel_loop3A_303 : vector<1x16xf32> to vector<16xf32>
        %parallel_loop3A_305 = vector.shape_cast %parallel_loop3A_300 : vector<16xf32> to vector<1x16xf32>
        tpu.vector_store %arg10[%parallel_loop3A_301, %parallel_loop3A_302], %parallel_loop3A_305 {strides = array<i32>} : memref<200x64xf32, #tpu.memory_space<vmem>>, vector<1x16xf32>,
        %parallel_loop3A_306 = arith.index_cast %parallel_loop3A_293 : i32 to index
        %parallel_loop3A_307 = arith.constant 16 : index
        %parallel_loop3A_308 = tpu.vector_load %arg6[%parallel_loop3A_306, %parallel_loop3A_307] {strides = array<i32>} : memref<200x64xf32, #tpu.memory_space<vmem>>, vector<1x16xf32>,
        %parallel_loop3A_309 = vector.shape_cast %parallel_loop3A_308 : vector<1x16xf32> to vector<16xf32>
        %parallel_loop3A_310 = arith.constant 8.000000e+00 : f32
        %parallel_loop3A_311 = vector.broadcast %parallel_loop3A_310 : f32 to vector<16xf32>
        %parallel_loop3A_312 = arith.mulf %parallel_loop3A_309, %parallel_loop3A_311 : vector<16xf32>
        %parallel_loop3A_313 = arith.index_cast %parallel_loop3A_293 : i32 to index
        %parallel_loop3A_314 = arith.constant 16 : index
        %parallel_loop3A_315 = tpu.vector_load %arg10[%parallel_loop3A_313, %parallel_loop3A_314] {strides = array<i32>} : memref<200x64xf32, #tpu.memory_space<vmem>>, vector<1x16xf32>,
        %parallel_loop3A_316 = vector.shape_cast %parallel_loop3A_315 : vector<1x16xf32> to vector<16xf32>
        %parallel_loop3A_317 = vector.shape_cast %parallel_loop3A_312 : vector<16xf32> to vector<1x16xf32>
        tpu.vector_store %arg10[%parallel_loop3A_313, %parallel_loop3A_314], %parallel_loop3A_317 {strides = array<i32>} : memref<200x64xf32, #tpu.memory_space<vmem>>, vector<1x16xf32>,
        %parallel_loop3A_318 = arith.index_cast %parallel_loop3A_293 : i32 to index
        %parallel_loop3A_319 = arith.constant 32 : index
        %parallel_loop3A_320 = tpu.vector_load %arg6[%parallel_loop3A_318, %parallel_loop3A_319] {strides = array<i32>} : memref<200x64xf32, #tpu.memory_space<vmem>>, vector<1x16xf32>,
        %parallel_loop3A_321 = vector.shape_cast %parallel_loop3A_320 : vector<1x16xf32> to vector<16xf32>
        %parallel_loop3A_322 = arith.constant 8.000000e+00 : f32
        %parallel_loop3A_323 = vector.broadcast %parallel_loop3A_322 : f32 to vector<16xf32>
        %parallel_loop3A_324 = arith.mulf %parallel_loop3A_321, %parallel_loop3A_323 : vector<16xf32>
        %parallel_loop3A_325 = arith.index_cast %parallel_loop3A_293 : i32 to index
        %parallel_loop3A_326 = arith.constant 32 : index
        %parallel_loop3A_327 = tpu.vector_load %arg10[%parallel_loop3A_325, %parallel_loop3A_326] {strides = array<i32>} : memref<200x64xf32, #tpu.memory_space<vmem>>, vector<1x16xf32>,
        %parallel_loop3A_328 = vector.shape_cast %parallel_loop3A_327 : vector<1x16xf32> to vector<16xf32>
        %parallel_loop3A_329 = vector.shape_cast %parallel_loop3A_324 : vector<16xf32> to vector<1x16xf32>
        tpu.vector_store %arg10[%parallel_loop3A_325, %parallel_loop3A_326], %parallel_loop3A_329 {strides = array<i32>} : memref<200x64xf32, #tpu.memory_space<vmem>>, vector<1x16xf32>,
        %parallel_loop3A_330 = arith.index_cast %parallel_loop3A_293 : i32 to index
        %parallel_loop3A_331 = arith.constant 48 : index
        %parallel_loop3A_332 = tpu.vector_load %arg6[%parallel_loop3A_330, %parallel_loop3A_331] {strides = array<i32>} : memref<200x64xf32, #tpu.memory_space<vmem>>, vector<1x16xf32>,
        %parallel_loop3A_333 = vector.shape_cast %parallel_loop3A_332 : vector<1x16xf32> to vector<16xf32>
        %parallel_loop3A_334 = arith.constant 8.000000e+00 : f32
        %parallel_loop3A_335 = vector.broadcast %parallel_loop3A_334 : f32 to vector<16xf32>
        %parallel_loop3A_336 = arith.mulf %parallel_loop3A_333, %parallel_loop3A_335 : vector<16xf32>
        %parallel_loop3A_337 = arith.index_cast %parallel_loop3A_293 : i32 to index
        %parallel_loop3A_338 = arith.constant 48 : index
        %parallel_loop3A_339 = tpu.vector_load %arg10[%parallel_loop3A_337, %parallel_loop3A_338] {strides = array<i32>} : memref<200x64xf32, #tpu.memory_space<vmem>>, vector<1x16xf32>,
        %parallel_loop3A_340 = vector.shape_cast %parallel_loop3A_339 : vector<1x16xf32> to vector<16xf32>
        %parallel_loop3A_341 = vector.shape_cast %parallel_loop3A_336 : vector<16xf32> to vector<1x16xf32>
        tpu.vector_store %arg10[%parallel_loop3A_337, %parallel_loop3A_338], %parallel_loop3A_341 {strides = array<i32>} : memref<200x64xf32, #tpu.memory_space<vmem>>, vector<1x16xf32>,
      } {sc.loop_unroll_factor = 8 : i64, sc.parallel_access}
      %add3A_146 = arith.addi %mul3A_2, %add3A_123 : i32
      %dma_start3A_147 = arith.constant 0 : i32
      %dma_start3A_148 = arith.constant 0 : i32
      %dma_start3A_149 = tpu.memref_slice %arg4[%add3A_146, %dma_start3A_147, %dma_start3A_148] : memref<2048x200x64xf32, #tpu.memory_space<hbm>> -> memref<1x200x64xf32, #tpu.memory_space<hbm>>
      %dma_start3A_150 = tpu.memref_squeeze %dma_start3A_149 : memref<1x200x64xf32, #tpu.memory_space<hbm>> -> memref<200x64xf32, #tpu.memory_space<hbm>>
      %dma_start3A_151 = arith.constant 0 : i32
      %dma_start3A_152 = arith.constant 0 : i32
      %dma_start3A_153 = tpu.memref_slice %arg4[%add3A_146, %dma_start3A_151, %dma_start3A_152] : memref<2048x200x64xf32, #tpu.memory_space<hbm>> -> memref<1x200x64xf32, #tpu.memory_space<hbm>>
      %dma_start3A_154 = tpu.memref_squeeze %dma_start3A_153 : memref<1x200x64xf32, #tpu.memory_space<hbm>> -> memref<200x64xf32, #tpu.memory_space<hbm>>
      tpu.enqueue_dma source(%arg10 : memref<200x64xf32, #tpu.memory_space<vmem>>) target(%dma_start3A_154 : memref<200x64xf32, #tpu.memory_space<hbm>>) target_semaphore(%arg18 : memref<!tpu.dma_semaphore, #tpu.memory_space<semaphore_mem>>)
      %add3A_155 = arith.constant 4 : i32
      %add3A_156 = arith.addi %add3A_123, %add3A_155 : i32
      %lt3A = arith.constant 64 : i32
      %lt3A_157 = arith.cmpi slt, %add3A_156, %lt3A : i32
      %convert_element_type3A_158 = arith.extui %lt3A_157 : i1 to i32
      %cond3A_159 = arith.constant 0 : i32
      %cond3A_160 = arith.cmpi ne, %convert_element_type3A_158, %cond3A_159 : i32
      scf.if %cond3A_160 {
        %add3A_293 = arith.constant 4 : i32
        %add3A_294 = arith.addi %add3A_123, %add3A_293 : i32
        %dma_start3A_295 = arith.constant 0 : i32
        %dma_start3A_296 = arith.constant 0 : i32
        %dma_start3A_297 = tpu.memref_slice %arg6[%dma_start3A_295, %dma_start3A_296] : memref<200x64xf32, #tpu.memory_space<vmem>> -> memref<128x64xf32, #tpu.memory_space<vmem>>
        %dma_start3A_298 = arith.constant 0 : i32
        %dma_start3A_299 = tpu.memref_slice %arg5[%add3A_294, %dma_start3A_298] : memref<64x200xi32, #tpu.memory_space<vmem>> -> memref<1x128xi32, #tpu.memory_space<vmem>>
        %dma_start3A_300 = tpu.memref_squeeze %dma_start3A_299 : memref<1x128xi32, #tpu.memory_space<vmem>> -> memref<128xi32, #tpu.memory_space<vmem>>
        %dma_start3A_301 = arith.constant 0 : i32
        %dma_start3A_302 = arith.constant 0 : i32
        %dma_start3A_303 = tpu.memref_slice %arg3[%dma_start3A_301, %dma_start3A_302] : memref<1000000x64xf32, #tpu.memory_space<hbm>> -> memref<1000000x64xf32, #tpu.memory_space<hbm>>
        tpu.enqueue_indirect_dma source(%dma_start3A_303 : memref<1000000x64xf32, #tpu.memory_space<hbm>>) target(%dma_start3A_297 : memref<128x64xf32, #tpu.memory_space<vmem>>) offsets(%dma_start3A_300 : memref<128xi32, #tpu.memory_space<vmem>>) semaphore(%arg14 : memref<!tpu.dma_semaphore, #tpu.memory_space<semaphore_mem>>)
        %dma_start3A_304 = arith.constant 128 : i32
        %dma_start3A_305 = arith.constant 0 : i32
        %dma_start3A_306 = tpu.memref_slice %arg6[%dma_start3A_304, %dma_start3A_305] : memref<200x64xf32, #tpu.memory_space<vmem>> -> memref<72x64xf32, #tpu.memory_space<vmem>>
        %dma_start3A_307 = arith.constant 128 : i32
        %dma_start3A_308 = tpu.memref_slice %arg5[%add3A_294, %dma_start3A_307] : memref<64x200xi32, #tpu.memory_space<vmem>> -> memref<1x72xi32, #tpu.memory_space<vmem>>
        %dma_start3A_309 = tpu.memref_squeeze %dma_start3A_308 : memref<1x72xi32, #tpu.memory_space<vmem>> -> memref<72xi32, #tpu.memory_space<vmem>>
        %dma_start3A_310 = arith.constant 0 : i32
        %dma_start3A_311 = arith.constant 0 : i32
        %dma_start3A_312 = tpu.memref_slice %arg3[%dma_start3A_310, %dma_start3A_311] : memref<1000000x64xf32, #tpu.memory_space<hbm>> -> memref<1000000x64xf32, #tpu.memory_space<hbm>>
        tpu.enqueue_indirect_dma source(%dma_start3A_312 : memref<1000000x64xf32, #tpu.memory_space<hbm>>) target(%dma_start3A_306 : memref<72x64xf32, #tpu.memory_space<vmem>>) offsets(%dma_start3A_309 : memref<72xi32, #tpu.memory_space<vmem>>) semaphore(%arg14 : memref<!tpu.dma_semaphore, #tpu.memory_space<semaphore_mem>>)
      } else {
      }
      %add3A_161 = arith.constant 1 : i32
      %add3A_162 = arith.addi %add3A_121, %add3A_161 : i32
      %dma_wait3A_163 = arith.constant 0 : i32
      %dma_wait3A_164 = arith.constant 0 : i32
      %dma_wait3A_165 = tpu.memref_slice %arg7[%dma_wait3A_163, %dma_wait3A_164] : memref<200x64xf32, #tpu.memory_space<vmem>> -> memref<128x64xf32, #tpu.memory_space<vmem>>
      %dma_wait3A_166 = arith.constant 0 : i32
      %dma_wait3A_167 = tpu.memref_slice %arg5[%add3A_162, %dma_wait3A_166] : memref<64x200xi32, #tpu.memory_space<vmem>> -> memref<1x128xi32, #tpu.memory_space<vmem>>
      %dma_wait3A_168 = tpu.memref_squeeze %dma_wait3A_167 : memref<1x128xi32, #tpu.memory_space<vmem>> -> memref<128xi32, #tpu.memory_space<vmem>>
      %dma_wait3A_169 = arith.constant 0 : i32
      %dma_wait3A_170 = arith.constant 0 : i32
      %dma_wait3A_171 = tpu.memref_slice %arg3[%dma_wait3A_169, %dma_wait3A_170] : memref<1000000x64xf32, #tpu.memory_space<hbm>> -> memref<1000000x64xf32, #tpu.memory_space<hbm>>
      tpu.wait_indirect_dma semaphore(%arg15 : memref<!tpu.dma_semaphore, #tpu.memory_space<semaphore_mem>>) src(%dma_wait3A_171 : memref<1000000x64xf32, #tpu.memory_space<hbm>>) dst(%dma_wait3A_165 : memref<128x64xf32, #tpu.memory_space<vmem>>)
      %dma_wait3A_172 = arith.constant 128 : i32
      %dma_wait3A_173 = arith.constant 0 : i32
      %dma_wait3A_174 = tpu.memref_slice %arg7[%dma_wait3A_172, %dma_wait3A_173] : memref<200x64xf32, #tpu.memory_space<vmem>> -> memref<72x64xf32, #tpu.memory_space<vmem>>
      %dma_wait3A_175 = arith.constant 128 : i32
      %dma_wait3A_176 = tpu.memref_slice %arg5[%add3A_162, %dma_wait3A_175] : memref<64x200xi32, #tpu.memory_space<vmem>> -> memref<1x72xi32, #tpu.memory_space<vmem>>
      %dma_wait3A_177 = tpu.memref_squeeze %dma_wait3A_176 : memref<1x72xi32, #tpu.memory_space<vmem>> -> memref<72xi32, #tpu.memory_space<vmem>>
      %dma_wait3A_178 = arith.constant 0 : i32
      %dma_wait3A_179 = arith.constant 0 : i32
      %dma_wait3A_180 = tpu.memref_slice %arg3[%dma_wait3A_178, %dma_wait3A_179] : memref<1000000x64xf32, #tpu.memory_space<hbm>> -> memref<1000000x64xf32, #tpu.memory_space<hbm>>
      tpu.wait_indirect_dma semaphore(%arg15 : memref<!tpu.dma_semaphore, #tpu.memory_space<semaphore_mem>>) src(%dma_wait3A_180 : memref<1000000x64xf32, #tpu.memory_space<hbm>>) dst(%dma_wait3A_174 : memref<72x64xf32, #tpu.memory_space<vmem>>)
      %ge3A_181 = arith.constant 4 : i32
      %ge3A_182 = arith.cmpi sge, %add3A_162, %ge3A_181 : i32
      %convert_element_type3A_183 = arith.extui %ge3A_182 : i1 to i32
      %cond3A_184 = arith.constant 0 : i32
      %cond3A_185 = arith.cmpi ne, %convert_element_type3A_183, %cond3A_184 : i32
      scf.if %cond3A_185 {
        %dma_wait3A_293 = arith.constant 0 : i32
        %dma_wait3A_294 = arith.constant 0 : i32
        %dma_wait3A_295 = tpu.memref_slice %arg4[%mul3A_2, %dma_wait3A_293, %dma_wait3A_294] : memref<2048x200x64xf32, #tpu.memory_space<hbm>> -> memref<1x200x64xf32, #tpu.memory_space<hbm>>
        %dma_wait3A_296 = tpu.memref_squeeze %dma_wait3A_295 : memref<1x200x64xf32, #tpu.memory_space<hbm>> -> memref<200x64xf32, #tpu.memory_space<hbm>>
        %dma_wait3A_297 = arith.constant 0 : i32
        %dma_wait3A_298 = arith.constant 0 : i32
        %dma_wait3A_299 = tpu.memref_slice %arg4[%mul3A_2, %dma_wait3A_297, %dma_wait3A_298] : memref<2048x200x64xf32, #tpu.memory_space<hbm>> -> memref<1x200x64xf32, #tpu.memory_space<hbm>>
        %dma_wait3A_300 = tpu.memref_squeeze %dma_wait3A_299 : memref<1x200x64xf32, #tpu.memory_space<hbm>> -> memref<200x64xf32, #tpu.memory_space<hbm>>
        tpu.wait_dma2 semaphore(%arg19 : memref<!tpu.dma_semaphore, #tpu.memory_space<semaphore_mem>>) src(%arg11 : memref<200x64xf32, #tpu.memory_space<vmem>>) dst(%dma_wait3A_300 : memref<200x64xf32, #tpu.memory_space<hbm>>)
      } else {
      }
      %parallel_loop3A_186 = arith.constant 0 : i32
      %parallel_loop3A_187 = arith.constant 200 : i32
      %parallel_loop3A_188 = arith.constant 1 : i32
      scf.for %parallel_loop3A_293 = %parallel_loop3A_186 to %parallel_loop3A_187 step %parallel_loop3A_188  : i32 {
        %parallel_loop3A_294 = arith.index_cast %parallel_loop3A_293 : i32 to index
        %parallel_loop3A_295 = arith.constant 0 : index
        %parallel_loop3A_296 = tpu.vector_load %arg7[%parallel_loop3A_294, %parallel_loop3A_295] {strides = array<i32>} : memref<200x64xf32, #tpu.memory_space<vmem>>, vector<1x16xf32>,
        %parallel_loop3A_297 = vector.shape_cast %parallel_loop3A_296 : vector<1x16xf32> to vector<16xf32>
        %parallel_loop3A_298 = arith.constant 8.000000e+00 : f32
        %parallel_loop3A_299 = vector.broadcast %parallel_loop3A_298 : f32 to vector<16xf32>
        %parallel_loop3A_300 = arith.mulf %parallel_loop3A_297, %parallel_loop3A_299 : vector<16xf32>
        %parallel_loop3A_301 = arith.index_cast %parallel_loop3A_293 : i32 to index
        %parallel_loop3A_302 = arith.constant 0 : index
        %parallel_loop3A_303 = tpu.vector_load %arg11[%parallel_loop3A_301, %parallel_loop3A_302] {strides = array<i32>} : memref<200x64xf32, #tpu.memory_space<vmem>>, vector<1x16xf32>,
        %parallel_loop3A_304 = vector.shape_cast %parallel_loop3A_303 : vector<1x16xf32> to vector<16xf32>
        %parallel_loop3A_305 = vector.shape_cast %parallel_loop3A_300 : vector<16xf32> to vector<1x16xf32>
        tpu.vector_store %arg11[%parallel_loop3A_301, %parallel_loop3A_302], %parallel_loop3A_305 {strides = array<i32>} : memref<200x64xf32, #tpu.memory_space<vmem>>, vector<1x16xf32>,
        %parallel_loop3A_306 = arith.index_cast %parallel_loop3A_293 : i32 to index
        %parallel_loop3A_307 = arith.constant 16 : index
        %parallel_loop3A_308 = tpu.vector_load %arg7[%parallel_loop3A_306, %parallel_loop3A_307] {strides = array<i32>} : memref<200x64xf32, #tpu.memory_space<vmem>>, vector<1x16xf32>,
        %parallel_loop3A_309 = vector.shape_cast %parallel_loop3A_308 : vector<1x16xf32> to vector<16xf32>
        %parallel_loop3A_310 = arith.constant 8.000000e+00 : f32
        %parallel_loop3A_311 = vector.broadcast %parallel_loop3A_310 : f32 to vector<16xf32>
        %parallel_loop3A_312 = arith.mulf %parallel_loop3A_309, %parallel_loop3A_311 : vector<16xf32>
        %parallel_loop3A_313 = arith.index_cast %parallel_loop3A_293 : i32 to index
        %parallel_loop3A_314 = arith.constant 16 : index
        %parallel_loop3A_315 = tpu.vector_load %arg11[%parallel_loop3A_313, %parallel_loop3A_314] {strides = array<i32>} : memref<200x64xf32, #tpu.memory_space<vmem>>, vector<1x16xf32>,
        %parallel_loop3A_316 = vector.shape_cast %parallel_loop3A_315 : vector<1x16xf32> to vector<16xf32>
        %parallel_loop3A_317 = vector.shape_cast %parallel_loop3A_312 : vector<16xf32> to vector<1x16xf32>
        tpu.vector_store %arg11[%parallel_loop3A_313, %parallel_loop3A_314], %parallel_loop3A_317 {strides = array<i32>} : memref<200x64xf32, #tpu.memory_space<vmem>>, vector<1x16xf32>,
        %parallel_loop3A_318 = arith.index_cast %parallel_loop3A_293 : i32 to index
        %parallel_loop3A_319 = arith.constant 32 : index
        %parallel_loop3A_320 = tpu.vector_load %arg7[%parallel_loop3A_318, %parallel_loop3A_319] {strides = array<i32>} : memref<200x64xf32, #tpu.memory_space<vmem>>, vector<1x16xf32>,
        %parallel_loop3A_321 = vector.shape_cast %parallel_loop3A_320 : vector<1x16xf32> to vector<16xf32>
        %parallel_loop3A_322 = arith.constant 8.000000e+00 : f32
        %parallel_loop3A_323 = vector.broadcast %parallel_loop3A_322 : f32 to vector<16xf32>
        %parallel_loop3A_324 = arith.mulf %parallel_loop3A_321, %parallel_loop3A_323 : vector<16xf32>
        %parallel_loop3A_325 = arith.index_cast %parallel_loop3A_293 : i32 to index
        %parallel_loop3A_326 = arith.constant 32 : index
        %parallel_loop3A_327 = tpu.vector_load %arg11[%parallel_loop3A_325, %parallel_loop3A_326] {strides = array<i32>} : memref<200x64xf32, #tpu.memory_space<vmem>>, vector<1x16xf32>,
        %parallel_loop3A_328 = vector.shape_cast %parallel_loop3A_327 : vector<1x16xf32> to vector<16xf32>
        %parallel_loop3A_329 = vector.shape_cast %parallel_loop3A_324 : vector<16xf32> to vector<1x16xf32>
        tpu.vector_store %arg11[%parallel_loop3A_325, %parallel_loop3A_326], %parallel_loop3A_329 {strides = array<i32>} : memref<200x64xf32, #tpu.memory_space<vmem>>, vector<1x16xf32>,
        %parallel_loop3A_330 = arith.index_cast %parallel_loop3A_293 : i32 to index
        %parallel_loop3A_331 = arith.constant 48 : index
        %parallel_loop3A_332 = tpu.vector_load %arg7[%parallel_loop3A_330, %parallel_loop3A_331] {strides = array<i32>} : memref<200x64xf32, #tpu.memory_space<vmem>>, vector<1x16xf32>,
        %parallel_loop3A_333 = vector.shape_cast %parallel_loop3A_332 : vector<1x16xf32> to vector<16xf32>
        %parallel_loop3A_334 = arith.constant 8.000000e+00 : f32
        %parallel_loop3A_335 = vector.broadcast %parallel_loop3A_334 : f32 to vector<16xf32>
        %parallel_loop3A_336 = arith.mulf %parallel_loop3A_333, %parallel_loop3A_335 : vector<16xf32>
        %parallel_loop3A_337 = arith.index_cast %parallel_loop3A_293 : i32 to index
        %parallel_loop3A_338 = arith.constant 48 : index
        %parallel_loop3A_339 = tpu.vector_load %arg11[%parallel_loop3A_337, %parallel_loop3A_338] {strides = array<i32>} : memref<200x64xf32, #tpu.memory_space<vmem>>, vector<1x16xf32>,
        %parallel_loop3A_340 = vector.shape_cast %parallel_loop3A_339 : vector<1x16xf32> to vector<16xf32>
        %parallel_loop3A_341 = vector.shape_cast %parallel_loop3A_336 : vector<16xf32> to vector<1x16xf32>
        tpu.vector_store %arg11[%parallel_loop3A_337, %parallel_loop3A_338], %parallel_loop3A_341 {strides = array<i32>} : memref<200x64xf32, #tpu.memory_space<vmem>>, vector<1x16xf32>,
      } {sc.loop_unroll_factor = 8 : i64, sc.parallel_access}
      %add3A_189 = arith.addi %mul3A_2, %add3A_162 : i32
      %dma_start3A_190 = arith.constant 0 : i32
      %dma_start3A_191 = arith.constant 0 : i32
      %dma_start3A_192 = tpu.memref_slice %arg4[%add3A_189, %dma_start3A_190, %dma_start3A_191] : memref<2048x200x64xf32, #tpu.memory_space<hbm>> -> memref<1x200x64xf32, #tpu.memory_space<hbm>>
      %dma_start3A_193 = tpu.memref_squeeze %dma_start3A_192 : memref<1x200x64xf32, #tpu.memory_space<hbm>> -> memref<200x64xf32, #tpu.memory_space<hbm>>
      %dma_start3A_194 = arith.constant 0 : i32
      %dma_start3A_195 = arith.constant 0 : i32
      %dma_start3A_196 = tpu.memref_slice %arg4[%add3A_189, %dma_start3A_194, %dma_start3A_195] : memref<2048x200x64xf32, #tpu.memory_space<hbm>> -> memref<1x200x64xf32, #tpu.memory_space<hbm>>
      %dma_start3A_197 = tpu.memref_squeeze %dma_start3A_196 : memref<1x200x64xf32, #tpu.memory_space<hbm>> -> memref<200x64xf32, #tpu.memory_space<hbm>>
      tpu.enqueue_dma source(%arg11 : memref<200x64xf32, #tpu.memory_space<vmem>>) target(%dma_start3A_197 : memref<200x64xf32, #tpu.memory_space<hbm>>) target_semaphore(%arg19 : memref<!tpu.dma_semaphore, #tpu.memory_space<semaphore_mem>>)
      %add3A_198 = arith.constant 4 : i32
      %add3A_199 = arith.addi %add3A_162, %add3A_198 : i32
      %lt3A_200 = arith.constant 64 : i32
      %lt3A_201 = arith.cmpi slt, %add3A_199, %lt3A_200 : i32
      %convert_element_type3A_202 = arith.extui %lt3A_201 : i1 to i32
      %cond3A_203 = arith.constant 0 : i32
      %cond3A_204 = arith.cmpi ne, %convert_element_type3A_202, %cond3A_203 : i32
      scf.if %cond3A_204 {
        %add3A_293 = arith.constant 4 : i32
        %add3A_294 = arith.addi %add3A_162, %add3A_293 : i32
        %dma_start3A_295 = arith.constant 0 : i32
        %dma_start3A_296 = arith.constant 0 : i32
        %dma_start3A_297 = tpu.memref_slice %arg7[%dma_start3A_295, %dma_start3A_296] : memref<200x64xf32, #tpu.memory_space<vmem>> -> memref<128x64xf32, #tpu.memory_space<vmem>>
        %dma_start3A_298 = arith.constant 0 : i32
        %dma_start3A_299 = tpu.memref_slice %arg5[%add3A_294, %dma_start3A_298] : memref<64x200xi32, #tpu.memory_space<vmem>> -> memref<1x128xi32, #tpu.memory_space<vmem>>
        %dma_start3A_300 = tpu.memref_squeeze %dma_start3A_299 : memref<1x128xi32, #tpu.memory_space<vmem>> -> memref<128xi32, #tpu.memory_space<vmem>>
        %dma_start3A_301 = arith.constant 0 : i32
        %dma_start3A_302 = arith.constant 0 : i32
        %dma_start3A_303 = tpu.memref_slice %arg3[%dma_start3A_301, %dma_start3A_302] : memref<1000000x64xf32, #tpu.memory_space<hbm>> -> memref<1000000x64xf32, #tpu.memory_space<hbm>>
        tpu.enqueue_indirect_dma source(%dma_start3A_303 : memref<1000000x64xf32, #tpu.memory_space<hbm>>) target(%dma_start3A_297 : memref<128x64xf32, #tpu.memory_space<vmem>>) offsets(%dma_start3A_300 : memref<128xi32, #tpu.memory_space<vmem>>) semaphore(%arg15 : memref<!tpu.dma_semaphore, #tpu.memory_space<semaphore_mem>>)
        %dma_start3A_304 = arith.constant 128 : i32
        %dma_start3A_305 = arith.constant 0 : i32
        %dma_start3A_306 = tpu.memref_slice %arg7[%dma_start3A_304, %dma_start3A_305] : memref<200x64xf32, #tpu.memory_space<vmem>> -> memref<72x64xf32, #tpu.memory_space<vmem>>
        %dma_start3A_307 = arith.constant 128 : i32
        %dma_start3A_308 = tpu.memref_slice %arg5[%add3A_294, %dma_start3A_307] : memref<64x200xi32, #tpu.memory_space<vmem>> -> memref<1x72xi32, #tpu.memory_space<vmem>>
        %dma_start3A_309 = tpu.memref_squeeze %dma_start3A_308 : memref<1x72xi32, #tpu.memory_space<vmem>> -> memref<72xi32, #tpu.memory_space<vmem>>
        %dma_start3A_310 = arith.constant 0 : i32
        %dma_start3A_311 = arith.constant 0 : i32
        %dma_start3A_312 = tpu.memref_slice %arg3[%dma_start3A_310, %dma_start3A_311] : memref<1000000x64xf32, #tpu.memory_space<hbm>> -> memref<1000000x64xf32, #tpu.memory_space<hbm>>
        tpu.enqueue_indirect_dma source(%dma_start3A_312 : memref<1000000x64xf32, #tpu.memory_space<hbm>>) target(%dma_start3A_306 : memref<72x64xf32, #tpu.memory_space<vmem>>) offsets(%dma_start3A_309 : memref<72xi32, #tpu.memory_space<vmem>>) semaphore(%arg15 : memref<!tpu.dma_semaphore, #tpu.memory_space<semaphore_mem>>)
      } else {
      }
      %add3A_205 = arith.constant 2 : i32
      %add3A_206 = arith.addi %add3A_121, %add3A_205 : i32
      %dma_wait3A_207 = arith.constant 0 : i32
      %dma_wait3A_208 = arith.constant 0 : i32
      %dma_wait3A_209 = tpu.memref_slice %arg8[%dma_wait3A_207, %dma_wait3A_208] : memref<200x64xf32, #tpu.memory_space<vmem>> -> memref<128x64xf32, #tpu.memory_space<vmem>>
      %dma_wait3A_210 = arith.constant 0 : i32
      %dma_wait3A_211 = tpu.memref_slice %arg5[%add3A_206, %dma_wait3A_210] : memref<64x200xi32, #tpu.memory_space<vmem>> -> memref<1x128xi32, #tpu.memory_space<vmem>>
      %dma_wait3A_212 = tpu.memref_squeeze %dma_wait3A_211 : memref<1x128xi32, #tpu.memory_space<vmem>> -> memref<128xi32, #tpu.memory_space<vmem>>
      %dma_wait3A_213 = arith.constant 0 : i32
      %dma_wait3A_214 = arith.constant 0 : i32
      %dma_wait3A_215 = tpu.memref_slice %arg3[%dma_wait3A_213, %dma_wait3A_214] : memref<1000000x64xf32, #tpu.memory_space<hbm>> -> memref<1000000x64xf32, #tpu.memory_space<hbm>>
      tpu.wait_indirect_dma semaphore(%arg16 : memref<!tpu.dma_semaphore, #tpu.memory_space<semaphore_mem>>) src(%dma_wait3A_215 : memref<1000000x64xf32, #tpu.memory_space<hbm>>) dst(%dma_wait3A_209 : memref<128x64xf32, #tpu.memory_space<vmem>>)
      %dma_wait3A_216 = arith.constant 128 : i32
      %dma_wait3A_217 = arith.constant 0 : i32
      %dma_wait3A_218 = tpu.memref_slice %arg8[%dma_wait3A_216, %dma_wait3A_217] : memref<200x64xf32, #tpu.memory_space<vmem>> -> memref<72x64xf32, #tpu.memory_space<vmem>>
      %dma_wait3A_219 = arith.constant 128 : i32
      %dma_wait3A_220 = tpu.memref_slice %arg5[%add3A_206, %dma_wait3A_219] : memref<64x200xi32, #tpu.memory_space<vmem>> -> memref<1x72xi32, #tpu.memory_space<vmem>>
      %dma_wait3A_221 = tpu.memref_squeeze %dma_wait3A_220 : memref<1x72xi32, #tpu.memory_space<vmem>> -> memref<72xi32, #tpu.memory_space<vmem>>
      %dma_wait3A_222 = arith.constant 0 : i32
      %dma_wait3A_223 = arith.constant 0 : i32
      %dma_wait3A_224 = tpu.memref_slice %arg3[%dma_wait3A_222, %dma_wait3A_223] : memref<1000000x64xf32, #tpu.memory_space<hbm>> -> memref<1000000x64xf32, #tpu.memory_space<hbm>>
      tpu.wait_indirect_dma semaphore(%arg16 : memref<!tpu.dma_semaphore, #tpu.memory_space<semaphore_mem>>) src(%dma_wait3A_224 : memref<1000000x64xf32, #tpu.memory_space<hbm>>) dst(%dma_wait3A_218 : memref<72x64xf32, #tpu.memory_space<vmem>>)
      %ge3A_225 = arith.constant 4 : i32
      %ge3A_226 = arith.cmpi sge, %add3A_206, %ge3A_225 : i32
      %convert_element_type3A_227 = arith.extui %ge3A_226 : i1 to i32
      %cond3A_228 = arith.constant 0 : i32
      %cond3A_229 = arith.cmpi ne, %convert_element_type3A_227, %cond3A_228 : i32
      scf.if %cond3A_229 {
        %dma_wait3A_293 = arith.constant 0 : i32
        %dma_wait3A_294 = arith.constant 0 : i32
        %dma_wait3A_295 = tpu.memref_slice %arg4[%mul3A_2, %dma_wait3A_293, %dma_wait3A_294] : memref<2048x200x64xf32, #tpu.memory_space<hbm>> -> memref<1x200x64xf32, #tpu.memory_space<hbm>>
        %dma_wait3A_296 = tpu.memref_squeeze %dma_wait3A_295 : memref<1x200x64xf32, #tpu.memory_space<hbm>> -> memref<200x64xf32, #tpu.memory_space<hbm>>
        %dma_wait3A_297 = arith.constant 0 : i32
        %dma_wait3A_298 = arith.constant 0 : i32
        %dma_wait3A_299 = tpu.memref_slice %arg4[%mul3A_2, %dma_wait3A_297, %dma_wait3A_298] : memref<2048x200x64xf32, #tpu.memory_space<hbm>> -> memref<1x200x64xf32, #tpu.memory_space<hbm>>
        %dma_wait3A_300 = tpu.memref_squeeze %dma_wait3A_299 : memref<1x200x64xf32, #tpu.memory_space<hbm>> -> memref<200x64xf32, #tpu.memory_space<hbm>>
        tpu.wait_dma2 semaphore(%arg20 : memref<!tpu.dma_semaphore, #tpu.memory_space<semaphore_mem>>) src(%arg12 : memref<200x64xf32, #tpu.memory_space<vmem>>) dst(%dma_wait3A_300 : memref<200x64xf32, #tpu.memory_space<hbm>>)
      } else {
      }
      %parallel_loop3A_230 = arith.constant 0 : i32
      %parallel_loop3A_231 = arith.constant 200 : i32
      %parallel_loop3A_232 = arith.constant 1 : i32
      scf.for %parallel_loop3A_293 = %parallel_loop3A_230 to %parallel_loop3A_231 step %parallel_loop3A_232  : i32 {
        %parallel_loop3A_294 = arith.index_cast %parallel_loop3A_293 : i32 to index
        %parallel_loop3A_295 = arith.constant 0 : index
        %parallel_loop3A_296 = tpu.vector_load %arg8[%parallel_loop3A_294, %parallel_loop3A_295] {strides = array<i32>} : memref<200x64xf32, #tpu.memory_space<vmem>>, vector<1x16xf32>,
        %parallel_loop3A_297 = vector.shape_cast %parallel_loop3A_296 : vector<1x16xf32> to vector<16xf32>
        %parallel_loop3A_298 = arith.constant 8.000000e+00 : f32
        %parallel_loop3A_299 = vector.broadcast %parallel_loop3A_298 : f32 to vector<16xf32>
        %parallel_loop3A_300 = arith.mulf %parallel_loop3A_297, %parallel_loop3A_299 : vector<16xf32>
        %parallel_loop3A_301 = arith.index_cast %parallel_loop3A_293 : i32 to index
        %parallel_loop3A_302 = arith.constant 0 : index
        %parallel_loop3A_303 = tpu.vector_load %arg12[%parallel_loop3A_301, %parallel_loop3A_302] {strides = array<i32>} : memref<200x64xf32, #tpu.memory_space<vmem>>, vector<1x16xf32>,
        %parallel_loop3A_304 = vector.shape_cast %parallel_loop3A_303 : vector<1x16xf32> to vector<16xf32>
        %parallel_loop3A_305 = vector.shape_cast %parallel_loop3A_300 : vector<16xf32> to vector<1x16xf32>
        tpu.vector_store %arg12[%parallel_loop3A_301, %parallel_loop3A_302], %parallel_loop3A_305 {strides = array<i32>} : memref<200x64xf32, #tpu.memory_space<vmem>>, vector<1x16xf32>,
        %parallel_loop3A_306 = arith.index_cast %parallel_loop3A_293 : i32 to index
        %parallel_loop3A_307 = arith.constant 16 : index
        %parallel_loop3A_308 = tpu.vector_load %arg8[%parallel_loop3A_306, %parallel_loop3A_307] {strides = array<i32>} : memref<200x64xf32, #tpu.memory_space<vmem>>, vector<1x16xf32>,
        %parallel_loop3A_309 = vector.shape_cast %parallel_loop3A_308 : vector<1x16xf32> to vector<16xf32>
        %parallel_loop3A_310 = arith.constant 8.000000e+00 : f32
        %parallel_loop3A_311 = vector.broadcast %parallel_loop3A_310 : f32 to vector<16xf32>
        %parallel_loop3A_312 = arith.mulf %parallel_loop3A_309, %parallel_loop3A_311 : vector<16xf32>
        %parallel_loop3A_313 = arith.index_cast %parallel_loop3A_293 : i32 to index
        %parallel_loop3A_314 = arith.constant 16 : index
        %parallel_loop3A_315 = tpu.vector_load %arg12[%parallel_loop3A_313, %parallel_loop3A_314] {strides = array<i32>} : memref<200x64xf32, #tpu.memory_space<vmem>>, vector<1x16xf32>,
        %parallel_loop3A_316 = vector.shape_cast %parallel_loop3A_315 : vector<1x16xf32> to vector<16xf32>
        %parallel_loop3A_317 = vector.shape_cast %parallel_loop3A_312 : vector<16xf32> to vector<1x16xf32>
        tpu.vector_store %arg12[%parallel_loop3A_313, %parallel_loop3A_314], %parallel_loop3A_317 {strides = array<i32>} : memref<200x64xf32, #tpu.memory_space<vmem>>, vector<1x16xf32>,
        %parallel_loop3A_318 = arith.index_cast %parallel_loop3A_293 : i32 to index
        %parallel_loop3A_319 = arith.constant 32 : index
        %parallel_loop3A_320 = tpu.vector_load %arg8[%parallel_loop3A_318, %parallel_loop3A_319] {strides = array<i32>} : memref<200x64xf32, #tpu.memory_space<vmem>>, vector<1x16xf32>,
        %parallel_loop3A_321 = vector.shape_cast %parallel_loop3A_320 : vector<1x16xf32> to vector<16xf32>
        %parallel_loop3A_322 = arith.constant 8.000000e+00 : f32
        %parallel_loop3A_323 = vector.broadcast %parallel_loop3A_322 : f32 to vector<16xf32>
        %parallel_loop3A_324 = arith.mulf %parallel_loop3A_321, %parallel_loop3A_323 : vector<16xf32>
        %parallel_loop3A_325 = arith.index_cast %parallel_loop3A_293 : i32 to index
        %parallel_loop3A_326 = arith.constant 32 : index
        %parallel_loop3A_327 = tpu.vector_load %arg12[%parallel_loop3A_325, %parallel_loop3A_326] {strides = array<i32>} : memref<200x64xf32, #tpu.memory_space<vmem>>, vector<1x16xf32>,
        %parallel_loop3A_328 = vector.shape_cast %parallel_loop3A_327 : vector<1x16xf32> to vector<16xf32>
        %parallel_loop3A_329 = vector.shape_cast %parallel_loop3A_324 : vector<16xf32> to vector<1x16xf32>
        tpu.vector_store %arg12[%parallel_loop3A_325, %parallel_loop3A_326], %parallel_loop3A_329 {strides = array<i32>} : memref<200x64xf32, #tpu.memory_space<vmem>>, vector<1x16xf32>,
        %parallel_loop3A_330 = arith.index_cast %parallel_loop3A_293 : i32 to index
        %parallel_loop3A_331 = arith.constant 48 : index
        %parallel_loop3A_332 = tpu.vector_load %arg8[%parallel_loop3A_330, %parallel_loop3A_331] {strides = array<i32>} : memref<200x64xf32, #tpu.memory_space<vmem>>, vector<1x16xf32>,
        %parallel_loop3A_333 = vector.shape_cast %parallel_loop3A_332 : vector<1x16xf32> to vector<16xf32>
        %parallel_loop3A_334 = arith.constant 8.000000e+00 : f32
        %parallel_loop3A_335 = vector.broadcast %parallel_loop3A_334 : f32 to vector<16xf32>
        %parallel_loop3A_336 = arith.mulf %parallel_loop3A_333, %parallel_loop3A_335 : vector<16xf32>
        %parallel_loop3A_337 = arith.index_cast %parallel_loop3A_293 : i32 to index
        %parallel_loop3A_338 = arith.constant 48 : index
        %parallel_loop3A_339 = tpu.vector_load %arg12[%parallel_loop3A_337, %parallel_loop3A_338] {strides = array<i32>} : memref<200x64xf32, #tpu.memory_space<vmem>>, vector<1x16xf32>,
        %parallel_loop3A_340 = vector.shape_cast %parallel_loop3A_339 : vector<1x16xf32> to vector<16xf32>
        %parallel_loop3A_341 = vector.shape_cast %parallel_loop3A_336 : vector<16xf32> to vector<1x16xf32>
        tpu.vector_store %arg12[%parallel_loop3A_337, %parallel_loop3A_338], %parallel_loop3A_341 {strides = array<i32>} : memref<200x64xf32, #tpu.memory_space<vmem>>, vector<1x16xf32>,
      } {sc.loop_unroll_factor = 8 : i64, sc.parallel_access}
      %add3A_233 = arith.addi %mul3A_2, %add3A_206 : i32
      %dma_start3A_234 = arith.constant 0 : i32
      %dma_start3A_235 = arith.constant 0 : i32
      %dma_start3A_236 = tpu.memref_slice %arg4[%add3A_233, %dma_start3A_234, %dma_start3A_235] : memref<2048x200x64xf32, #tpu.memory_space<hbm>> -> memref<1x200x64xf32, #tpu.memory_space<hbm>>
      %dma_start3A_237 = tpu.memref_squeeze %dma_start3A_236 : memref<1x200x64xf32, #tpu.memory_space<hbm>> -> memref<200x64xf32, #tpu.memory_space<hbm>>
      %dma_start3A_238 = arith.constant 0 : i32
      %dma_start3A_239 = arith.constant 0 : i32
      %dma_start3A_240 = tpu.memref_slice %arg4[%add3A_233, %dma_start3A_238, %dma_start3A_239] : memref<2048x200x64xf32, #tpu.memory_space<hbm>> -> memref<1x200x64xf32, #tpu.memory_space<hbm>>
      %dma_start3A_241 = tpu.memref_squeeze %dma_start3A_240 : memref<1x200x64xf32, #tpu.memory_space<hbm>> -> memref<200x64xf32, #tpu.memory_space<hbm>>
      tpu.enqueue_dma source(%arg12 : memref<200x64xf32, #tpu.memory_space<vmem>>) target(%dma_start3A_241 : memref<200x64xf32, #tpu.memory_space<hbm>>) target_semaphore(%arg20 : memref<!tpu.dma_semaphore, #tpu.memory_space<semaphore_mem>>)
      %add3A_242 = arith.constant 4 : i32
      %add3A_243 = arith.addi %add3A_206, %add3A_242 : i32
      %lt3A_244 = arith.constant 64 : i32
      %lt3A_245 = arith.cmpi slt, %add3A_243, %lt3A_244 : i32
      %convert_element_type3A_246 = arith.extui %lt3A_245 : i1 to i32
      %cond3A_247 = arith.constant 0 : i32
      %cond3A_248 = arith.cmpi ne, %convert_element_type3A_246, %cond3A_247 : i32
      scf.if %cond3A_248 {
        %add3A_293 = arith.constant 4 : i32
        %add3A_294 = arith.addi %add3A_206, %add3A_293 : i32
        %dma_start3A_295 = arith.constant 0 : i32
        %dma_start3A_296 = arith.constant 0 : i32
        %dma_start3A_297 = tpu.memref_slice %arg8[%dma_start3A_295, %dma_start3A_296] : memref<200x64xf32, #tpu.memory_space<vmem>> -> memref<128x64xf32, #tpu.memory_space<vmem>>
        %dma_start3A_298 = arith.constant 0 : i32
        %dma_start3A_299 = tpu.memref_slice %arg5[%add3A_294, %dma_start3A_298] : memref<64x200xi32, #tpu.memory_space<vmem>> -> memref<1x128xi32, #tpu.memory_space<vmem>>
        %dma_start3A_300 = tpu.memref_squeeze %dma_start3A_299 : memref<1x128xi32, #tpu.memory_space<vmem>> -> memref<128xi32, #tpu.memory_space<vmem>>
        %dma_start3A_301 = arith.constant 0 : i32
        %dma_start3A_302 = arith.constant 0 : i32
        %dma_start3A_303 = tpu.memref_slice %arg3[%dma_start3A_301, %dma_start3A_302] : memref<1000000x64xf32, #tpu.memory_space<hbm>> -> memref<1000000x64xf32, #tpu.memory_space<hbm>>
        tpu.enqueue_indirect_dma source(%dma_start3A_303 : memref<1000000x64xf32, #tpu.memory_space<hbm>>) target(%dma_start3A_297 : memref<128x64xf32, #tpu.memory_space<vmem>>) offsets(%dma_start3A_300 : memref<128xi32, #tpu.memory_space<vmem>>) semaphore(%arg16 : memref<!tpu.dma_semaphore, #tpu.memory_space<semaphore_mem>>)
        %dma_start3A_304 = arith.constant 128 : i32
        %dma_start3A_305 = arith.constant 0 : i32
        %dma_start3A_306 = tpu.memref_slice %arg8[%dma_start3A_304, %dma_start3A_305] : memref<200x64xf32, #tpu.memory_space<vmem>> -> memref<72x64xf32, #tpu.memory_space<vmem>>
        %dma_start3A_307 = arith.constant 128 : i32
        %dma_start3A_308 = tpu.memref_slice %arg5[%add3A_294, %dma_start3A_307] : memref<64x200xi32, #tpu.memory_space<vmem>> -> memref<1x72xi32, #tpu.memory_space<vmem>>
        %dma_start3A_309 = tpu.memref_squeeze %dma_start3A_308 : memref<1x72xi32, #tpu.memory_space<vmem>> -> memref<72xi32, #tpu.memory_space<vmem>>
        %dma_start3A_310 = arith.constant 0 : i32
        %dma_start3A_311 = arith.constant 0 : i32
        %dma_start3A_312 = tpu.memref_slice %arg3[%dma_start3A_310, %dma_start3A_311] : memref<1000000x64xf32, #tpu.memory_space<hbm>> -> memref<1000000x64xf32, #tpu.memory_space<hbm>>
        tpu.enqueue_indirect_dma source(%dma_start3A_312 : memref<1000000x64xf32, #tpu.memory_space<hbm>>) target(%dma_start3A_306 : memref<72x64xf32, #tpu.memory_space<vmem>>) offsets(%dma_start3A_309 : memref<72xi32, #tpu.memory_space<vmem>>) semaphore(%arg16 : memref<!tpu.dma_semaphore, #tpu.memory_space<semaphore_mem>>)
      } else {
      }
      %add3A_249 = arith.constant 3 : i32
      %add3A_250 = arith.addi %add3A_121, %add3A_249 : i32
      %dma_wait3A_251 = arith.constant 0 : i32
      %dma_wait3A_252 = arith.constant 0 : i32
      %dma_wait3A_253 = tpu.memref_slice %arg9[%dma_wait3A_251, %dma_wait3A_252] : memref<200x64xf32, #tpu.memory_space<vmem>> -> memref<128x64xf32, #tpu.memory_space<vmem>>
      %dma_wait3A_254 = arith.constant 0 : i32
      %dma_wait3A_255 = tpu.memref_slice %arg5[%add3A_250, %dma_wait3A_254] : memref<64x200xi32, #tpu.memory_space<vmem>> -> memref<1x128xi32, #tpu.memory_space<vmem>>
      %dma_wait3A_256 = tpu.memref_squeeze %dma_wait3A_255 : memref<1x128xi32, #tpu.memory_space<vmem>> -> memref<128xi32, #tpu.memory_space<vmem>>
      %dma_wait3A_257 = arith.constant 0 : i32
      %dma_wait3A_258 = arith.constant 0 : i32
      %dma_wait3A_259 = tpu.memref_slice %arg3[%dma_wait3A_257, %dma_wait3A_258] : memref<1000000x64xf32, #tpu.memory_space<hbm>> -> memref<1000000x64xf32, #tpu.memory_space<hbm>>
      tpu.wait_indirect_dma semaphore(%arg17 : memref<!tpu.dma_semaphore, #tpu.memory_space<semaphore_mem>>) src(%dma_wait3A_259 : memref<1000000x64xf32, #tpu.memory_space<hbm>>) dst(%dma_wait3A_253 : memref<128x64xf32, #tpu.memory_space<vmem>>)
      %dma_wait3A_260 = arith.constant 128 : i32
      %dma_wait3A_261 = arith.constant 0 : i32
      %dma_wait3A_262 = tpu.memref_slice %arg9[%dma_wait3A_260, %dma_wait3A_261] : memref<200x64xf32, #tpu.memory_space<vmem>> -> memref<72x64xf32, #tpu.memory_space<vmem>>
      %dma_wait3A_263 = arith.constant 128 : i32
      %dma_wait3A_264 = tpu.memref_slice %arg5[%add3A_250, %dma_wait3A_263] : memref<64x200xi32, #tpu.memory_space<vmem>> -> memref<1x72xi32, #tpu.memory_space<vmem>>
      %dma_wait3A_265 = tpu.memref_squeeze %dma_wait3A_264 : memref<1x72xi32, #tpu.memory_space<vmem>> -> memref<72xi32, #tpu.memory_space<vmem>>
      %dma_wait3A_266 = arith.constant 0 : i32
      %dma_wait3A_267 = arith.constant 0 : i32
      %dma_wait3A_268 = tpu.memref_slice %arg3[%dma_wait3A_266, %dma_wait3A_267] : memref<1000000x64xf32, #tpu.memory_space<hbm>> -> memref<1000000x64xf32, #tpu.memory_space<hbm>>
      tpu.wait_indirect_dma semaphore(%arg17 : memref<!tpu.dma_semaphore, #tpu.memory_space<semaphore_mem>>) src(%dma_wait3A_268 : memref<1000000x64xf32, #tpu.memory_space<hbm>>) dst(%dma_wait3A_262 : memref<72x64xf32, #tpu.memory_space<vmem>>)
      %ge3A_269 = arith.constant 4 : i32
      %ge3A_270 = arith.cmpi sge, %add3A_250, %ge3A_269 : i32
      %convert_element_type3A_271 = arith.extui %ge3A_270 : i1 to i32
      %cond3A_272 = arith.constant 0 : i32
      %cond3A_273 = arith.cmpi ne, %convert_element_type3A_271, %cond3A_272 : i32
      scf.if %cond3A_273 {
        %dma_wait3A_293 = arith.constant 0 : i32
        %dma_wait3A_294 = arith.constant 0 : i32
        %dma_wait3A_295 = tpu.memref_slice %arg4[%mul3A_2, %dma_wait3A_293, %dma_wait3A_294] : memref<2048x200x64xf32, #tpu.memory_space<hbm>> -> memref<1x200x64xf32, #tpu.memory_space<hbm>>
        %dma_wait3A_296 = tpu.memref_squeeze %dma_wait3A_295 : memref<1x200x64xf32, #tpu.memory_space<hbm>> -> memref<200x64xf32, #tpu.memory_space<hbm>>
        %dma_wait3A_297 = arith.constant 0 : i32
        %dma_wait3A_298 = arith.constant 0 : i32
        %dma_wait3A_299 = tpu.memref_slice %arg4[%mul3A_2, %dma_wait3A_297, %dma_wait3A_298] : memref<2048x200x64xf32, #tpu.memory_space<hbm>> -> memref<1x200x64xf32, #tpu.memory_space<hbm>>
        %dma_wait3A_300 = tpu.memref_squeeze %dma_wait3A_299 : memref<1x200x64xf32, #tpu.memory_space<hbm>> -> memref<200x64xf32, #tpu.memory_space<hbm>>
        tpu.wait_dma2 semaphore(%arg21 : memref<!tpu.dma_semaphore, #tpu.memory_space<semaphore_mem>>) src(%arg13 : memref<200x64xf32, #tpu.memory_space<vmem>>) dst(%dma_wait3A_300 : memref<200x64xf32, #tpu.memory_space<hbm>>)
      } else {
      }
      %parallel_loop3A_274 = arith.constant 0 : i32
      %parallel_loop3A_275 = arith.constant 200 : i32
      %parallel_loop3A_276 = arith.constant 1 : i32
      scf.for %parallel_loop3A_293 = %parallel_loop3A_274 to %parallel_loop3A_275 step %parallel_loop3A_276  : i32 {
        %parallel_loop3A_294 = arith.index_cast %parallel_loop3A_293 : i32 to index
        %parallel_loop3A_295 = arith.constant 0 : index
        %parallel_loop3A_296 = tpu.vector_load %arg9[%parallel_loop3A_294, %parallel_loop3A_295] {strides = array<i32>} : memref<200x64xf32, #tpu.memory_space<vmem>>, vector<1x16xf32>,
        %parallel_loop3A_297 = vector.shape_cast %parallel_loop3A_296 : vector<1x16xf32> to vector<16xf32>
        %parallel_loop3A_298 = arith.constant 8.000000e+00 : f32
        %parallel_loop3A_299 = vector.broadcast %parallel_loop3A_298 : f32 to vector<16xf32>
        %parallel_loop3A_300 = arith.mulf %parallel_loop3A_297, %parallel_loop3A_299 : vector<16xf32>
        %parallel_loop3A_301 = arith.index_cast %parallel_loop3A_293 : i32 to index
        %parallel_loop3A_302 = arith.constant 0 : index
        %parallel_loop3A_303 = tpu.vector_load %arg13[%parallel_loop3A_301, %parallel_loop3A_302] {strides = array<i32>} : memref<200x64xf32, #tpu.memory_space<vmem>>, vector<1x16xf32>,
        %parallel_loop3A_304 = vector.shape_cast %parallel_loop3A_303 : vector<1x16xf32> to vector<16xf32>
        %parallel_loop3A_305 = vector.shape_cast %parallel_loop3A_300 : vector<16xf32> to vector<1x16xf32>
        tpu.vector_store %arg13[%parallel_loop3A_301, %parallel_loop3A_302], %parallel_loop3A_305 {strides = array<i32>} : memref<200x64xf32, #tpu.memory_space<vmem>>, vector<1x16xf32>,
        %parallel_loop3A_306 = arith.index_cast %parallel_loop3A_293 : i32 to index
        %parallel_loop3A_307 = arith.constant 16 : index
        %parallel_loop3A_308 = tpu.vector_load %arg9[%parallel_loop3A_306, %parallel_loop3A_307] {strides = array<i32>} : memref<200x64xf32, #tpu.memory_space<vmem>>, vector<1x16xf32>,
        %parallel_loop3A_309 = vector.shape_cast %parallel_loop3A_308 : vector<1x16xf32> to vector<16xf32>
        %parallel_loop3A_310 = arith.constant 8.000000e+00 : f32
        %parallel_loop3A_311 = vector.broadcast %parallel_loop3A_310 : f32 to vector<16xf32>
        %parallel_loop3A_312 = arith.mulf %parallel_loop3A_309, %parallel_loop3A_311 : vector<16xf32>
        %parallel_loop3A_313 = arith.index_cast %parallel_loop3A_293 : i32 to index
        %parallel_loop3A_314 = arith.constant 16 : index
        %parallel_loop3A_315 = tpu.vector_load %arg13[%parallel_loop3A_313, %parallel_loop3A_314] {strides = array<i32>} : memref<200x64xf32, #tpu.memory_space<vmem>>, vector<1x16xf32>,
        %parallel_loop3A_316 = vector.shape_cast %parallel_loop3A_315 : vector<1x16xf32> to vector<16xf32>
        %parallel_loop3A_317 = vector.shape_cast %parallel_loop3A_312 : vector<16xf32> to vector<1x16xf32>
        tpu.vector_store %arg13[%parallel_loop3A_313, %parallel_loop3A_314], %parallel_loop3A_317 {strides = array<i32>} : memref<200x64xf32, #tpu.memory_space<vmem>>, vector<1x16xf32>,
        %parallel_loop3A_318 = arith.index_cast %parallel_loop3A_293 : i32 to index
        %parallel_loop3A_319 = arith.constant 32 : index
        %parallel_loop3A_320 = tpu.vector_load %arg9[%parallel_loop3A_318, %parallel_loop3A_319] {strides = array<i32>} : memref<200x64xf32, #tpu.memory_space<vmem>>, vector<1x16xf32>,
        %parallel_loop3A_321 = vector.shape_cast %parallel_loop3A_320 : vector<1x16xf32> to vector<16xf32>
        %parallel_loop3A_322 = arith.constant 8.000000e+00 : f32
        %parallel_loop3A_323 = vector.broadcast %parallel_loop3A_322 : f32 to vector<16xf32>
        %parallel_loop3A_324 = arith.mulf %parallel_loop3A_321, %parallel_loop3A_323 : vector<16xf32>
        %parallel_loop3A_325 = arith.index_cast %parallel_loop3A_293 : i32 to index
        %parallel_loop3A_326 = arith.constant 32 : index
        %parallel_loop3A_327 = tpu.vector_load %arg13[%parallel_loop3A_325, %parallel_loop3A_326] {strides = array<i32>} : memref<200x64xf32, #tpu.memory_space<vmem>>, vector<1x16xf32>,
        %parallel_loop3A_328 = vector.shape_cast %parallel_loop3A_327 : vector<1x16xf32> to vector<16xf32>
        %parallel_loop3A_329 = vector.shape_cast %parallel_loop3A_324 : vector<16xf32> to vector<1x16xf32>
        tpu.vector_store %arg13[%parallel_loop3A_325, %parallel_loop3A_326], %parallel_loop3A_329 {strides = array<i32>} : memref<200x64xf32, #tpu.memory_space<vmem>>, vector<1x16xf32>,
        %parallel_loop3A_330 = arith.index_cast %parallel_loop3A_293 : i32 to index
        %parallel_loop3A_331 = arith.constant 48 : index
        %parallel_loop3A_332 = tpu.vector_load %arg9[%parallel_loop3A_330, %parallel_loop3A_331] {strides = array<i32>} : memref<200x64xf32, #tpu.memory_space<vmem>>, vector<1x16xf32>,
        %parallel_loop3A_333 = vector.shape_cast %parallel_loop3A_332 : vector<1x16xf32> to vector<16xf32>
        %parallel_loop3A_334 = arith.constant 8.000000e+00 : f32
        %parallel_loop3A_335 = vector.broadcast %parallel_loop3A_334 : f32 to vector<16xf32>
        %parallel_loop3A_336 = arith.mulf %parallel_loop3A_333, %parallel_loop3A_335 : vector<16xf32>
        %parallel_loop3A_337 = arith.index_cast %parallel_loop3A_293 : i32 to index
        %parallel_loop3A_338 = arith.constant 48 : index
        %parallel_loop3A_339 = tpu.vector_load %arg13[%parallel_loop3A_337, %parallel_loop3A_338] {strides = array<i32>} : memref<200x64xf32, #tpu.memory_space<vmem>>, vector<1x16xf32>,
        %parallel_loop3A_340 = vector.shape_cast %parallel_loop3A_339 : vector<1x16xf32> to vector<16xf32>
        %parallel_loop3A_341 = vector.shape_cast %parallel_loop3A_336 : vector<16xf32> to vector<1x16xf32>
        tpu.vector_store %arg13[%parallel_loop3A_337, %parallel_loop3A_338], %parallel_loop3A_341 {strides = array<i32>} : memref<200x64xf32, #tpu.memory_space<vmem>>, vector<1x16xf32>,
      } {sc.loop_unroll_factor = 8 : i64, sc.parallel_access}
      %add3A_277 = arith.addi %mul3A_2, %add3A_250 : i32
      %dma_start3A_278 = arith.constant 0 : i32
      %dma_start3A_279 = arith.constant 0 : i32
      %dma_start3A_280 = tpu.memref_slice %arg4[%add3A_277, %dma_start3A_278, %dma_start3A_279] : memref<2048x200x64xf32, #tpu.memory_space<hbm>> -> memref<1x200x64xf32, #tpu.memory_space<hbm>>
      %dma_start3A_281 = tpu.memref_squeeze %dma_start3A_280 : memref<1x200x64xf32, #tpu.memory_space<hbm>> -> memref<200x64xf32, #tpu.memory_space<hbm>>
      %dma_start3A_282 = arith.constant 0 : i32
      %dma_start3A_283 = arith.constant 0 : i32
      %dma_start3A_284 = tpu.memref_slice %arg4[%add3A_277, %dma_start3A_282, %dma_start3A_283] : memref<2048x200x64xf32, #tpu.memory_space<hbm>> -> memref<1x200x64xf32, #tpu.memory_space<hbm>>
      %dma_start3A_285 = tpu.memref_squeeze %dma_start3A_284 : memref<1x200x64xf32, #tpu.memory_space<hbm>> -> memref<200x64xf32, #tpu.memory_space<hbm>>
      tpu.enqueue_dma source(%arg13 : memref<200x64xf32, #tpu.memory_space<vmem>>) target(%dma_start3A_285 : memref<200x64xf32, #tpu.memory_space<hbm>>) target_semaphore(%arg21 : memref<!tpu.dma_semaphore, #tpu.memory_space<semaphore_mem>>)
      %add3A_286 = arith.constant 4 : i32
      %add3A_287 = arith.addi %add3A_250, %add3A_286 : i32
      %lt3A_288 = arith.constant 64 : i32
      %lt3A_289 = arith.cmpi slt, %add3A_287, %lt3A_288 : i32
      %convert_element_type3A_290 = arith.extui %lt3A_289 : i1 to i32
      %cond3A_291 = arith.constant 0 : i32
      %cond3A_292 = arith.cmpi ne, %convert_element_type3A_290, %cond3A_291 : i32
      scf.if %cond3A_292 {
        %add3A_293 = arith.constant 4 : i32
        %add3A_294 = arith.addi %add3A_250, %add3A_293 : i32
        %dma_start3A_295 = arith.constant 0 : i32
        %dma_start3A_296 = arith.constant 0 : i32
        %dma_start3A_297 = tpu.memref_slice %arg9[%dma_start3A_295, %dma_start3A_296] : memref<200x64xf32, #tpu.memory_space<vmem>> -> memref<128x64xf32, #tpu.memory_space<vmem>>
        %dma_start3A_298 = arith.constant 0 : i32
        %dma_start3A_299 = tpu.memref_slice %arg5[%add3A_294, %dma_start3A_298] : memref<64x200xi32, #tpu.memory_space<vmem>> -> memref<1x128xi32, #tpu.memory_space<vmem>>
        %dma_start3A_300 = tpu.memref_squeeze %dma_start3A_299 : memref<1x128xi32, #tpu.memory_space<vmem>> -> memref<128xi32, #tpu.memory_space<vmem>>
        %dma_start3A_301 = arith.constant 0 : i32
        %dma_start3A_302 = arith.constant 0 : i32
        %dma_start3A_303 = tpu.memref_slice %arg3[%dma_start3A_301, %dma_start3A_302] : memref<1000000x64xf32, #tpu.memory_space<hbm>> -> memref<1000000x64xf32, #tpu.memory_space<hbm>>
        tpu.enqueue_indirect_dma source(%dma_start3A_303 : memref<1000000x64xf32, #tpu.memory_space<hbm>>) target(%dma_start3A_297 : memref<128x64xf32, #tpu.memory_space<vmem>>) offsets(%dma_start3A_300 : memref<128xi32, #tpu.memory_space<vmem>>) semaphore(%arg17 : memref<!tpu.dma_semaphore, #tpu.memory_space<semaphore_mem>>)
        %dma_start3A_304 = arith.constant 128 : i32
        %dma_start3A_305 = arith.constant 0 : i32
        %dma_start3A_306 = tpu.memref_slice %arg9[%dma_start3A_304, %dma_start3A_305] : memref<200x64xf32, #tpu.memory_space<vmem>> -> memref<72x64xf32, #tpu.memory_space<vmem>>
        %dma_start3A_307 = arith.constant 128 : i32
        %dma_start3A_308 = tpu.memref_slice %arg5[%add3A_294, %dma_start3A_307] : memref<64x200xi32, #tpu.memory_space<vmem>> -> memref<1x72xi32, #tpu.memory_space<vmem>>
        %dma_start3A_309 = tpu.memref_squeeze %dma_start3A_308 : memref<1x72xi32, #tpu.memory_space<vmem>> -> memref<72xi32, #tpu.memory_space<vmem>>
        %dma_start3A_310 = arith.constant 0 : i32
        %dma_start3A_311 = arith.constant 0 : i32
        %dma_start3A_312 = tpu.memref_slice %arg3[%dma_start3A_310, %dma_start3A_311] : memref<1000000x64xf32, #tpu.memory_space<hbm>> -> memref<1000000x64xf32, #tpu.memory_space<hbm>>
        tpu.enqueue_indirect_dma source(%dma_start3A_312 : memref<1000000x64xf32, #tpu.memory_space<hbm>>) target(%dma_start3A_306 : memref<72x64xf32, #tpu.memory_space<vmem>>) offsets(%dma_start3A_309 : memref<72xi32, #tpu.memory_space<vmem>>) semaphore(%arg17 : memref<!tpu.dma_semaphore, #tpu.memory_space<semaphore_mem>>)
      } else {
      }
    }
    %scan3A_85 = arith.constant 16 : i32
    %dma_wait3A = arith.constant 0 : i32
    %dma_wait3A_86 = arith.constant 0 : i32
    %dma_wait3A_87 = tpu.memref_slice %arg4[%mul3A_2, %dma_wait3A, %dma_wait3A_86] : memref<2048x200x64xf32, #tpu.memory_space<hbm>> -> memref<1x200x64xf32, #tpu.memory_space<hbm>>
    %dma_wait3A_88 = tpu.memref_squeeze %dma_wait3A_87 : memref<1x200x64xf32, #tpu.memory_space<hbm>> -> memref<200x64xf32, #tpu.memory_space<hbm>>
    %dma_wait3A_89 = arith.constant 0 : i32
    %dma_wait3A_90 = arith.constant 0 : i32
    %dma_wait3A_91 = tpu.memref_slice %arg4[%mul3A_2, %dma_wait3A_89, %dma_wait3A_90] : memref<2048x200x64xf32, #tpu.memory_space<hbm>> -> memref<1x200x64xf32, #tpu.memory_space<hbm>>
    %dma_wait3A_92 = tpu.memref_squeeze %dma_wait3A_91 : memref<1x200x64xf32, #tpu.memory_space<hbm>> -> memref<200x64xf32, #tpu.memory_space<hbm>>
    tpu.wait_dma2 semaphore(%arg18 : memref<!tpu.dma_semaphore, #tpu.memory_space<semaphore_mem>>) src(%arg10 : memref<200x64xf32, #tpu.memory_space<vmem>>) dst(%dma_wait3A_92 : memref<200x64xf32, #tpu.memory_space<hbm>>)
    %dma_wait3A_93 = arith.constant 0 : i32
    %dma_wait3A_94 = arith.constant 0 : i32
    %dma_wait3A_95 = tpu.memref_slice %arg4[%mul3A_2, %dma_wait3A_93, %dma_wait3A_94] : memref<2048x200x64xf32, #tpu.memory_space<hbm>> -> memref<1x200x64xf32, #tpu.memory_space<hbm>>
    %dma_wait3A_96 = tpu.memref_squeeze %dma_wait3A_95 : memref<1x200x64xf32, #tpu.memory_space<hbm>> -> memref<200x64xf32, #tpu.memory_space<hbm>>
    %dma_wait3A_97 = arith.constant 0 : i32
    %dma_wait3A_98 = arith.constant 0 : i32
    %dma_wait3A_99 = tpu.memref_slice %arg4[%mul3A_2, %dma_wait3A_97, %dma_wait3A_98] : memref<2048x200x64xf32, #tpu.memory_space<hbm>> -> memref<1x200x64xf32, #tpu.memory_space<hbm>>
    %dma_wait3A_100 = tpu.memref_squeeze %dma_wait3A_99 : memref<1x200x64xf32, #tpu.memory_space<hbm>> -> memref<200x64xf32, #tpu.memory_space<hbm>>
    tpu.wait_dma2 semaphore(%arg19 : memref<!tpu.dma_semaphore, #tpu.memory_space<semaphore_mem>>) src(%arg11 : memref<200x64xf32, #tpu.memory_space<vmem>>) dst(%dma_wait3A_100 : memref<200x64xf32, #tpu.memory_space<hbm>>)
    %dma_wait3A_101 = arith.constant 0 : i32
    %dma_wait3A_102 = arith.constant 0 : i32
    %dma_wait3A_103 = tpu.memref_slice %arg4[%mul3A_2, %dma_wait3A_101, %dma_wait3A_102] : memref<2048x200x64xf32, #tpu.memory_space<hbm>> -> memref<1x200x64xf32, #tpu.memory_space<hbm>>
    %dma_wait3A_104 = tpu.memref_squeeze %dma_wait3A_103 : memref<1x200x64xf32, #tpu.memory_space<hbm>> -> memref<200x64xf32, #tpu.memory_space<hbm>>
    %dma_wait3A_105 = arith.constant 0 : i32
    %dma_wait3A_106 = arith.constant 0 : i32
    %dma_wait3A_107 = tpu.memref_slice %arg4[%mul3A_2, %dma_wait3A_105, %dma_wait3A_106] : memref<2048x200x64xf32, #tpu.memory_space<hbm>> -> memref<1x200x64xf32, #tpu.memory_space<hbm>>
    %dma_wait3A_108 = tpu.memref_squeeze %dma_wait3A_107 : memref<1x200x64xf32, #tpu.memory_space<hbm>> -> memref<200x64xf32, #tpu.memory_space<hbm>>
    tpu.wait_dma2 semaphore(%arg20 : memref<!tpu.dma_semaphore, #tpu.memory_space<semaphore_mem>>) src(%arg12 : memref<200x64xf32, #tpu.memory_space<vmem>>) dst(%dma_wait3A_108 : memref<200x64xf32, #tpu.memory_space<hbm>>)
    %dma_wait3A_109 = arith.constant 0 : i32
    %dma_wait3A_110 = arith.constant 0 : i32
    %dma_wait3A_111 = tpu.memref_slice %arg4[%mul3A_2, %dma_wait3A_109, %dma_wait3A_110] : memref<2048x200x64xf32, #tpu.memory_space<hbm>> -> memref<1x200x64xf32, #tpu.memory_space<hbm>>
    %dma_wait3A_112 = tpu.memref_squeeze %dma_wait3A_111 : memref<1x200x64xf32, #tpu.memory_space<hbm>> -> memref<200x64xf32, #tpu.memory_space<hbm>>
    %dma_wait3A_113 = arith.constant 0 : i32
    %dma_wait3A_114 = arith.constant 0 : i32
    %dma_wait3A_115 = tpu.memref_slice %arg4[%mul3A_2, %dma_wait3A_113, %dma_wait3A_114] : memref<2048x200x64xf32, #tpu.memory_space<hbm>> -> memref<1x200x64xf32, #tpu.memory_space<hbm>>
    %dma_wait3A_116 = tpu.memref_squeeze %dma_wait3A_115 : memref<1x200x64xf32, #tpu.memory_space<hbm>> -> memref<200x64xf32, #tpu.memory_space<hbm>>
    tpu.wait_dma2 semaphore(%arg21 : memref<!tpu.dma_semaphore, #tpu.memory_space<semaphore_mem>>) src(%arg13 : memref<200x64xf32, #tpu.memory_space<vmem>>) dst(%dma_wait3A_116 : memref<200x64xf32, #tpu.memory_space<hbm>>)
    return
  }
}

</mosaic_0001>

<sc_bundles>
// kernel: kernel.4.cloned.1.call-start
scs
__scs_entry_jumppad:
0x0: {  	(pc) =	sbr.rel $0x88, $3  }
0x1: {  	(tag) =	ssettag $0x0;
	lr =	simm.s32 $0x1  }
0x2: {  	[smem:$0x3F9F] =	sst lr;
	_ =	strace $0xD0000000  }
0x3: {  	_ = 	snop  }
0x4: {  	_ = 	snop  }
0x5: {  	_ = 	snop  }
0x6: {  	_ = 	snop  }
0x7: {  	_ = 	snop  }
__scs_overlays_trampoline_lowered:
0x8: {  	[smem:$0x3FAE] =	sst s0  }
0x9: {  	[smem:$0x3FAF] =	sst s1  }
0xa: {  	[smem:$0x3FB0] =	sst s2  }
0xb: {  	[smem:$0x3FB1] =	sst s3  }
0xc: {  	[smem:$0x3FB2] =	sst s4  }
0xd: {  	[smem:$0x3FB3] =	sst s5  }
0xe: {  	[smem:$0x3FB4] =	sst s6  }
0xf: {  	[smem:$0x3FB5] =	sst s7  }
0x10: {  	[smem:$0x3FB6] =	sst s8  }
0x11: {  	[smem:$0x3FB7] =	sst s9;
	s0 =	simm.s32 @!p0 $0x0  }
0x12: {  	s1 =	sld [smem:$0x3F9D];
	s0 =	simm.s32 @p0 $0x1  }
0x13: {  	[smem:$0x3FB8] =	sst s0;
	s0 =	simm.s32 @!p1 $0x0  }
0x14: {  	s2 =	sld [smem:$0x3F9C];
	s0 =	simm.s32 @p1 $0x1  }
0x15: {  	[smem:$0x3FB9] =	sst s0;
	s0 =	simm.s32 @!p2 $0x0  }
0x16: {  	s3 =	sld [smem:$0x3FDB];
	s0 =	simm.s32 @p2 $0x1  }
0x17: {  	s4 =	simm.s32 $0x1BF5;
	[smem:$0x3FBB] =	sst s0  }
0x18: {  	s0 =	sld [smem:$0x3F9E];
	_ =	swait.ge [sflag:s4], $0x0  }
0x19: {  	s7 =	sld [smem:$0x3F9F]  }
0x1a: {  	s8 =	sadd.s32 $0xFFFFE003, lr  }
0x1b: {  	s9 =	sadd.s32 $0xFFFFFEF7, lr;
	s5 =	simm.s32 $0xFFFFFFFF;
	p2 =	slt.u32 s8, $0xFFFFF086  }
0x1c: {  	p1 =	slt.u32 s9, $0xF7A;
	s5 =	simm.s32 @!p2 $0x0  }
0x1d: {  	s5 =	simm.s32 @p1 $0x1;
	p0 =	seq.s32 s7, s2  }
0x1e: {  	s7 =	smul.u32 @!p0 $0xF7A, s2;
	p2 =	seq.s32 @!p0 s5, $0x0  }
0x1f: {  	s9 =	smul.u32 $0xF7A, s1;
	s8 =	simm.s32 @!p0 $0x1BF5;
	p2 =	por !p2, p0  }
0x20: {  	[sflag:s8] =	ssyncset.s32 @!p0 $0xFFFFF086;
	s6 =	sadd.s32 @!p0 s3, s7;
	s7 =	simm.s32 @!p0 $0x108  }
0x21: {  	s3 =	sadd.s32 s3, s9;
	s6 =	sadd.s32 @!p0 $0x88, s6;
	s7 =	simm.s32 @p2 $0x1082  }
0x22: {  	[simem:s7], [sflag:s8] =	dma.local @!p0 [hbm:s6], $0xF7A  }
0x23: {  	s9 =	sor.u32 $0xD0000000, s2;
	s6 =	simm.s32 $0x108;
	_ =	swait.ge @!p0 [sflag:s8], $0x0  }
0x24: {  	s3 =	sadd.s32 $0x88, s3;
	s6 =	simm.s32 @!p1 $0x1082;
	[sflag:s4] =	ssyncset.s32 $0xFFFFF086  }
0x25: {  	[simem:s6], [sflag:s4] =	dma.local [hbm:s3], $0xF7A  }
0x26: {  	[smem:$0x3F9F] =	sst s1;
	(tag) =	ssettag s2;
	_ =	strace s9  }
0x27: {  	s1 =	sld [smem:$0x3FAF]  }
0x28: {  	s2 =	sld [smem:$0x3FB0]  }
0x29: {  	s4 =	sld [smem:$0x3FB2]  }
0x2a: {  	p0 =	seq.s32 s5, $0x0;
	s5 =	sld [smem:$0x3FB3]  }
0x2b: {  	s6 =	sld [smem:$0x3FB4]  }
0x2c: {  	s7 =	sld [smem:$0x3FB5]  }
0x2d: {  	s3 =	simm.s32 $0x108;
	s8 =	sld [smem:$0x3FB6]  }
0x2e: {  	s3 =	simm.s32 @!p0 $0x1082;
	s9 =	sld [smem:$0x3FB7]  }
0x2f: {  	lr =	sadd.s32 s0, s3;
	s0 =	sld [smem:$0x3FAE]  }
0x30: {  	s3 =	sld [smem:$0x3FB1]  }
0x31: {  	[smem:$0x3FBA] =	sst s10  }
0x32: {  	s10 =	sld [smem:$0x3FB8];
	_ =	sdelay $0x3  }
0x33: {  	p0 =	seq.s32 s10, $0x1;
	s10 =	sld [smem:$0x3FBA];
	_ =	sdelay $0x3  }
0x34: {  	[smem:$0x3FBA] =	sst s10  }
0x35: {  	s10 =	sld [smem:$0x3FB9];
	_ =	sdelay $0x3  }
0x36: {  	p1 =	seq.s32 s10, $0x1;
	s10 =	sld [smem:$0x3FBA];
	_ =	sdelay $0x3  }
0x37: {  	[smem:$0x3FBA] =	sst s10  }
0x38: {  	s10 =	sld [smem:$0x3FBB]  }
0x39: {  	_ = 	snop;
	(pc) =	sbr.ind lr, $3  }
0x3a: {  	_ = 	snop  }
0x3b: {  	_ = 	snop  }
0x3c: {  	p2 =	seq.s32 s10, $0x1;
	s10 =	sld [smem:$0x3FBA]  }
0x3d: {  	_ =	shalt  }
0x3e: {  	_ =	shalt  }
0x3f: {  	_ =	shalt  }
0x40: {  	_ =	shalt  }
0x41: {  	_ =	shalt  }
0x42: {  	_ =	shalt  }
0x43: {  	_ =	shalt  }
0x44: {  	_ =	shalt  }
0x45: {  	_ =	shalt  }
0x46: {  	_ =	shalt  }
0x47: {  	_ =	shalt  }
0x48: {  	_ =	shalt  }
0x49: {  	_ =	shalt  }
0x4a: {  	_ =	shalt  }
0x4b: {  	_ =	shalt  }
0x4c: {  	_ =	shalt  }
0x4d: {  	_ =	shalt  }
0x4e: {  	_ =	shalt  }
0x4f: {  	_ =	shalt  }
0x50: {  	_ =	shalt  }
0x51: {  	_ =	shalt  }
0x52: {  	_ =	shalt  }
0x53: {  	_ =	shalt  }
0x54: {  	_ =	shalt  }
0x55: {  	_ =	shalt  }
0x56: {  	_ =	shalt  }
0x57: {  	_ =	shalt  }
0x58: {  	_ =	shalt  }
0x59: {  	_ =	shalt  }
0x5a: {  	_ =	shalt  }
0x5b: {  	_ =	shalt  }
0x5c: {  	_ =	shalt  }
0x5d: {  	_ =	shalt  }
0x5e: {  	_ =	shalt  }
0x5f: {  	_ =	shalt  }
0x60: {  	_ =	shalt  }
0x61: {  	_ =	shalt  }
0x62: {  	_ =	shalt  }
0x63: {  	_ =	shalt  }
0x64: {  	_ =	shalt  }
0x65: {  	_ =	shalt  }
0x66: {  	_ =	shalt  }
0x67: {  	_ =	shalt  }
0x68: {  	_ =	shalt  }
0x69: {  	_ =	shalt  }
0x6a: {  	_ =	shalt  }
0x6b: {  	_ =	shalt  }
0x6c: {  	_ =	shalt  }
0x6d: {  	_ =	shalt  }
0x6e: {  	_ =	shalt  }
0x6f: {  	_ =	shalt  }
0x70: {  	_ =	shalt  }
0x71: {  	_ =	shalt  }
0x72: {  	_ =	shalt  }
0x73: {  	_ =	shalt  }
0x74: {  	_ =	shalt  }
0x75: {  	_ =	shalt  }
0x76: {  	_ =	shalt  }
0x77: {  	_ =	shalt  }
0x78: {  	_ =	shalt  }
0x79: {  	_ =	shalt  }
0x7a: {  	_ =	shalt  }
0x7b: {  	_ =	shalt  }
0x7c: {  	_ =	shalt  }
0x7d: {  	_ =	shalt  }
0x7e: {  	_ =	shalt  }
0x7f: {  	_ =	shalt  }
0x80: {  	_ =	shalt  }
0x81: {  	_ =	shalt  }
0x82: {  	_ =	shalt  }
0x83: {  	_ =	shalt  }
0x84: {  	_ =	shalt  }
0x85: {  	_ =	shalt  }
0x86: {  	_ =	shalt  }
0x87: {  	_ =	shalt  }
.Lfunc_end0:
.L_simem_size_0:
called_computation.1_lowered:
.L_overlay_start_0:
0x88: {  	s2 =	sld [smem:$0x3FD9]  }
0x89: {  	s3 =	sld [smem:$0x3FFE];
	_ =	sdelay $0x1  }
0x8a: {  	s1 =	srdreg.scid  }
0x8b: {  	s0 =	sand.u32 $0x1, s1  }
0x8c: {  	s17 =	sshll.u32 s0, $0xA;
	s2 =	sadd.s32 s3, s2  }
0x8d: {  	s2 =	sadd.s32 s2, s17  }
0x8e: {  	[smem:$0x3FC6] =	sst s2  }
0x8f: {  	_ = 	snop  }
0x90: {  	(tm) =	ssettm $0x1  }
0x91: {  	s18 =	sld [smem:$0x3FFB];
	_ =	sdelay $0x3  }
0x92: {  	_ =	strace s18  }
0x93: {  	s2 =	sld [smem:$0x3FFC];
	_ =	sdelay $0x3  }
0x94: {  	_ =	strace s2  }
0x95: {  	s2 =	sld [smem:$0x3FFD];
	_ =	sdelay $0x3  }
0x96: {  	_ =	strace s2  }
0x97: {  	_ =	strace $0x8FFFFFFF  }
0x98: {  	s19 =	sld [smem:$0x3FDB];
	_ =	sdelay $0x1  }
0x99: {  	s20 =	simm.s32 $_scs_section_size  }
0x9a: {  	s4 =	simm.s32 $_size__tile_overlayer_lowered;
	s5 =	simm.s32 $_tile_overlayer_lowered  }
0x9b: {  	s6 =	simm.s32 $0x1BFF;
	s21 =	sshll.u32 s5, $0x1;
	s3 =	sadd.s32 s20, s19  }
0x9c: {  	s22 =	simm.s32 $0x0;
	s4 =	sshll.u32 s4, $0x1;
	s5 =	sadd.s32 s21, s3  }
0x9d: {  	[timem:s22], [sflag:s6] =	dma.local [hbm:s5], s4  }
0x9e: {  	_ =	swait.ge [sflag:s6], s4  }
0x9f: {  	s4 =	ssub.s32 $0x0, s4;
	[sflag:s6] =	ssyncset.done $0x0  }
0xa0: {  	[sflag:s6] =	ssyncadd.s32 s4;
	_ =	sdelay $0x1  }
0xa1: {  	s23 =	simm.s32 $0x1B8B  }
0xa2: {  	_ =	swait.ge [sflag:s23], $0x1  }
0xa3: {  	[sflag:s23] =	ssyncset.done $0x0  }
0xa4: {  	[sflag:s23] =	ssyncadd.s32 $0xFFFFFFFF  }
0xa5: {  	s4 =	sld [smem:$0x0]  }
0xa6: {  	s5 =	sand.u32 $0xFFFFFFFE, s1  }
0xa7: {  	p0 =	sne.s32 s1, s5  }
0xa8: {  	s5 =	sshll.u32 @p0 s5, $0xE  }
0xa9: {  	s5 =	sadd.s32 @p0 $0x11B8D, s5;
	s6 =	sshll.u32 @p0 s4, $0x11  }
0xaa: {  	s5 =	sor.u32 @p0 s6, s5  }
0xab: {  	[sflag:s5] =	ssyncadd.remote.s32 @p0 $0x1;
	_ =	sdelay $0x1  }
0xac: {  	s5 =	simm.s32 @p0 $0x1B8D  }
0xad: {  	_ =	swait.eq @p0 [sflag:s5], $0x1  }
0xae: {  	[sflag:s5] =	ssyncadd.s32 @p0 $0xFFFFFFFF  }
0xaf: {  	s6 =	sshll.u32 @!p0 s1, $0xE  }
0xb0: {  	s6 =	sor.u32 @!p0 $0x4000, s6;
	s5 =	simm.s32 @!p0 $0x1B8D  }
0xb1: {  	s4 =	sshll.u32 @!p0 s4, $0x11;
	s6 =	sadd.s32 @!p0 $0x11B8D, s6;
	_ =	swait.eq @!p0 [sflag:s5], $0x1  }
0xb2: {  	s4 =	sor.u32 @!p0 s4, s6;
	[sflag:s5] =	ssyncadd.s32 @!p0 $0xFFFFFFFF  }
0xb3: {  	s25 =	simm.s32 $0x1B8E;
	s24 =	sld [smem:$0x3FFE];
	[sflag:s4] =	ssyncadd.remote.s32 @!p0 $0x1  }
0xb4: {  	s26 =	simm.s32 $execute0_lowered;
	[smem:$0x3FD2] =	sst s25  }
0xb5: {  	s5 =	sshll.u32 s26, $0x1;
	_ =	strace $0x80000049;
	[dreg:$0x1] =	wrdreg $0xFFFFFFFF  }
0xb6: {  	s28 =	simm.s32 $_size_execute0_lowered;
	s3 =	sadd.s32 s3, s5;
	[dreg:$0x0] =	wrdreg $0x0  }
0xb7: {  	s5 =	sshll.u32 s28, $0x1;
	[dreg:$0x2] =	wrdreg s3  }
0xb8: {  	[dreg:$0x3] =	wrdreg s5  }
0xb9: {  	[dreg:$0x4] =	wrdreg $0xC0  }
0xba: {  	_ =	task [dreg:s22], $0x5FFFF  }
0xbb: {  	[dreg:$0x1] =	wrdreg $0xFFFFFFFF  }
0xbc: {  	[dreg:$0x0] =	wrdreg $0x60  }
0xbd: {  	[dreg:$0x2] =	wrdreg s24  }
0xbe: {  	[dreg:$0x3] =	wrdreg $0x9  }
0xbf: {  	_ =	task.clear_ibuf [dreg:s22], $0x4FFFF;
	_ =	strace $0x90000049  }
0xc0: {  	s29 =	simm.s32 $0x9;
	_ =	strace $0x8000004B  }
0xc1: {  	_ =	swait.ge [sflag:s29], $0x1  }
0xc2: {  	[sflag:s29] =	ssyncadd.s32 $0xFFFFFFFF  }
0xc3: {  	_ =	strace $0x9000004B  }
0xc4: {  	_ =	sfence  }
0xc5: {  	s30 =	sld [smem:$0x0];
	_ =	sdelay $0x2  }
0xc6: {  	s31 =	sshll.u32 s1, $0xD;
	s1 =	sshrl.u32 s1, $0x2  }
0xc7: {  	s4 =	sand.u32 $0x4000, s31;
	s1 =	sadd.s32 s1, s30  }
0xc8: {  	s0 =	sor.u32 s4, s0;
	s1 =	sshll.u32 s1, $0x11  }
0xc9: {  	s0 =	sor.u32 s1, s0  }
0xca: {  	s0 =	sadd.s32 $0x8F2B, s0  }
0xcb: {  	[sflag:s0] =	ssyncadd.remote.s32 $0x1  }
0xcc: {  	_ =	sfence.sel $0xFFFF  }
0xcd: {  	[dreg:$0x0] =	wrdreg $0xFFFFFFFF;
	(pc) =	sbr.abs _section_cstart, $3  }
0xce: {  	[dreg:$0x1] =	wrdreg $0xFFFFFFFF  }
0xcf: {  	_ =	task.clear_ibuf [dreg:s22], $0x2FFFF;
	_ =	strace $0x9FFFFFFF  }
0xd0: {  	(tm) =	ssettm $0x7FFFFFFF  }
0xd1: {  	_ =	shalt  }
tec
execute0_lowered:
.L_overlay_start_1:
0x0: {  	(tag) =	ssettag $0x1  }
0x1: {  	s0 =	srdreg.scid;
	s2 =	stileid.u32  }
0x2: {  	s1 =	rddreg [dreg:$0x0];
	s8 =	simm.s32 $0x9;
	s9 =	simm.s32 $0x80  }
0x3: {  	s11 =	simm.s32 $0x48;
	s22 =	simm.s32 $0xC800;
	s24 =	simm.s32 $0xE800  }
0x4: {  	s25 =	simm.s32 $0x1;
	s26 =	simm.s32 $0xFA00;
	s28 =	simm.s32 $0x2  }
0x5: {  	s29 =	simm.s32 $0x12C00;
	s30 =	simm.s32 $0x3;
	s31 =	simm.s32 $0x15E00  }
0x6: {  	s10 =	simm.s32 $0x5;
	s12 =	simm.s32 $0x6;
	s13 =	simm.s32 $0x7  }
0x7: {  	s14 =	simm.s32 $0x8;
	s15 =	simm.s32 $0x0;
	s0 =	sand.u32 $0x1, s0  }
0x8: {  	s3 =	sshll.u32 s2, $0x7;
	s2 =	simm.s32 $0x0;
	s4 =	sshll.u32 s0, $0x6  }
.Ltmp0:
0x9: {  	s0 =	ssub.s32 $0x2, s0;
	s3 =	sor.u32 s4, s3;
	(pc) =	sbr.rel .LBB2_1-.Ltmp0, $4  }
0xa: {  	[smem:$0x7FF] =	sst s2;
	s5 =	sshrl.u32 s0, $0x1;
	s4 =	smul.u32 $0x19, s3  }
0xb: {  	_ =	strace $0x8000004A;
	s0 =	ssub.s32 s0, s5;
	s5 =	sadd.s32 $0x33A000, s1  }
0xc: {  	s7 =	smax.u32 s0, $0x1;
	s0 =	simm.s32 $0x19000;
	s6 =	sadd.s32 s4, s1  }
0xd: {  	s4 =	sadd.s32 $0xF4FC00, s1;
	s1 =	simm.s32 $0x4;
	s6 =	sadd.s32 $0x32D800, s6  }
.LBB2_12:
0xe: {  	_ =	swait.ge [sflag:s10], $0x3200  }
0xf: {  	[sflag:s10] =	ssyncset.done $0x0  }
0x10: {  	[sflag:s10] =	ssyncadd.s32 $0xFFFFCE00  }
0x11: {  	_ =	swait.ge [sflag:s12], $0x3200  }
0x12: {  	[sflag:s12] =	ssyncset.done $0x0  }
0x13: {  	s15 =	sadd.s32 $0x1, s15;
	[sflag:s12] =	ssyncadd.s32 $0xFFFFCE00  }
0x14: {  	p0 =	sne.s32 s15, s7;
	_ =	swait.ge [sflag:s13], $0x3200  }
.Ltmp1:
0x15: {  	[sflag:s13] =	ssyncset.done $0x0;
	(pc) =	sbr.rel @!p0 .LBB2_13-.Ltmp1, $4  }
0x16: {  	[sflag:s13] =	ssyncadd.s32 $0xFFFFCE00  }
0x17: {  	_ =	swait.ge [sflag:s14], $0x3200  }
0x18: {  	[sflag:s14] =	ssyncset.done $0x0  }
0x19: {  	[sflag:s14] =	ssyncadd.s32 $0xFFFFCE00  }
.LBB2_1:
0x1a: {  	[tilespmem:s2], [sflag:$0x9] =	stream.linear.gather [hbm4b:s6+s2], $0x3200, $0x38;
	[tilespmem:$0x1C200] =	vst v63  }
0x1b: {  	_ =	swait.ge [sflag:s8], $0x3200  }
0x1c: {  	[sflag:s8] =	ssyncset.done $0x0  }
0x1d: {  	s16 =	simm.s32 $0x3200;
	[sflag:s8] =	ssyncadd.s32 $0xFFFFCE00  }
0x1e: {  	[tilespmem:s16], [sflag:$0x1] =	stream.indirect.gather [hbm4b:s4+s9], $0x40, s2, s9, $0xb8;
	[tilespmem:$0x1C200] =	vst v63  }
0x1f: {  	s19 =	simm.s32 $0x5200  }
0x20: {  	[tilespmem:s19], [sflag:$0x1] =	stream.indirect.gather [hbm4b:s4+s11], $0x40, s9, s11, $0xb8;
	[tilespmem:$0x1C200] =	vst v63  }
0x21: {  	s20 =	simm.s32 $0xC8;
	s17 =	simm.s32 $0x6400  }
0x22: {  	[tilespmem:s17], [sflag:$0x2] =	stream.indirect.gather [hbm4b:s4+s9], $0x40, s20, s9, $0xb8;
	[tilespmem:$0x1C200] =	vst v63  }
0x23: {  	s21 =	simm.s32 $0x148;
	s23 =	simm.s32 $0x8400  }
0x24: {  	[tilespmem:s23], [sflag:$0x2] =	stream.indirect.gather [hbm4b:s4+s11], $0x40, s21, s11, $0xb8;
	[tilespmem:$0x1C200] =	vst v63  }
0x25: {  	s18 =	simm.s32 $0x9600;
	s17 =	simm.s32 $0x190  }
0x26: {  	[tilespmem:s18], [sflag:$0x3] =	stream.indirect.gather [hbm4b:s4+s9], $0x40, s17, s9, $0xb8;
	[tilespmem:$0x1C200] =	vst v63  }
0x27: {  	s19 =	simm.s32 $0x210;
	s20 =	simm.s32 $0xB600  }
0x28: {  	[tilespmem:s20], [sflag:$0x3] =	stream.indirect.gather [hbm4b:s4+s11], $0x40, s19, s11, $0xb8;
	[tilespmem:$0x1C200] =	vst v63  }
0x29: {  	s21 =	simm.s32 $0x258  }
0x2a: {  	[tilespmem:s22], [sflag:$0x4] =	stream.indirect.gather [hbm4b:s4+s9], $0x40, s21, s9, $0xb8;
	[tilespmem:$0x1C200] =	vst v63  }
0x2b: {  	s16 =	simm.s32 $0x0;
	s23 =	simm.s32 $0x2D8  }
0x2c: {  	[tilespmem:s24], [sflag:$0x4] =	stream.indirect.gather [hbm4b:s4+s11], $0x40, s23, s11, $0xb8;
	[tilespmem:$0x1C200] =	vst v63  }
.LBB2_2:
0x2d: {  	_ =	swait.ge [sflag:s25], $0x2000  }
0x2e: {  	[sflag:s25] =	ssyncset.done $0x0  }
0x2f: {  	[sflag:s25] =	ssyncadd.s32 $0xFFFFE000  }
0x30: {  	_ =	swait.ge [sflag:s25], $0x1200  }
0x31: {  	p0 =	seq.s32 s16, $0x0;
	[sflag:s25] =	ssyncset.done $0x0  }
0x32: {  	s17 =	simm.s32 @!p0 $0x5;
	[sflag:s25] =	ssyncadd.s32 $0xFFFFEE00  }
0x33: {  	_ =	swait.ge @!p0 [sflag:s17], $0x3200  }
0x34: {  	[sflag:s17] =	ssyncset.done @!p0 $0x0  }
0x35: {  	s20 =	simm.s32 $0x3300;
	[sflag:s17] =	ssyncadd.s32 @!p0 $0xFFFFCE00  }
0x36: {  	v0 =	vld [tilespmem:s20+$0xC0]  }
0x37: {  	v1 =	vld [tilespmem:s20+$0xFFFFFF40]  }
0x38: {  	v2 =	vld [tilespmem:s20+$0xFFFFFF80]  }
0x39: {  	v3 =	vld [tilespmem:s20+$0xFFFFFFC0]  }
0x3a: {  	v4 =	vld [tilespmem:s20+$0x0]  }
0x3b: {  	v5 =	vld [tilespmem:s20+$0x40];
	v0 =	vmul.f32 $8.000000000e+00, v0  }
0x3c: {  	s18 =	simm.s32 $0xFB00;
	v6 =	vld [tilespmem:s20+$0x80];
	v1 =	vmul.f32 $8.000000000e+00, v1  }
0x3d: {  	v7 =	vld [tilespmem:s20+$0xFFFFFF00];
	v2 =	vmul.f32 $8.000000000e+00, v2;
	[tilespmem:s18+$0xC0] =	vst v0  }
0x3e: {  	[tilespmem:s18+$0xFFFFFF40] =	vst v1;
	v0 =	vmul.f32 $8.000000000e+00, v3;
	v1 =	vld [tilespmem:s20+$0xD0]  }
0x3f: {  	[tilespmem:s18+$0xFFFFFF80] =	vst v2;
	v2 =	vmul.f32 $8.000000000e+00, v4;
	v3 =	vld [tilespmem:s20+$0xFFFFFF50]  }
0x40: {  	v4 =	vld [tilespmem:s20+$0xFFFFFF90];
	[tilespmem:s18+$0xFFFFFFC0] =	vst v0;
	v0 =	vmul.f32 $8.000000000e+00, v5  }
0x41: {  	[tilespmem:s18+$0x0] =	vst v2;
	v2 =	vmul.f32 $8.000000000e+00, v6;
	v5 =	vld [tilespmem:s20+$0xFFFFFFD0]  }
0x42: {  	v6 =	vmul.f32 $8.000000000e+00, v7;
	v7 =	vld [tilespmem:s20+$0x10];
	[tilespmem:s18+$0x40] =	vst v0  }
0x43: {  	[tilespmem:s18+$0x80] =	vst v2;
	v0 =	vld [tilespmem:s20+$0x50];
	v1 =	vmul.f32 $8.000000000e+00, v1  }
0x44: {  	[tilespmem:s18+$0xFFFFFF00] =	vst v6;
	v2 =	vmul.f32 $8.000000000e+00, v3;
	v3 =	vld [tilespmem:s20+$0x90]  }
0x45: {  	v6 =	vld [tilespmem:s20+$0xFFFFFF10];
	v4 =	vmul.f32 $8.000000000e+00, v4;
	[tilespmem:s18+$0xD0] =	vst v1  }
0x46: {  	[tilespmem:s18+$0xFFFFFF50] =	vst v2;
	v1 =	vmul.f32 $8.000000000e+00, v5;
	v2 =	vld [tilespmem:s20+$0xE0]  }
0x47: {  	[tilespmem:s18+$0xFFFFFF90] =	vst v4;
	v4 =	vmul.f32 $8.000000000e+00, v7;
	v5 =	vld [tilespmem:s20+$0xFFFFFF60]  }
0x48: {  	v7 =	vld [tilespmem:s20+$0xFFFFFFA0];
	[tilespmem:s18+$0xFFFFFFD0] =	vst v1;
	v0 =	vmul.f32 $8.000000000e+00, v0  }
0x49: {  	[tilespmem:s18+$0x10] =	vst v4;
	v1 =	vld [tilespmem:s20+$0xFFFFFFE0];
	v3 =	vmul.f32 $8.000000000e+00, v3  }
0x4a: {  	v4 =	vmul.f32 $8.000000000e+00, v6;
	v6 =	vld [tilespmem:s20+$0x20];
	[tilespmem:s18+$0x50] =	vst v0  }
0x4b: {  	v0 =	vld [tilespmem:s20+$0x60];
	[tilespmem:s18+$0x90] =	vst v3;
	v2 =	vmul.f32 $8.000000000e+00, v2  }
0x4c: {  	[tilespmem:s18+$0xFFFFFF10] =	vst v4;
	v3 =	vmul.f32 $8.000000000e+00, v5;
	v4 =	vld [tilespmem:s20+$0xA0]  }
0x4d: {  	v5 =	vld [tilespmem:s20+$0xFFFFFF20];
	v7 =	vmul.f32 $8.000000000e+00, v7;
	[tilespmem:s18+$0xE0] =	vst v2  }
0x4e: {  	[tilespmem:s18+$0xFFFFFF60] =	vst v3;
	v1 =	vmul.f32 $8.000000000e+00, v1;
	v3 =	vld [tilespmem:s20+$0xF0]  }
0x4f: {  	[tilespmem:s18+$0xFFFFFFA0] =	vst v7;
	v2 =	vmul.f32 $8.000000000e+00, v6;
	v8 =	vld [tilespmem:s20+$0xFFFFFF70]  }
0x50: {  	v7 =	vld [tilespmem:s20+$0xFFFFFFB0];
	[tilespmem:s18+$0xFFFFFFE0] =	vst v1;
	v1 =	vmul.f32 $8.000000000e+00, v0  }
0x51: {  	[tilespmem:s18+$0x20] =	vst v2;
	v0 =	vld [tilespmem:s20+$0xFFFFFFF0];
	v4 =	vmul.f32 $8.000000000e+00, v4  }
0x52: {  	v5 =	vmul.f32 $8.000000000e+00, v5;
	v2 =	vld [tilespmem:s20+$0x30];
	[tilespmem:s18+$0x60] =	vst v1  }
0x53: {  	v1 =	vld [tilespmem:s20+$0x70];
	[tilespmem:s18+$0xA0] =	vst v4;
	v9 =	vmul.f32 $8.000000000e+00, v3  }
0x54: {  	[tilespmem:s18+$0xFFFFFF20] =	vst v5;
	v3 =	vld [tilespmem:s20+$0xB0];
	v6 =	vmul.f32 $8.000000000e+00, v8  }
0x55: {  	s19 =	simm.s32 $0x0;
	s17 =	sshll.u32 s16, $0x2;
	v4 =	vld [tilespmem:s20+$0xFFFFFF30];
	v5 =	vmul.f32 $8.000000000e+00, v7;
	s20 =	simm.s32 $0x3500;
	[tilespmem:s18+$0xF0] =	vst v9  }
.LBB2_3:
0x56: {  	v7 =	vld [tilespmem:s20+$0xC0];
	s19 =	sadd.s32 $0x8, s19;
	[tilespmem:s18+$0xFFFFFF70] =	vst v6;
	v0 =	vmul.f32 $8.000000000e+00, v0  }
0x57: {  	v6 =	vld [tilespmem:s20+$0xFFFFFF40];
	p1 =	slt.u32 s19, $0xC0;
	[tilespmem:s18+$0xFFFFFFB0] =	vst v5;
	v2 =	vmul.f32 $8.000000000e+00, v2  }
0x58: {  	v5 =	vld [tilespmem:s20+$0xFFFFFF80];
	[tilespmem:s18+$0xFFFFFFF0] =	vst v0;
	v0 =	vmul.f32 $8.000000000e+00, v1  }
0x59: {  	v1 =	vld [tilespmem:s20+$0xFFFFFFC0];
	[tilespmem:s18+$0x30] =	vst v2;
	v2 =	vmul.f32 $8.000000000e+00, v3  }
0x5a: {  	v3 =	vld [tilespmem:s20+$0x0];
	v4 =	vmul.f32 $8.000000000e+00, v4;
	[tilespmem:s18+$0x70] =	vst v0  }
0x5b: {  	v0 =	vld [tilespmem:s20+$0x40];
	v7 =	vmul.f32 $8.000000000e+00, v7;
	[tilespmem:s18+$0xB0] =	vst v2  }
0x5c: {  	v2 =	vmul.f32 $8.000000000e+00, v6;
	v6 =	vld [tilespmem:s20+$0x80];
	[tilespmem:s18+$0xFFFFFF30] =	vst v4;
	s18 =	sadd.s32 $0x200, s18  }
0x5d: {  	v4 =	vld [tilespmem:s20+$0xFFFFFF00];
	v5 =	vmul.f32 $8.000000000e+00, v5;
	[tilespmem:s18+$0xC0] =	vst v7  }
0x5e: {  	[tilespmem:s18+$0xFFFFFF40] =	vst v2;
	v1 =	vmul.f32 $8.000000000e+00, v1;
	v2 =	vld [tilespmem:s20+$0xD0]  }
0x5f: {  	v7 =	vld [tilespmem:s20+$0xFFFFFF50];
	[tilespmem:s18+$0xFFFFFF80] =	vst v5;
	v3 =	vmul.f32 $8.000000000e+00, v3  }
0x60: {  	v5 =	vld [tilespmem:s20+$0xFFFFFF90];
	[tilespmem:s18+$0xFFFFFFC0] =	vst v1;
	v0 =	vmul.f32 $8.000000000e+00, v0  }
0x61: {  	v1 =	vld [tilespmem:s20+$0xFFFFFFD0];
	[tilespmem:s18+$0x0] =	vst v3;
	v3 =	vmul.f32 $8.000000000e+00, v6  }
0x62: {  	v4 =	vmul.f32 $8.000000000e+00, v4;
	v6 =	vld [tilespmem:s20+$0x10];
	[tilespmem:s18+$0x40] =	vst v0  }
0x63: {  	v0 =	vld [tilespmem:s20+$0x50];
	[tilespmem:s18+$0x80] =	vst v3;
	v2 =	vmul.f32 $8.000000000e+00, v2  }
0x64: {  	[tilespmem:s18+$0xFFFFFF00] =	vst v4;
	v3 =	vmul.f32 $8.000000000e+00, v7;
	v4 =	vld [tilespmem:s20+$0x90]  }
0x65: {  	v7 =	vld [tilespmem:s20+$0xFFFFFF10];
	v5 =	vmul.f32 $8.000000000e+00, v5;
	[tilespmem:s18+$0xD0] =	vst v2  }
0x66: {  	[tilespmem:s18+$0xFFFFFF50] =	vst v3;
	v1 =	vmul.f32 $8.000000000e+00, v1;
	v2 =	vld [tilespmem:s20+$0xE0]  }
0x67: {  	v3 =	vld [tilespmem:s20+$0xFFFFFF60];
	[tilespmem:s18+$0xFFFFFF90] =	vst v5;
	v5 =	vmul.f32 $8.000000000e+00, v6  }
0x68: {  	v6 =	vld [tilespmem:s20+$0xFFFFFFA0];
	[tilespmem:s18+$0xFFFFFFD0] =	vst v1;
	v0 =	vmul.f32 $8.000000000e+00, v0  }
0x69: {  	v1 =	vld [tilespmem:s20+$0xFFFFFFE0];
	[tilespmem:s18+$0x10] =	vst v5;
	v4 =	vmul.f32 $8.000000000e+00, v4  }
0x6a: {  	v5 =	vmul.f32 $8.000000000e+00, v7;
	v7 =	vld [tilespmem:s20+$0x20];
	[tilespmem:s18+$0x50] =	vst v0  }
0x6b: {  	v0 =	vld [tilespmem:s20+$0x60];
	[tilespmem:s18+$0x90] =	vst v4;
	v2 =	vmul.f32 $8.000000000e+00, v2  }
0x6c: {  	[tilespmem:s18+$0xFFFFFF10] =	vst v5;
	v3 =	vmul.f32 $8.000000000e+00, v3;
	v4 =	vld [tilespmem:s20+$0xA0]  }
0x6d: {  	v5 =	vld [tilespmem:s20+$0xFFFFFF20];
	v6 =	vmul.f32 $8.000000000e+00, v6;
	[tilespmem:s18+$0xE0] =	vst v2  }
0x6e: {  	[tilespmem:s18+$0xFFFFFF60] =	vst v3;
	v1 =	vmul.f32 $8.000000000e+00, v1;
	v3 =	vld [tilespmem:s20+$0xF0]  }
0x6f: {  	v8 =	vld [tilespmem:s20+$0xFFFFFF70];
	[tilespmem:s18+$0xFFFFFFA0] =	vst v6;
	v2 =	vmul.f32 $8.000000000e+00, v7  }
0x70: {  	v7 =	vld [tilespmem:s20+$0xFFFFFFB0];
	[tilespmem:s18+$0xFFFFFFE0] =	vst v1;
	v1 =	vmul.f32 $8.000000000e+00, v0  }
.Ltmp2:
0x71: {  	v0 =	vld [tilespmem:s20+$0xFFFFFFF0];
	[tilespmem:s18+$0x20] =	vst v2;
	v4 =	vmul.f32 $8.000000000e+00, v4;
	(pc) =	sbr.rel @p1 .LBB2_3-.Ltmp2, $4  }
0x72: {  	v5 =	vmul.f32 $8.000000000e+00, v5;
	v2 =	vld [tilespmem:s20+$0x30];
	[tilespmem:s18+$0x60] =	vst v1  }
0x73: {  	v1 =	vld [tilespmem:s20+$0x70];
	[tilespmem:s18+$0xA0] =	vst v4;
	v9 =	vmul.f32 $8.000000000e+00, v3  }
0x74: {  	[tilespmem:s18+$0xFFFFFF20] =	vst v5;
	v6 =	vmul.f32 $8.000000000e+00, v8;
	v3 =	vld [tilespmem:s20+$0xB0]  }
0x75: {  	v4 =	vld [tilespmem:s20+$0xFFFFFF30];
	v5 =	vmul.f32 $8.000000000e+00, v7;
	[tilespmem:s18+$0xF0] =	vst v9;
	s20 =	sadd.s32 $0x200, s20  }
0x76: {  	[tilespmem:s18+$0xFFFFFF70] =	vst v6;
	v0 =	vmul.f32 $8.000000000e+00, v0  }
0x77: {  	s19 =	sadd.s32 s3, s17;
	[tilespmem:s18+$0xFFFFFFB0] =	vst v5;
	v2 =	vmul.f32 $8.000000000e+00, v2  }
0x78: {  	s19 =	smul.u32 $0x640, s19;
	[tilespmem:s18+$0xFFFFFFF0] =	vst v0;
	v0 =	vmul.f32 $8.000000000e+00, v1  }
0x79: {  	p1 =	seq.s32 s16, $0xF;
	[tilespmem:s18+$0x30] =	vst v2;
	v1 =	vmul.f32 $8.000000000e+00, v3  }
0x7a: {  	s23 =	sadd.s32 s5, s19;
	s19 =	smul.u32 @!p1 $0xC80, s16;
	v2 =	vmul.f32 $8.000000000e+00, v4;
	[tilespmem:s18+$0x70] =	vst v0  }
0x7b: {  	[tilespmem:s18+$0xB0] =	vst v1  }
0x7c: {  	[tilespmem:s18+$0xFFFFFF30] =	vst v2;
	s18 =	sshra.s32 @!p1 s19, $0x2  }
0x7d: {  	[hbm4b:s23+s2] =	stream.linear.scatter [tilespmem:s26], [sflag:$0x5], $0x3200, $0x38;
	[tilespmem:$0x1C200] =	vst v63  }
0x7e: {  	s20 =	simm.s32 @!p1 $0x80;
	s21 =	simm.s32 @!p1 $0x3200;
	s19 =	sadd.s32 @!p1 $0x320, s18  }
0x7f: {  	[tilespmem:s21], [sflag:$0x1] =	stream.indirect.gather @!p1 [hbm4b:s4+s20], $0x40, s19, s20, $0xb8;
	[tilespmem:$0x1C200] =	vst v63  }
0x80: {  	s19 =	sadd.s32 @!p1 $0x3A0, s18;
	s20 =	simm.s32 @!p1 $0x48;
	s21 =	simm.s32 @!p1 $0x5200  }
0x81: {  	[tilespmem:s21], [sflag:$0x1] =	stream.indirect.gather @!p1 [hbm4b:s4+s20], $0x40, s19, s20, $0xb8;
	[tilespmem:$0x1C200] =	vst v63  }
0x82: {  	_ =	swait.ge [sflag:s28], $0x2000  }
0x83: {  	[sflag:s28] =	ssyncset.done $0x0  }
0x84: {  	[sflag:s28] =	ssyncadd.s32 $0xFFFFE000  }
0x85: {  	_ =	swait.ge [sflag:s28], $0x1200  }
0x86: {  	[sflag:s28] =	ssyncset.done $0x0  }
0x87: {  	s19 =	simm.s32 @!p0 $0x6;
	[sflag:s28] =	ssyncadd.s32 $0xFFFFEE00  }
0x88: {  	_ =	swait.ge @!p0 [sflag:s19], $0x3200  }
0x89: {  	[sflag:s19] =	ssyncset.done @!p0 $0x0  }
0x8a: {  	s23 =	simm.s32 $0x6500;
	[sflag:s19] =	ssyncadd.s32 @!p0 $0xFFFFCE00  }
0x8b: {  	v0 =	vld [tilespmem:s23+$0xC0]  }
0x8c: {  	v1 =	vld [tilespmem:s23+$0xFFFFFF40]  }
0x8d: {  	v2 =	vld [tilespmem:s23+$0xFFFFFF80]  }
0x8e: {  	v3 =	vld [tilespmem:s23+$0xFFFFFFC0]  }
0x8f: {  	v4 =	vld [tilespmem:s23+$0x0]  }
0x90: {  	v5 =	vld [tilespmem:s23+$0x40];
	v0 =	vmul.f32 $8.000000000e+00, v0  }
0x91: {  	s19 =	simm.s32 $0x12D00;
	v6 =	vld [tilespmem:s23+$0x80];
	v1 =	vmul.f32 $8.000000000e+00, v1  }
0x92: {  	v7 =	vld [tilespmem:s23+$0xFFFFFF00];
	v2 =	vmul.f32 $8.000000000e+00, v2;
	[tilespmem:s19+$0xC0] =	vst v0  }
0x93: {  	[tilespmem:s19+$0xFFFFFF40] =	vst v1;
	v0 =	vmul.f32 $8.000000000e+00, v3;
	v1 =	vld [tilespmem:s23+$0xD0]  }
0x94: {  	[tilespmem:s19+$0xFFFFFF80] =	vst v2;
	v2 =	vmul.f32 $8.000000000e+00, v4;
	v3 =	vld [tilespmem:s23+$0xFFFFFF50]  }
0x95: {  	v4 =	vld [tilespmem:s23+$0xFFFFFF90];
	[tilespmem:s19+$0xFFFFFFC0] =	vst v0;
	v0 =	vmul.f32 $8.000000000e+00, v5  }
0x96: {  	[tilespmem:s19+$0x0] =	vst v2;
	v2 =	vmul.f32 $8.000000000e+00, v6;
	v5 =	vld [tilespmem:s23+$0xFFFFFFD0]  }
0x97: {  	v6 =	vmul.f32 $8.000000000e+00, v7;
	v7 =	vld [tilespmem:s23+$0x10];
	[tilespmem:s19+$0x40] =	vst v0  }
0x98: {  	[tilespmem:s19+$0x80] =	vst v2;
	v0 =	vld [tilespmem:s23+$0x50];
	v1 =	vmul.f32 $8.000000000e+00, v1  }
0x99: {  	[tilespmem:s19+$0xFFFFFF00] =	vst v6;
	v2 =	vmul.f32 $8.000000000e+00, v3;
	v3 =	vld [tilespmem:s23+$0x90]  }
0x9a: {  	v6 =	vld [tilespmem:s23+$0xFFFFFF10];
	v4 =	vmul.f32 $8.000000000e+00, v4;
	[tilespmem:s19+$0xD0] =	vst v1  }
0x9b: {  	[tilespmem:s19+$0xFFFFFF50] =	vst v2;
	v1 =	vmul.f32 $8.000000000e+00, v5;
	v2 =	vld [tilespmem:s23+$0xE0]  }
0x9c: {  	[tilespmem:s19+$0xFFFFFF90] =	vst v4;
	v4 =	vmul.f32 $8.000000000e+00, v7;
	v5 =	vld [tilespmem:s23+$0xFFFFFF60]  }
0x9d: {  	v7 =	vld [tilespmem:s23+$0xFFFFFFA0];
	[tilespmem:s19+$0xFFFFFFD0] =	vst v1;
	v0 =	vmul.f32 $8.000000000e+00, v0  }
0x9e: {  	[tilespmem:s19+$0x10] =	vst v4;
	v1 =	vld [tilespmem:s23+$0xFFFFFFE0];
	v3 =	vmul.f32 $8.000000000e+00, v3  }
0x9f: {  	v4 =	vmul.f32 $8.000000000e+00, v6;
	v6 =	vld [tilespmem:s23+$0x20];
	[tilespmem:s19+$0x50] =	vst v0  }
0xa0: {  	v0 =	vld [tilespmem:s23+$0x60];
	[tilespmem:s19+$0x90] =	vst v3;
	v2 =	vmul.f32 $8.000000000e+00, v2  }
0xa1: {  	[tilespmem:s19+$0xFFFFFF10] =	vst v4;
	v3 =	vmul.f32 $8.000000000e+00, v5;
	v4 =	vld [tilespmem:s23+$0xA0]  }
0xa2: {  	v5 =	vld [tilespmem:s23+$0xFFFFFF20];
	v7 =	vmul.f32 $8.000000000e+00, v7;
	[tilespmem:s19+$0xE0] =	vst v2  }
0xa3: {  	[tilespmem:s19+$0xFFFFFF60] =	vst v3;
	v1 =	vmul.f32 $8.000000000e+00, v1;
	v3 =	vld [tilespmem:s23+$0xF0]  }
0xa4: {  	[tilespmem:s19+$0xFFFFFFA0] =	vst v7;
	v2 =	vmul.f32 $8.000000000e+00, v6;
	v8 =	vld [tilespmem:s23+$0xFFFFFF70]  }
0xa5: {  	v7 =	vld [tilespmem:s23+$0xFFFFFFB0];
	[tilespmem:s19+$0xFFFFFFE0] =	vst v1;
	v1 =	vmul.f32 $8.000000000e+00, v0  }
0xa6: {  	[tilespmem:s19+$0x20] =	vst v2;
	v0 =	vld [tilespmem:s23+$0xFFFFFFF0];
	v4 =	vmul.f32 $8.000000000e+00, v4  }
0xa7: {  	v5 =	vmul.f32 $8.000000000e+00, v5;
	v2 =	vld [tilespmem:s23+$0x30];
	[tilespmem:s19+$0x60] =	vst v1  }
0xa8: {  	v1 =	vld [tilespmem:s23+$0x70];
	[tilespmem:s19+$0xA0] =	vst v4;
	v9 =	vmul.f32 $8.000000000e+00, v3  }
0xa9: {  	[tilespmem:s19+$0xFFFFFF20] =	vst v5;
	v3 =	vld [tilespmem:s23+$0xB0];
	v6 =	vmul.f32 $8.000000000e+00, v8  }
0xaa: {  	s20 =	sor.u32 $0x1, s17;
	s21 =	simm.s32 $0x0;
	v4 =	vld [tilespmem:s23+$0xFFFFFF30];
	v5 =	vmul.f32 $8.000000000e+00, v7;
	s23 =	simm.s32 $0x6700;
	[tilespmem:s19+$0xF0] =	vst v9  }
.LBB2_5:
0xab: {  	v7 =	vld [tilespmem:s23+$0xC0];
	s21 =	sadd.s32 $0x8, s21;
	[tilespmem:s19+$0xFFFFFF70] =	vst v6;
	v0 =	vmul.f32 $8.000000000e+00, v0  }
0xac: {  	v6 =	vld [tilespmem:s23+$0xFFFFFF40];
	p2 =	slt.u32 s21, $0xC0;
	[tilespmem:s19+$0xFFFFFFB0] =	vst v5;
	v2 =	vmul.f32 $8.000000000e+00, v2  }
0xad: {  	v5 =	vld [tilespmem:s23+$0xFFFFFF80];
	[tilespmem:s19+$0xFFFFFFF0] =	vst v0;
	v0 =	vmul.f32 $8.000000000e+00, v1  }
0xae: {  	v1 =	vld [tilespmem:s23+$0xFFFFFFC0];
	[tilespmem:s19+$0x30] =	vst v2;
	v2 =	vmul.f32 $8.000000000e+00, v3  }
0xaf: {  	v3 =	vld [tilespmem:s23+$0x0];
	v4 =	vmul.f32 $8.000000000e+00, v4;
	[tilespmem:s19+$0x70] =	vst v0  }
0xb0: {  	v0 =	vld [tilespmem:s23+$0x40];
	v7 =	vmul.f32 $8.000000000e+00, v7;
	[tilespmem:s19+$0xB0] =	vst v2  }
0xb1: {  	v2 =	vmul.f32 $8.000000000e+00, v6;
	v6 =	vld [tilespmem:s23+$0x80];
	[tilespmem:s19+$0xFFFFFF30] =	vst v4;
	s19 =	sadd.s32 $0x200, s19  }
0xb2: {  	v4 =	vld [tilespmem:s23+$0xFFFFFF00];
	v5 =	vmul.f32 $8.000000000e+00, v5;
	[tilespmem:s19+$0xC0] =	vst v7  }
0xb3: {  	[tilespmem:s19+$0xFFFFFF40] =	vst v2;
	v1 =	vmul.f32 $8.000000000e+00, v1;
	v2 =	vld [tilespmem:s23+$0xD0]  }
0xb4: {  	v7 =	vld [tilespmem:s23+$0xFFFFFF50];
	[tilespmem:s19+$0xFFFFFF80] =	vst v5;
	v3 =	vmul.f32 $8.000000000e+00, v3  }
0xb5: {  	v5 =	vld [tilespmem:s23+$0xFFFFFF90];
	[tilespmem:s19+$0xFFFFFFC0] =	vst v1;
	v0 =	vmul.f32 $8.000000000e+00, v0  }
0xb6: {  	v1 =	vld [tilespmem:s23+$0xFFFFFFD0];
	[tilespmem:s19+$0x0] =	vst v3;
	v3 =	vmul.f32 $8.000000000e+00, v6  }
0xb7: {  	v4 =	vmul.f32 $8.000000000e+00, v4;
	v6 =	vld [tilespmem:s23+$0x10];
	[tilespmem:s19+$0x40] =	vst v0  }
0xb8: {  	v0 =	vld [tilespmem:s23+$0x50];
	[tilespmem:s19+$0x80] =	vst v3;
	v2 =	vmul.f32 $8.000000000e+00, v2  }
0xb9: {  	[tilespmem:s19+$0xFFFFFF00] =	vst v4;
	v3 =	vmul.f32 $8.000000000e+00, v7;
	v4 =	vld [tilespmem:s23+$0x90]  }
0xba: {  	v7 =	vld [tilespmem:s23+$0xFFFFFF10];
	v5 =	vmul.f32 $8.000000000e+00, v5;
	[tilespmem:s19+$0xD0] =	vst v2  }
0xbb: {  	[tilespmem:s19+$0xFFFFFF50] =	vst v3;
	v1 =	vmul.f32 $8.000000000e+00, v1;
	v2 =	vld [tilespmem:s23+$0xE0]  }
0xbc: {  	v3 =	vld [tilespmem:s23+$0xFFFFFF60];
	[tilespmem:s19+$0xFFFFFF90] =	vst v5;
	v5 =	vmul.f32 $8.000000000e+00, v6  }
0xbd: {  	v6 =	vld [tilespmem:s23+$0xFFFFFFA0];
	[tilespmem:s19+$0xFFFFFFD0] =	vst v1;
	v0 =	vmul.f32 $8.000000000e+00, v0  }
0xbe: {  	v1 =	vld [tilespmem:s23+$0xFFFFFFE0];
	[tilespmem:s19+$0x10] =	vst v5;
	v4 =	vmul.f32 $8.000000000e+00, v4  }
0xbf: {  	v5 =	vmul.f32 $8.000000000e+00, v7;
	v7 =	vld [tilespmem:s23+$0x20];
	[tilespmem:s19+$0x50] =	vst v0  }
0xc0: {  	v0 =	vld [tilespmem:s23+$0x60];
	[tilespmem:s19+$0x90] =	vst v4;
	v2 =	vmul.f32 $8.000000000e+00, v2  }
0xc1: {  	[tilespmem:s19+$0xFFFFFF10] =	vst v5;
	v3 =	vmul.f32 $8.000000000e+00, v3;
	v4 =	vld [tilespmem:s23+$0xA0]  }
0xc2: {  	v5 =	vld [tilespmem:s23+$0xFFFFFF20];
	v6 =	vmul.f32 $8.000000000e+00, v6;
	[tilespmem:s19+$0xE0] =	vst v2  }
0xc3: {  	[tilespmem:s19+$0xFFFFFF60] =	vst v3;
	v1 =	vmul.f32 $8.000000000e+00, v1;
	v3 =	vld [tilespmem:s23+$0xF0]  }
0xc4: {  	v8 =	vld [tilespmem:s23+$0xFFFFFF70];
	[tilespmem:s19+$0xFFFFFFA0] =	vst v6;
	v2 =	vmul.f32 $8.000000000e+00, v7  }
0xc5: {  	v7 =	vld [tilespmem:s23+$0xFFFFFFB0];
	[tilespmem:s19+$0xFFFFFFE0] =	vst v1;
	v1 =	vmul.f32 $8.000000000e+00, v0  }
.Ltmp3:
0xc6: {  	v0 =	vld [tilespmem:s23+$0xFFFFFFF0];
	[tilespmem:s19+$0x20] =	vst v2;
	v4 =	vmul.f32 $8.000000000e+00, v4;
	(pc) =	sbr.rel @p2 .LBB2_5-.Ltmp3, $4  }
0xc7: {  	v5 =	vmul.f32 $8.000000000e+00, v5;
	v2 =	vld [tilespmem:s23+$0x30];
	[tilespmem:s19+$0x60] =	vst v1  }
0xc8: {  	v1 =	vld [tilespmem:s23+$0x70];
	[tilespmem:s19+$0xA0] =	vst v4;
	v9 =	vmul.f32 $8.000000000e+00, v3  }
0xc9: {  	[tilespmem:s19+$0xFFFFFF20] =	vst v5;
	v6 =	vmul.f32 $8.000000000e+00, v8;
	v3 =	vld [tilespmem:s23+$0xB0]  }
0xca: {  	v4 =	vld [tilespmem:s23+$0xFFFFFF30];
	v5 =	vmul.f32 $8.000000000e+00, v7;
	[tilespmem:s19+$0xF0] =	vst v9;
	s23 =	sadd.s32 $0x200, s23  }
0xcb: {  	[tilespmem:s19+$0xFFFFFF70] =	vst v6;
	v0 =	vmul.f32 $8.000000000e+00, v0  }
0xcc: {  	[tilespmem:s19+$0xFFFFFFB0] =	vst v5;
	v2 =	vmul.f32 $8.000000000e+00, v2  }
0xcd: {  	[tilespmem:s19+$0xFFFFFFF0] =	vst v0;
	v0 =	vmul.f32 $8.000000000e+00, v1  }
0xce: {  	s20 =	sadd.s32 s3, s20;
	[tilespmem:s19+$0x30] =	vst v2;
	v1 =	vmul.f32 $8.000000000e+00, v3  }
0xcf: {  	s20 =	smul.u32 $0x640, s20;
	v2 =	vmul.f32 $8.000000000e+00, v4;
	[tilespmem:s19+$0x70] =	vst v0  }
0xd0: {  	[tilespmem:s19+$0xB0] =	vst v1  }
0xd1: {  	s23 =	sadd.s32 s5, s20;
	[tilespmem:s19+$0xFFFFFF30] =	vst v2  }
0xd2: {  	[hbm4b:s23+s2] =	stream.linear.scatter [tilespmem:s29], [sflag:$0x6], $0x3200, $0x38;
	[tilespmem:$0x1C200] =	vst v63  }
0xd3: {  	s21 =	simm.s32 @!p1 $0x6400;
	s20 =	simm.s32 @!p1 $0x80;
	s19 =	sadd.s32 @!p1 $0x3E8, s18  }
0xd4: {  	[tilespmem:s21], [sflag:$0x2] =	stream.indirect.gather @!p1 [hbm4b:s4+s20], $0x40, s19, s20, $0xb8;
	[tilespmem:$0x1C200] =	vst v63  }
0xd5: {  	s19 =	sadd.s32 @!p1 $0x468, s18;
	s20 =	simm.s32 @!p1 $0x48;
	s21 =	simm.s32 @!p1 $0x8400  }
0xd6: {  	[tilespmem:s21], [sflag:$0x2] =	stream.indirect.gather @!p1 [hbm4b:s4+s20], $0x40, s19, s20, $0xb8;
	[tilespmem:$0x1C200] =	vst v63  }
0xd7: {  	_ =	swait.ge [sflag:s30], $0x2000  }
0xd8: {  	[sflag:s30] =	ssyncset.done $0x0  }
0xd9: {  	[sflag:s30] =	ssyncadd.s32 $0xFFFFE000  }
0xda: {  	_ =	swait.ge [sflag:s30], $0x1200  }
0xdb: {  	[sflag:s30] =	ssyncset.done $0x0  }
0xdc: {  	s19 =	simm.s32 @!p0 $0x7;
	[sflag:s30] =	ssyncadd.s32 $0xFFFFEE00  }
0xdd: {  	_ =	swait.ge @!p0 [sflag:s19], $0x3200  }
0xde: {  	[sflag:s19] =	ssyncset.done @!p0 $0x0  }
0xdf: {  	s23 =	simm.s32 $0x9700;
	[sflag:s19] =	ssyncadd.s32 @!p0 $0xFFFFCE00  }
0xe0: {  	v0 =	vld [tilespmem:s23+$0xC0]  }
0xe1: {  	v1 =	vld [tilespmem:s23+$0xFFFFFF40]  }
0xe2: {  	v2 =	vld [tilespmem:s23+$0xFFFFFF80]  }
0xe3: {  	v3 =	vld [tilespmem:s23+$0xFFFFFFC0]  }
0xe4: {  	v4 =	vld [tilespmem:s23+$0x0]  }
0xe5: {  	v5 =	vld [tilespmem:s23+$0x40];
	v0 =	vmul.f32 $8.000000000e+00, v0  }
0xe6: {  	s19 =	simm.s32 $0x15F00;
	v6 =	vld [tilespmem:s23+$0x80];
	v1 =	vmul.f32 $8.000000000e+00, v1  }
0xe7: {  	v7 =	vld [tilespmem:s23+$0xFFFFFF00];
	v2 =	vmul.f32 $8.000000000e+00, v2;
	[tilespmem:s19+$0xC0] =	vst v0  }
0xe8: {  	[tilespmem:s19+$0xFFFFFF40] =	vst v1;
	v0 =	vmul.f32 $8.000000000e+00, v3;
	v1 =	vld [tilespmem:s23+$0xD0]  }
0xe9: {  	[tilespmem:s19+$0xFFFFFF80] =	vst v2;
	v2 =	vmul.f32 $8.000000000e+00, v4;
	v3 =	vld [tilespmem:s23+$0xFFFFFF50]  }
0xea: {  	v4 =	vld [tilespmem:s23+$0xFFFFFF90];
	[tilespmem:s19+$0xFFFFFFC0] =	vst v0;
	v0 =	vmul.f32 $8.000000000e+00, v5  }
0xeb: {  	[tilespmem:s19+$0x0] =	vst v2;
	v2 =	vmul.f32 $8.000000000e+00, v6;
	v5 =	vld [tilespmem:s23+$0xFFFFFFD0]  }
0xec: {  	v6 =	vmul.f32 $8.000000000e+00, v7;
	v7 =	vld [tilespmem:s23+$0x10];
	[tilespmem:s19+$0x40] =	vst v0  }
0xed: {  	[tilespmem:s19+$0x80] =	vst v2;
	v0 =	vld [tilespmem:s23+$0x50];
	v1 =	vmul.f32 $8.000000000e+00, v1  }
0xee: {  	[tilespmem:s19+$0xFFFFFF00] =	vst v6;
	v2 =	vmul.f32 $8.000000000e+00, v3;
	v3 =	vld [tilespmem:s23+$0x90]  }
0xef: {  	v6 =	vld [tilespmem:s23+$0xFFFFFF10];
	v4 =	vmul.f32 $8.000000000e+00, v4;
	[tilespmem:s19+$0xD0] =	vst v1  }
0xf0: {  	[tilespmem:s19+$0xFFFFFF50] =	vst v2;
	v1 =	vmul.f32 $8.000000000e+00, v5;
	v2 =	vld [tilespmem:s23+$0xE0]  }
0xf1: {  	[tilespmem:s19+$0xFFFFFF90] =	vst v4;
	v4 =	vmul.f32 $8.000000000e+00, v7;
	v5 =	vld [tilespmem:s23+$0xFFFFFF60]  }
0xf2: {  	v7 =	vld [tilespmem:s23+$0xFFFFFFA0];
	[tilespmem:s19+$0xFFFFFFD0] =	vst v1;
	v0 =	vmul.f32 $8.000000000e+00, v0  }
0xf3: {  	[tilespmem:s19+$0x10] =	vst v4;
	v1 =	vld [tilespmem:s23+$0xFFFFFFE0];
	v3 =	vmul.f32 $8.000000000e+00, v3  }
0xf4: {  	v4 =	vmul.f32 $8.000000000e+00, v6;
	v6 =	vld [tilespmem:s23+$0x20];
	[tilespmem:s19+$0x50] =	vst v0  }
0xf5: {  	v0 =	vld [tilespmem:s23+$0x60];
	[tilespmem:s19+$0x90] =	vst v3;
	v2 =	vmul.f32 $8.000000000e+00, v2  }
0xf6: {  	[tilespmem:s19+$0xFFFFFF10] =	vst v4;
	v3 =	vmul.f32 $8.000000000e+00, v5;
	v4 =	vld [tilespmem:s23+$0xA0]  }
0xf7: {  	v5 =	vld [tilespmem:s23+$0xFFFFFF20];
	v7 =	vmul.f32 $8.000000000e+00, v7;
	[tilespmem:s19+$0xE0] =	vst v2  }
0xf8: {  	[tilespmem:s19+$0xFFFFFF60] =	vst v3;
	v1 =	vmul.f32 $8.000000000e+00, v1;
	v3 =	vld [tilespmem:s23+$0xF0]  }
0xf9: {  	[tilespmem:s19+$0xFFFFFFA0] =	vst v7;
	v2 =	vmul.f32 $8.000000000e+00, v6;
	v8 =	vld [tilespmem:s23+$0xFFFFFF70]  }
0xfa: {  	v7 =	vld [tilespmem:s23+$0xFFFFFFB0];
	[tilespmem:s19+$0xFFFFFFE0] =	vst v1;
	v1 =	vmul.f32 $8.000000000e+00, v0  }
0xfb: {  	[tilespmem:s19+$0x20] =	vst v2;
	v0 =	vld [tilespmem:s23+$0xFFFFFFF0];
	v4 =	vmul.f32 $8.000000000e+00, v4  }
0xfc: {  	v5 =	vmul.f32 $8.000000000e+00, v5;
	v2 =	vld [tilespmem:s23+$0x30];
	[tilespmem:s19+$0x60] =	vst v1  }
0xfd: {  	v1 =	vld [tilespmem:s23+$0x70];
	[tilespmem:s19+$0xA0] =	vst v4;
	v9 =	vmul.f32 $8.000000000e+00, v3  }
0xfe: {  	[tilespmem:s19+$0xFFFFFF20] =	vst v5;
	v3 =	vld [tilespmem:s23+$0xB0];
	v6 =	vmul.f32 $8.000000000e+00, v8  }
0xff: {  	s20 =	sor.u32 $0x2, s17;
	s21 =	simm.s32 $0x0;
	v4 =	vld [tilespmem:s23+$0xFFFFFF30];
	v5 =	vmul.f32 $8.000000000e+00, v7;
	s23 =	simm.s32 $0x9900;
	[tilespmem:s19+$0xF0] =	vst v9  }
.LBB2_7:
0x100: {  	v7 =	vld [tilespmem:s23+$0xC0];
	s21 =	sadd.s32 $0x8, s21;
	[tilespmem:s19+$0xFFFFFF70] =	vst v6;
	v0 =	vmul.f32 $8.000000000e+00, v0  }
0x101: {  	v6 =	vld [tilespmem:s23+$0xFFFFFF40];
	p2 =	slt.u32 s21, $0xC0;
	[tilespmem:s19+$0xFFFFFFB0] =	vst v5;
	v2 =	vmul.f32 $8.000000000e+00, v2  }
0x102: {  	v5 =	vld [tilespmem:s23+$0xFFFFFF80];
	[tilespmem:s19+$0xFFFFFFF0] =	vst v0;
	v0 =	vmul.f32 $8.000000000e+00, v1  }
0x103: {  	v1 =	vld [tilespmem:s23+$0xFFFFFFC0];
	[tilespmem:s19+$0x30] =	vst v2;
	v2 =	vmul.f32 $8.000000000e+00, v3  }
0x104: {  	v3 =	vld [tilespmem:s23+$0x0];
	v4 =	vmul.f32 $8.000000000e+00, v4;
	[tilespmem:s19+$0x70] =	vst v0  }
0x105: {  	v0 =	vld [tilespmem:s23+$0x40];
	v7 =	vmul.f32 $8.000000000e+00, v7;
	[tilespmem:s19+$0xB0] =	vst v2  }
0x106: {  	v2 =	vmul.f32 $8.000000000e+00, v6;
	v6 =	vld [tilespmem:s23+$0x80];
	[tilespmem:s19+$0xFFFFFF30] =	vst v4;
	s19 =	sadd.s32 $0x200, s19  }
0x107: {  	v4 =	vld [tilespmem:s23+$0xFFFFFF00];
	v5 =	vmul.f32 $8.000000000e+00, v5;
	[tilespmem:s19+$0xC0] =	vst v7  }
0x108: {  	[tilespmem:s19+$0xFFFFFF40] =	vst v2;
	v1 =	vmul.f32 $8.000000000e+00, v1;
	v2 =	vld [tilespmem:s23+$0xD0]  }
0x109: {  	v7 =	vld [tilespmem:s23+$0xFFFFFF50];
	[tilespmem:s19+$0xFFFFFF80] =	vst v5;
	v3 =	vmul.f32 $8.000000000e+00, v3  }
0x10a: {  	v5 =	vld [tilespmem:s23+$0xFFFFFF90];
	[tilespmem:s19+$0xFFFFFFC0] =	vst v1;
	v0 =	vmul.f32 $8.000000000e+00, v0  }
0x10b: {  	v1 =	vld [tilespmem:s23+$0xFFFFFFD0];
	[tilespmem:s19+$0x0] =	vst v3;
	v3 =	vmul.f32 $8.000000000e+00, v6  }
0x10c: {  	v4 =	vmul.f32 $8.000000000e+00, v4;
	v6 =	vld [tilespmem:s23+$0x10];
	[tilespmem:s19+$0x40] =	vst v0  }
0x10d: {  	v0 =	vld [tilespmem:s23+$0x50];
	[tilespmem:s19+$0x80] =	vst v3;
	v2 =	vmul.f32 $8.000000000e+00, v2  }
0x10e: {  	[tilespmem:s19+$0xFFFFFF00] =	vst v4;
	v3 =	vmul.f32 $8.000000000e+00, v7;
	v4 =	vld [tilespmem:s23+$0x90]  }
0x10f: {  	v7 =	vld [tilespmem:s23+$0xFFFFFF10];
	v5 =	vmul.f32 $8.000000000e+00, v5;
	[tilespmem:s19+$0xD0] =	vst v2  }
0x110: {  	[tilespmem:s19+$0xFFFFFF50] =	vst v3;
	v1 =	vmul.f32 $8.000000000e+00, v1;
	v2 =	vld [tilespmem:s23+$0xE0]  }
0x111: {  	v3 =	vld [tilespmem:s23+$0xFFFFFF60];
	[tilespmem:s19+$0xFFFFFF90] =	vst v5;
	v5 =	vmul.f32 $8.000000000e+00, v6  }
0x112: {  	v6 =	vld [tilespmem:s23+$0xFFFFFFA0];
	[tilespmem:s19+$0xFFFFFFD0] =	vst v1;
	v0 =	vmul.f32 $8.000000000e+00, v0  }
0x113: {  	v1 =	vld [tilespmem:s23+$0xFFFFFFE0];
	[tilespmem:s19+$0x10] =	vst v5;
	v4 =	vmul.f32 $8.000000000e+00, v4  }
0x114: {  	v5 =	vmul.f32 $8.000000000e+00, v7;
	v7 =	vld [tilespmem:s23+$0x20];
	[tilespmem:s19+$0x50] =	vst v0  }
0x115: {  	v0 =	vld [tilespmem:s23+$0x60];
	[tilespmem:s19+$0x90] =	vst v4;
	v2 =	vmul.f32 $8.000000000e+00, v2  }
0x116: {  	[tilespmem:s19+$0xFFFFFF10] =	vst v5;
	v3 =	vmul.f32 $8.000000000e+00, v3;
	v4 =	vld [tilespmem:s23+$0xA0]  }
0x117: {  	v5 =	vld [tilespmem:s23+$0xFFFFFF20];
	v6 =	vmul.f32 $8.000000000e+00, v6;
	[tilespmem:s19+$0xE0] =	vst v2  }
0x118: {  	[tilespmem:s19+$0xFFFFFF60] =	vst v3;
	v1 =	vmul.f32 $8.000000000e+00, v1;
	v3 =	vld [tilespmem:s23+$0xF0]  }
0x119: {  	v8 =	vld [tilespmem:s23+$0xFFFFFF70];
	[tilespmem:s19+$0xFFFFFFA0] =	vst v6;
	v2 =	vmul.f32 $8.000000000e+00, v7  }
0x11a: {  	v7 =	vld [tilespmem:s23+$0xFFFFFFB0];
	[tilespmem:s19+$0xFFFFFFE0] =	vst v1;
	v1 =	vmul.f32 $8.000000000e+00, v0  }
.Ltmp4:
0x11b: {  	v0 =	vld [tilespmem:s23+$0xFFFFFFF0];
	[tilespmem:s19+$0x20] =	vst v2;
	v4 =	vmul.f32 $8.000000000e+00, v4;
	(pc) =	sbr.rel @p2 .LBB2_7-.Ltmp4, $4  }
0x11c: {  	v5 =	vmul.f32 $8.000000000e+00, v5;
	v2 =	vld [tilespmem:s23+$0x30];
	[tilespmem:s19+$0x60] =	vst v1  }
0x11d: {  	v1 =	vld [tilespmem:s23+$0x70];
	[tilespmem:s19+$0xA0] =	vst v4;
	v9 =	vmul.f32 $8.000000000e+00, v3  }
0x11e: {  	[tilespmem:s19+$0xFFFFFF20] =	vst v5;
	v6 =	vmul.f32 $8.000000000e+00, v8;
	v3 =	vld [tilespmem:s23+$0xB0]  }
0x11f: {  	v4 =	vld [tilespmem:s23+$0xFFFFFF30];
	v5 =	vmul.f32 $8.000000000e+00, v7;
	[tilespmem:s19+$0xF0] =	vst v9;
	s23 =	sadd.s32 $0x200, s23  }
0x120: {  	[tilespmem:s19+$0xFFFFFF70] =	vst v6;
	v0 =	vmul.f32 $8.000000000e+00, v0  }
0x121: {  	[tilespmem:s19+$0xFFFFFFB0] =	vst v5;
	v2 =	vmul.f32 $8.000000000e+00, v2  }
0x122: {  	[tilespmem:s19+$0xFFFFFFF0] =	vst v0;
	v0 =	vmul.f32 $8.000000000e+00, v1  }
0x123: {  	s20 =	sadd.s32 s3, s20;
	[tilespmem:s19+$0x30] =	vst v2;
	v1 =	vmul.f32 $8.000000000e+00, v3  }
0x124: {  	s20 =	smul.u32 $0x640, s20;
	v2 =	vmul.f32 $8.000000000e+00, v4;
	[tilespmem:s19+$0x70] =	vst v0  }
0x125: {  	[tilespmem:s19+$0xB0] =	vst v1  }
0x126: {  	s21 =	sadd.s32 s5, s20;
	[tilespmem:s19+$0xFFFFFF30] =	vst v2  }
0x127: {  	[hbm4b:s21+s2] =	stream.linear.scatter [tilespmem:s31], [sflag:$0x7], $0x3200, $0x38;
	[tilespmem:$0x1C200] =	vst v63  }
0x128: {  	s20 =	simm.s32 @!p1 $0x80;
	s19 =	sadd.s32 @!p1 $0x4B0, s18;
	s21 =	simm.s32 @!p1 $0x9600  }
0x129: {  	[tilespmem:s21], [sflag:$0x3] =	stream.indirect.gather @!p1 [hbm4b:s4+s20], $0x40, s19, s20, $0xb8;
	[tilespmem:$0x1C200] =	vst v63  }
0x12a: {  	s18 =	sadd.s32 @!p1 $0x530, s18;
	s19 =	simm.s32 @!p1 $0x48;
	s20 =	simm.s32 @!p1 $0xB600  }
0x12b: {  	[tilespmem:s20], [sflag:$0x3] =	stream.indirect.gather @!p1 [hbm4b:s4+s19], $0x40, s18, s19, $0xb8;
	[tilespmem:$0x1C200] =	vst v63  }
0x12c: {  	_ =	swait.ge [sflag:s1], $0x2000  }
0x12d: {  	[sflag:s1] =	ssyncset.done $0x0  }
0x12e: {  	[sflag:s1] =	ssyncadd.s32 $0xFFFFE000  }
0x12f: {  	_ =	swait.ge [sflag:s1], $0x1200  }
0x130: {  	[sflag:s1] =	ssyncset.done $0x0  }
0x131: {  	s18 =	simm.s32 @!p0 $0x8;
	[sflag:s1] =	ssyncadd.s32 $0xFFFFEE00  }
0x132: {  	_ =	swait.ge @!p0 [sflag:s18], $0x3200  }
0x133: {  	[sflag:s18] =	ssyncset.done @!p0 $0x0  }
0x134: {  	s23 =	simm.s32 $0xC900;
	[sflag:s18] =	ssyncadd.s32 @!p0 $0xFFFFCE00  }
0x135: {  	v0 =	vld [tilespmem:s23+$0xC0]  }
0x136: {  	v1 =	vld [tilespmem:s23+$0xFFFFFF40]  }
0x137: {  	v2 =	vld [tilespmem:s23+$0xFFFFFF80]  }
0x138: {  	v3 =	vld [tilespmem:s23+$0xFFFFFFC0]  }
0x139: {  	v4 =	vld [tilespmem:s23+$0x0]  }
0x13a: {  	v5 =	vld [tilespmem:s23+$0x40];
	v0 =	vmul.f32 $8.000000000e+00, v0  }
0x13b: {  	s18 =	simm.s32 $0x19100;
	v6 =	vld [tilespmem:s23+$0x80];
	v1 =	vmul.f32 $8.000000000e+00, v1  }
0x13c: {  	v7 =	vld [tilespmem:s23+$0xFFFFFF00];
	v2 =	vmul.f32 $8.000000000e+00, v2;
	[tilespmem:s18+$0xC0] =	vst v0  }
0x13d: {  	[tilespmem:s18+$0xFFFFFF40] =	vst v1;
	v0 =	vmul.f32 $8.000000000e+00, v3;
	v1 =	vld [tilespmem:s23+$0xD0]  }
0x13e: {  	[tilespmem:s18+$0xFFFFFF80] =	vst v2;
	v2 =	vmul.f32 $8.000000000e+00, v4;
	v3 =	vld [tilespmem:s23+$0xFFFFFF50]  }
0x13f: {  	v4 =	vld [tilespmem:s23+$0xFFFFFF90];
	[tilespmem:s18+$0xFFFFFFC0] =	vst v0;
	v0 =	vmul.f32 $8.000000000e+00, v5  }
0x140: {  	[tilespmem:s18+$0x0] =	vst v2;
	v2 =	vmul.f32 $8.000000000e+00, v6;
	v5 =	vld [tilespmem:s23+$0xFFFFFFD0]  }
0x141: {  	v6 =	vmul.f32 $8.000000000e+00, v7;
	v7 =	vld [tilespmem:s23+$0x10];
	[tilespmem:s18+$0x40] =	vst v0  }
0x142: {  	[tilespmem:s18+$0x80] =	vst v2;
	v0 =	vld [tilespmem:s23+$0x50];
	v1 =	vmul.f32 $8.000000000e+00, v1  }
0x143: {  	[tilespmem:s18+$0xFFFFFF00] =	vst v6;
	v2 =	vmul.f32 $8.000000000e+00, v3;
	v3 =	vld [tilespmem:s23+$0x90]  }
0x144: {  	v6 =	vld [tilespmem:s23+$0xFFFFFF10];
	v4 =	vmul.f32 $8.000000000e+00, v4;
	[tilespmem:s18+$0xD0] =	vst v1  }
0x145: {  	[tilespmem:s18+$0xFFFFFF50] =	vst v2;
	v1 =	vmul.f32 $8.000000000e+00, v5;
	v2 =	vld [tilespmem:s23+$0xE0]  }
0x146: {  	[tilespmem:s18+$0xFFFFFF90] =	vst v4;
	v4 =	vmul.f32 $8.000000000e+00, v7;
	v5 =	vld [tilespmem:s23+$0xFFFFFF60]  }
0x147: {  	v7 =	vld [tilespmem:s23+$0xFFFFFFA0];
	[tilespmem:s18+$0xFFFFFFD0] =	vst v1;
	v0 =	vmul.f32 $8.000000000e+00, v0  }
0x148: {  	[tilespmem:s18+$0x10] =	vst v4;
	v1 =	vld [tilespmem:s23+$0xFFFFFFE0];
	v3 =	vmul.f32 $8.000000000e+00, v3  }
0x149: {  	v4 =	vmul.f32 $8.000000000e+00, v6;
	v6 =	vld [tilespmem:s23+$0x20];
	[tilespmem:s18+$0x50] =	vst v0  }
0x14a: {  	v0 =	vld [tilespmem:s23+$0x60];
	[tilespmem:s18+$0x90] =	vst v3;
	v2 =	vmul.f32 $8.000000000e+00, v2  }
0x14b: {  	[tilespmem:s18+$0xFFFFFF10] =	vst v4;
	v3 =	vmul.f32 $8.000000000e+00, v5;
	v4 =	vld [tilespmem:s23+$0xA0]  }
0x14c: {  	v5 =	vld [tilespmem:s23+$0xFFFFFF20];
	v7 =	vmul.f32 $8.000000000e+00, v7;
	[tilespmem:s18+$0xE0] =	vst v2  }
0x14d: {  	[tilespmem:s18+$0xFFFFFF60] =	vst v3;
	v1 =	vmul.f32 $8.000000000e+00, v1;
	v3 =	vld [tilespmem:s23+$0xF0]  }
0x14e: {  	[tilespmem:s18+$0xFFFFFFA0] =	vst v7;
	v2 =	vmul.f32 $8.000000000e+00, v6;
	v8 =	vld [tilespmem:s23+$0xFFFFFF70]  }
0x14f: {  	v7 =	vld [tilespmem:s23+$0xFFFFFFB0];
	[tilespmem:s18+$0xFFFFFFE0] =	vst v1;
	v1 =	vmul.f32 $8.000000000e+00, v0  }
0x150: {  	[tilespmem:s18+$0x20] =	vst v2;
	v0 =	vld [tilespmem:s23+$0xFFFFFFF0];
	v4 =	vmul.f32 $8.000000000e+00, v4  }
0x151: {  	v5 =	vmul.f32 $8.000000000e+00, v5;
	v2 =	vld [tilespmem:s23+$0x30];
	[tilespmem:s18+$0x60] =	vst v1  }
0x152: {  	v1 =	vld [tilespmem:s23+$0x70];
	[tilespmem:s18+$0xA0] =	vst v4;
	v9 =	vmul.f32 $8.000000000e+00, v3  }
0x153: {  	[tilespmem:s18+$0xFFFFFF20] =	vst v5;
	v3 =	vld [tilespmem:s23+$0xB0];
	v6 =	vmul.f32 $8.000000000e+00, v8  }
0x154: {  	s17 =	sor.u32 $0x3, s17;
	s19 =	simm.s32 $0x0;
	s20 =	simm.s32 $0xCB00;
	v4 =	vld [tilespmem:s23+$0xFFFFFF30];
	v5 =	vmul.f32 $8.000000000e+00, v7;
	[tilespmem:s18+$0xF0] =	vst v9  }
.LBB2_9:
0x155: {  	v7 =	vld [tilespmem:s20+$0xC0];
	s19 =	sadd.s32 $0x8, s19;
	[tilespmem:s18+$0xFFFFFF70] =	vst v6;
	v0 =	vmul.f32 $8.000000000e+00, v0  }
0x156: {  	v6 =	vld [tilespmem:s20+$0xFFFFFF40];
	p0 =	slt.u32 s19, $0xC0;
	[tilespmem:s18+$0xFFFFFFB0] =	vst v5;
	v2 =	vmul.f32 $8.000000000e+00, v2  }
0x157: {  	v5 =	vld [tilespmem:s20+$0xFFFFFF80];
	[tilespmem:s18+$0xFFFFFFF0] =	vst v0;
	v0 =	vmul.f32 $8.000000000e+00, v1  }
0x158: {  	v1 =	vld [tilespmem:s20+$0xFFFFFFC0];
	[tilespmem:s18+$0x30] =	vst v2;
	v2 =	vmul.f32 $8.000000000e+00, v3  }
0x159: {  	v3 =	vld [tilespmem:s20+$0x0];
	v4 =	vmul.f32 $8.000000000e+00, v4;
	[tilespmem:s18+$0x70] =	vst v0  }
0x15a: {  	v0 =	vld [tilespmem:s20+$0x40];
	v7 =	vmul.f32 $8.000000000e+00, v7;
	[tilespmem:s18+$0xB0] =	vst v2  }
0x15b: {  	v2 =	vmul.f32 $8.000000000e+00, v6;
	v6 =	vld [tilespmem:s20+$0x80];
	[tilespmem:s18+$0xFFFFFF30] =	vst v4;
	s18 =	sadd.s32 $0x200, s18  }
0x15c: {  	v4 =	vld [tilespmem:s20+$0xFFFFFF00];
	v5 =	vmul.f32 $8.000000000e+00, v5;
	[tilespmem:s18+$0xC0] =	vst v7  }
0x15d: {  	[tilespmem:s18+$0xFFFFFF40] =	vst v2;
	v1 =	vmul.f32 $8.000000000e+00, v1;
	v2 =	vld [tilespmem:s20+$0xD0]  }
0x15e: {  	v7 =	vld [tilespmem:s20+$0xFFFFFF50];
	[tilespmem:s18+$0xFFFFFF80] =	vst v5;
	v3 =	vmul.f32 $8.000000000e+00, v3  }
0x15f: {  	v5 =	vld [tilespmem:s20+$0xFFFFFF90];
	[tilespmem:s18+$0xFFFFFFC0] =	vst v1;
	v0 =	vmul.f32 $8.000000000e+00, v0  }
0x160: {  	v1 =	vld [tilespmem:s20+$0xFFFFFFD0];
	[tilespmem:s18+$0x0] =	vst v3;
	v3 =	vmul.f32 $8.000000000e+00, v6  }
0x161: {  	v4 =	vmul.f32 $8.000000000e+00, v4;
	v6 =	vld [tilespmem:s20+$0x10];
	[tilespmem:s18+$0x40] =	vst v0  }
0x162: {  	v0 =	vld [tilespmem:s20+$0x50];
	[tilespmem:s18+$0x80] =	vst v3;
	v2 =	vmul.f32 $8.000000000e+00, v2  }
0x163: {  	[tilespmem:s18+$0xFFFFFF00] =	vst v4;
	v3 =	vmul.f32 $8.000000000e+00, v7;
	v4 =	vld [tilespmem:s20+$0x90]  }
0x164: {  	v7 =	vld [tilespmem:s20+$0xFFFFFF10];
	v5 =	vmul.f32 $8.000000000e+00, v5;
	[tilespmem:s18+$0xD0] =	vst v2  }
0x165: {  	[tilespmem:s18+$0xFFFFFF50] =	vst v3;
	v1 =	vmul.f32 $8.000000000e+00, v1;
	v2 =	vld [tilespmem:s20+$0xE0]  }
0x166: {  	v3 =	vld [tilespmem:s20+$0xFFFFFF60];
	[tilespmem:s18+$0xFFFFFF90] =	vst v5;
	v5 =	vmul.f32 $8.000000000e+00, v6  }
0x167: {  	v6 =	vld [tilespmem:s20+$0xFFFFFFA0];
	[tilespmem:s18+$0xFFFFFFD0] =	vst v1;
	v0 =	vmul.f32 $8.000000000e+00, v0  }
0x168: {  	v1 =	vld [tilespmem:s20+$0xFFFFFFE0];
	[tilespmem:s18+$0x10] =	vst v5;
	v4 =	vmul.f32 $8.000000000e+00, v4  }
0x169: {  	v5 =	vmul.f32 $8.000000000e+00, v7;
	v7 =	vld [tilespmem:s20+$0x20];
	[tilespmem:s18+$0x50] =	vst v0  }
0x16a: {  	v0 =	vld [tilespmem:s20+$0x60];
	[tilespmem:s18+$0x90] =	vst v4;
	v2 =	vmul.f32 $8.000000000e+00, v2  }
0x16b: {  	[tilespmem:s18+$0xFFFFFF10] =	vst v5;
	v3 =	vmul.f32 $8.000000000e+00, v3;
	v4 =	vld [tilespmem:s20+$0xA0]  }
0x16c: {  	v5 =	vld [tilespmem:s20+$0xFFFFFF20];
	v6 =	vmul.f32 $8.000000000e+00, v6;
	[tilespmem:s18+$0xE0] =	vst v2  }
0x16d: {  	[tilespmem:s18+$0xFFFFFF60] =	vst v3;
	v1 =	vmul.f32 $8.000000000e+00, v1;
	v3 =	vld [tilespmem:s20+$0xF0]  }
0x16e: {  	v8 =	vld [tilespmem:s20+$0xFFFFFF70];
	[tilespmem:s18+$0xFFFFFFA0] =	vst v6;
	v2 =	vmul.f32 $8.000000000e+00, v7  }
0x16f: {  	v7 =	vld [tilespmem:s20+$0xFFFFFFB0];
	[tilespmem:s18+$0xFFFFFFE0] =	vst v1;
	v1 =	vmul.f32 $8.000000000e+00, v0  }
.Ltmp5:
0x170: {  	v0 =	vld [tilespmem:s20+$0xFFFFFFF0];
	[tilespmem:s18+$0x20] =	vst v2;
	v4 =	vmul.f32 $8.000000000e+00, v4;
	(pc) =	sbr.rel @p0 .LBB2_9-.Ltmp5, $4  }
0x171: {  	v5 =	vmul.f32 $8.000000000e+00, v5;
	v2 =	vld [tilespmem:s20+$0x30];
	[tilespmem:s18+$0x60] =	vst v1  }
0x172: {  	v1 =	vld [tilespmem:s20+$0x70];
	[tilespmem:s18+$0xA0] =	vst v4;
	v9 =	vmul.f32 $8.000000000e+00, v3  }
0x173: {  	[tilespmem:s18+$0xFFFFFF20] =	vst v5;
	v6 =	vmul.f32 $8.000000000e+00, v8;
	v3 =	vld [tilespmem:s20+$0xB0]  }
0x174: {  	v4 =	vld [tilespmem:s20+$0xFFFFFF30];
	v5 =	vmul.f32 $8.000000000e+00, v7;
	[tilespmem:s18+$0xF0] =	vst v9;
	s20 =	sadd.s32 $0x200, s20  }
0x175: {  	[tilespmem:s18+$0xFFFFFF70] =	vst v6;
	v0 =	vmul.f32 $8.000000000e+00, v0  }
0x176: {  	[tilespmem:s18+$0xFFFFFFB0] =	vst v5;
	v2 =	vmul.f32 $8.000000000e+00, v2  }
0x177: {  	[tilespmem:s18+$0xFFFFFFF0] =	vst v0;
	v61 =	vmul.f32 $8.000000000e+00, v1  }
.Ltmp6:
0x178: {  	s17 =	sadd.s32 s3, s17;
	[tilespmem:s18+$0x30] =	vst v2;
	v62 =	vmul.f32 $8.000000000e+00, v3;
	(pc) =	sbr.rel @p1 .LBB2_12-.Ltmp6, $4  }
0x179: {  	s17 =	smul.u32 $0x640, s17;
	v63 =	vmul.f32 $8.000000000e+00, v4;
	[tilespmem:s18+$0x70] =	vst v61  }
0x17a: {  	[tilespmem:s18+$0xB0] =	vst v62  }
0x17b: {  	s17 =	sadd.s32 s5, s17;
	[tilespmem:s18+$0xFFFFFF30] =	vst v63  }
0x17c: {  	[hbm4b:s17+s2] =	stream.linear.scatter [tilespmem:s0], [sflag:$0x8], $0x3200, $0x38;
	[tilespmem:$0x1C200] =	vst v63  }
0x17d: {  	s17 =	smul.u32 $0xC80, s16;
	_ =	sdelay $0x1  }
.Ltmp7:
0x17e: {  	s17 =	sshra.s32 s17, $0x2;
	(pc) =	sbr.rel .LBB2_2-.Ltmp7, $4  }
0x17f: {  	s18 =	sadd.s32 $0x578, s17  }
0x180: {  	[tilespmem:s22], [sflag:$0x4] =	stream.indirect.gather [hbm4b:s4+s9], $0x40, s18, s9, $0xb8;
	[tilespmem:$0x1C200] =	vst v63  }
0x181: {  	s16 =	sadd.s32 $0x1, s16;
	s17 =	sadd.s32 $0x5F8, s17  }
0x182: {  	[tilespmem:s24], [sflag:$0x4] =	stream.indirect.gather [hbm4b:s4+s11], $0x40, s17, s11, $0xb8;
	[tilespmem:$0x1C200] =	vst v63  }
.LBB2_13:
0x183: {  	_ =	sfence.sel $0x180000  }
0x184: {  	[bflag:$0x0] =	sbarrier.arrive $0xFFFF  }
0x185: {  	_ =	strace $0x9000004A  }
0x186: {  	s0 =	stileid.u32;
	[bflag:$0x2] =	sbarrier.arrive $0xFFFF  }
0x187: {  	p0 =	sne.s32 s0, $0x0;
	s0 =	rddreg [dreg:$0x1]  }
0x188: {  	s0 =	sadd.s32 @!p0 $0x100000, s0  }
0x189: {  	[sflag:s0] =	ssyncadd.tile.s32 @!p0 $0x1;
	_ =	shalt  }
.Lfunc_end2:
_tile_overlayer_lowered:
.L_overlay_start_2:
0x18a: {  	(tag) =	ssettag $0x2  }
0x18b: {  	s0 =	rddreg [dreg:$0x0];
	s2 =	stileid.u32  }
0x18c: {  	s1 =	rddreg [dreg:$0x1];
	p0 =	sne.s32 s2, $0x0  }
0x18d: {  	s3 =	rddreg [dreg:$0x2];
	[bflag:$0x3] =	sbarrier.arrive $0xFFFF;
	s2 =	simm.s32 @!p0 $0x1C09  }
0x18e: {  	[timem:s3], [sflag:s2] =	dma.local @!p0 [hbm:s0], s1  }
0x18f: {  	s0 =	simm.s32 @!p0 $0x9  }
0x190: {  	_ =	swait.ge @!p0 [sflag:s0], s1  }
0x191: {  	s1 =	ssub.s32 @!p0 $0x0, s1;
	[sflag:s0] =	ssyncset.done @!p0 $0x0  }
0x192: {  	[sflag:s0] =	ssyncadd.s32 @!p0 s1  }
0x193: {  	[bflag:$0x3] =	sbarrier.arrive $0xFFFF  }
0x194: {  	_ =	shalt  }

// kernel: kernel.7.cloned.1.call-start
scs
__scs_entry_jumppad:
0x0: {  	(pc) =	sbr.rel $0x88, $3  }
0x1: {  	(tag) =	ssettag $0x0;
	lr =	simm.s32 $0x1  }
0x2: {  	[smem:$0x3F9F] =	sst lr;
	_ =	strace $0xD0000000  }
0x3: {  	_ = 	snop  }
0x4: {  	_ = 	snop  }
0x5: {  	_ = 	snop  }
0x6: {  	_ = 	snop  }
0x7: {  	_ = 	snop  }
__scs_overlays_trampoline_lowered:
0x8: {  	[smem:$0x3FAE] =	sst s0  }
0x9: {  	[smem:$0x3FAF] =	sst s1  }
0xa: {  	[smem:$0x3FB0] =	sst s2  }
0xb: {  	[smem:$0x3FB1] =	sst s3  }
0xc: {  	[smem:$0x3FB2] =	sst s4  }
0xd: {  	[smem:$0x3FB3] =	sst s5  }
0xe: {  	[smem:$0x3FB4] =	sst s6  }
0xf: {  	[smem:$0x3FB5] =	sst s7  }
0x10: {  	[smem:$0x3FB6] =	sst s8  }
0x11: {  	[smem:$0x3FB7] =	sst s9;
	s0 =	simm.s32 @!p0 $0x0  }
0x12: {  	s1 =	sld [smem:$0x3F9D];
	s0 =	simm.s32 @p0 $0x1  }
0x13: {  	[smem:$0x3FB8] =	sst s0;
	s0 =	simm.s32 @!p1 $0x0  }
0x14: {  	s2 =	sld [smem:$0x3F9C];
	s0 =	simm.s32 @p1 $0x1  }
0x15: {  	[smem:$0x3FB9] =	sst s0;
	s0 =	simm.s32 @!p2 $0x0  }
0x16: {  	s3 =	sld [smem:$0x3FDB];
	s0 =	simm.s32 @p2 $0x1  }
0x17: {  	s4 =	simm.s32 $0x1BF5;
	[smem:$0x3FBB] =	sst s0  }
0x18: {  	s0 =	sld [smem:$0x3F9E];
	_ =	swait.ge [sflag:s4], $0x0  }
0x19: {  	s7 =	sld [smem:$0x3F9F]  }
0x1a: {  	s8 =	sadd.s32 $0xFFFFE003, lr  }
0x1b: {  	s9 =	sadd.s32 $0xFFFFFEF7, lr;
	s5 =	simm.s32 $0xFFFFFFFF;
	p2 =	slt.u32 s8, $0xFFFFF086  }
0x1c: {  	p1 =	slt.u32 s9, $0xF7A;
	s5 =	simm.s32 @!p2 $0x0  }
0x1d: {  	s5 =	simm.s32 @p1 $0x1;
	p0 =	seq.s32 s7, s2  }
0x1e: {  	s7 =	smul.u32 @!p0 $0xF7A, s2;
	p2 =	seq.s32 @!p0 s5, $0x0  }
0x1f: {  	s9 =	smul.u32 $0xF7A, s1;
	s8 =	simm.s32 @!p0 $0x1BF5;
	p2 =	por !p2, p0  }
0x20: {  	[sflag:s8] =	ssyncset.s32 @!p0 $0xFFFFF086;
	s6 =	sadd.s32 @!p0 s3, s7;
	s7 =	simm.s32 @!p0 $0x108  }
0x21: {  	s3 =	sadd.s32 s3, s9;
	s6 =	sadd.s32 @!p0 $0x88, s6;
	s7 =	simm.s32 @p2 $0x1082  }
0x22: {  	[simem:s7], [sflag:s8] =	dma.local @!p0 [hbm:s6], $0xF7A  }
0x23: {  	s9 =	sor.u32 $0xD0000000, s2;
	s6 =	simm.s32 $0x108;
	_ =	swait.ge @!p0 [sflag:s8], $0x0  }
0x24: {  	s3 =	sadd.s32 $0x88, s3;
	s6 =	simm.s32 @!p1 $0x1082;
	[sflag:s4] =	ssyncset.s32 $0xFFFFF086  }
0x25: {  	[simem:s6], [sflag:s4] =	dma.local [hbm:s3], $0xF7A  }
0x26: {  	[smem:$0x3F9F] =	sst s1;
	(tag) =	ssettag s2;
	_ =	strace s9  }
0x27: {  	s1 =	sld [smem:$0x3FAF]  }
0x28: {  	s2 =	sld [smem:$0x3FB0]  }
0x29: {  	s4 =	sld [smem:$0x3FB2]  }
0x2a: {  	p0 =	seq.s32 s5, $0x0;
	s5 =	sld [smem:$0x3FB3]  }
0x2b: {  	s6 =	sld [smem:$0x3FB4]  }
0x2c: {  	s7 =	sld [smem:$0x3FB5]  }
0x2d: {  	s3 =	simm.s32 $0x108;
	s8 =	sld [smem:$0x3FB6]  }
0x2e: {  	s3 =	simm.s32 @!p0 $0x1082;
	s9 =	sld [smem:$0x3FB7]  }
0x2f: {  	lr =	sadd.s32 s0, s3;
	s0 =	sld [smem:$0x3FAE]  }
0x30: {  	s3 =	sld [smem:$0x3FB1]  }
0x31: {  	[smem:$0x3FBA] =	sst s10  }
0x32: {  	s10 =	sld [smem:$0x3FB8];
	_ =	sdelay $0x3  }
0x33: {  	p0 =	seq.s32 s10, $0x1;
	s10 =	sld [smem:$0x3FBA];
	_ =	sdelay $0x3  }
0x34: {  	[smem:$0x3FBA] =	sst s10  }
0x35: {  	s10 =	sld [smem:$0x3FB9];
	_ =	sdelay $0x3  }
0x36: {  	p1 =	seq.s32 s10, $0x1;
	s10 =	sld [smem:$0x3FBA];
	_ =	sdelay $0x3  }
0x37: {  	[smem:$0x3FBA] =	sst s10  }
0x38: {  	s10 =	sld [smem:$0x3FBB]  }
0x39: {  	_ = 	snop;
	(pc) =	sbr.ind lr, $3  }
0x3a: {  	_ = 	snop  }
0x3b: {  	_ = 	snop  }
0x3c: {  	p2 =	seq.s32 s10, $0x1;
	s10 =	sld [smem:$0x3FBA]  }
0x3d: {  	_ =	shalt  }
0x3e: {  	_ =	shalt  }
0x3f: {  	_ =	shalt  }
0x40: {  	_ =	shalt  }
0x41: {  	_ =	shalt  }
0x42: {  	_ =	shalt  }
0x43: {  	_ =	shalt  }
0x44: {  	_ =	shalt  }
0x45: {  	_ =	shalt  }
0x46: {  	_ =	shalt  }
0x47: {  	_ =	shalt  }
0x48: {  	_ =	shalt  }
0x49: {  	_ =	shalt  }
0x4a: {  	_ =	shalt  }
0x4b: {  	_ =	shalt  }
0x4c: {  	_ =	shalt  }
0x4d: {  	_ =	shalt  }
0x4e: {  	_ =	shalt  }
0x4f: {  	_ =	shalt  }
0x50: {  	_ =	shalt  }
0x51: {  	_ =	shalt  }
0x52: {  	_ =	shalt  }
0x53: {  	_ =	shalt  }
0x54: {  	_ =	shalt  }
0x55: {  	_ =	shalt  }
0x56: {  	_ =	shalt  }
0x57: {  	_ =	shalt  }
0x58: {  	_ =	shalt  }
0x59: {  	_ =	shalt  }
0x5a: {  	_ =	shalt  }
0x5b: {  	_ =	shalt  }
0x5c: {  	_ =	shalt  }
0x5d: {  	_ =	shalt  }
0x5e: {  	_ =	shalt  }
0x5f: {  	_ =	shalt  }
0x60: {  	_ =	shalt  }
0x61: {  	_ =	shalt  }
0x62: {  	_ =	shalt  }
0x63: {  	_ =	shalt  }
0x64: {  	_ =	shalt  }
0x65: {  	_ =	shalt  }
0x66: {  	_ =	shalt  }
0x67: {  	_ =	shalt  }
0x68: {  	_ =	shalt  }
0x69: {  	_ =	shalt  }
0x6a: {  	_ =	shalt  }
0x6b: {  	_ =	shalt  }
0x6c: {  	_ =	shalt  }
0x6d: {  	_ =	shalt  }
0x6e: {  	_ =	shalt  }
0x6f: {  	_ =	shalt  }
0x70: {  	_ =	shalt  }
0x71: {  	_ =	shalt  }
0x72: {  	_ =	shalt  }
0x73: {  	_ =	shalt  }
0x74: {  	_ =	shalt  }
0x75: {  	_ =	shalt  }
0x76: {  	_ =	shalt  }
0x77: {  	_ =	shalt  }
0x78: {  	_ =	shalt  }
0x79: {  	_ =	shalt  }
0x7a: {  	_ =	shalt  }
0x7b: {  	_ =	shalt  }
0x7c: {  	_ =	shalt  }
0x7d: {  	_ =	shalt  }
0x7e: {  	_ =	shalt  }
0x7f: {  	_ =	shalt  }
0x80: {  	_ =	shalt  }
0x81: {  	_ =	shalt  }
0x82: {  	_ =	shalt  }
0x83: {  	_ =	shalt  }
0x84: {  	_ =	shalt  }
0x85: {  	_ =	shalt  }
0x86: {  	_ =	shalt  }
0x87: {  	_ =	shalt  }
.Lfunc_end0:
.L_simem_size_0:
called_computation.2_lowered:
.L_overlay_start_0:
0x88: {  	s2 =	sld [smem:$0x3FD9]  }
0x89: {  	s3 =	sld [smem:$0x3FFE];
	_ =	sdelay $0x1  }
0x8a: {  	s1 =	srdreg.scid  }
0x8b: {  	s0 =	sand.u32 $0x1, s1  }
0x8c: {  	s16 =	sshll.u32 s0, $0xA;
	s2 =	sadd.s32 s3, s2  }
0x8d: {  	s2 =	sadd.s32 s2, s16  }
0x8e: {  	[smem:$0x3FC6] =	sst s2  }
0x8f: {  	_ = 	snop  }
0x90: {  	(tm) =	ssettm $0x1  }
0x91: {  	s17 =	sld [smem:$0x3FFB];
	_ =	sdelay $0x3  }
0x92: {  	_ =	strace s17  }
0x93: {  	s2 =	sld [smem:$0x3FFC];
	_ =	sdelay $0x3  }
0x94: {  	_ =	strace s2  }
0x95: {  	s2 =	sld [smem:$0x3FFD];
	_ =	sdelay $0x3  }
0x96: {  	_ =	strace s2  }
0x97: {  	_ =	strace $0x8FFFFFFF  }
0x98: {  	s18 =	sld [smem:$0x3FDB];
	_ =	sdelay $0x1  }
0x99: {  	s19 =	simm.s32 $_scs_section_size  }
0x9a: {  	s4 =	simm.s32 $_size__tile_overlayer_lowered;
	s5 =	simm.s32 $_tile_overlayer_lowered  }
0x9b: {  	s22 =	simm.s32 $0x1BFF;
	s21 =	sshll.u32 s5, $0x1;
	s2 =	sadd.s32 s19, s18  }
0x9c: {  	s6 =	simm.s32 $0x0;
	s20 =	sshll.u32 s4, $0x1;
	s4 =	sadd.s32 s21, s2  }
0x9d: {  	[timem:s6], [sflag:s22] =	dma.local [hbm:s4], s20  }
0x9e: {  	_ =	swait.ge [sflag:s22], s20  }
0x9f: {  	s3 =	ssub.s32 $0x0, s20;
	[sflag:s22] =	ssyncset.done $0x0  }
0xa0: {  	[sflag:s22] =	ssyncadd.s32 s3;
	_ =	sdelay $0x1  }
0xa1: {  	s23 =	simm.s32 $0x1B8B  }
0xa2: {  	_ =	swait.ge [sflag:s23], $0x1  }
0xa3: {  	[sflag:s23] =	ssyncset.done $0x0  }
0xa4: {  	s25 =	simm.s32 $0x1B8E;
	s24 =	sld [smem:$0x3FFE];
	[sflag:s23] =	ssyncadd.s32 $0xFFFFFFFF  }
0xa5: {  	s26 =	simm.s32 $execute0_lowered;
	[smem:$0x3FD2] =	sst s25  }
0xa6: {  	s4 =	sshll.u32 s26, $0x1;
	_ =	strace $0x80000046;
	[dreg:$0x1] =	wrdreg $0xFFFFFFFF  }
0xa7: {  	s28 =	simm.s32 $_size_execute0_lowered;
	s2 =	sadd.s32 s2, s4;
	[dreg:$0x0] =	wrdreg $0x0  }
0xa8: {  	s4 =	sshll.u32 s28, $0x1;
	[dreg:$0x2] =	wrdreg s2  }
0xa9: {  	[dreg:$0x3] =	wrdreg s4  }
0xaa: {  	[dreg:$0x4] =	wrdreg $0xC0  }
0xab: {  	_ =	task [dreg:s6], $0x5FFFF  }
0xac: {  	[dreg:$0x1] =	wrdreg $0xFFFFFFFF  }
0xad: {  	[dreg:$0x0] =	wrdreg $0x60  }
0xae: {  	[dreg:$0x2] =	wrdreg s24  }
0xaf: {  	[dreg:$0x3] =	wrdreg $0xA  }
0xb0: {  	_ =	task.clear_ibuf [dreg:s6], $0x4FFFF;
	_ =	strace $0x90000046  }
0xb1: {  	s29 =	simm.s32 $0xA;
	_ =	strace $0x80000048  }
0xb2: {  	_ =	swait.ge [sflag:s29], $0x1  }
0xb3: {  	[sflag:s29] =	ssyncadd.s32 $0xFFFFFFFF  }
0xb4: {  	_ =	strace $0x90000048  }
0xb5: {  	_ =	sfence  }
0xb6: {  	s30 =	sld [smem:$0x0];
	_ =	sdelay $0x2  }
0xb7: {  	s31 =	sshll.u32 s1, $0xD;
	s1 =	sshrl.u32 s1, $0x2  }
0xb8: {  	s3 =	sand.u32 $0x4000, s31;
	s1 =	sadd.s32 s1, s30  }
0xb9: {  	s0 =	sor.u32 s3, s0;
	s1 =	sshll.u32 s1, $0x11  }
0xba: {  	s0 =	sor.u32 s1, s0  }
0xbb: {  	s0 =	sadd.s32 $0x8F2B, s0  }
0xbc: {  	[sflag:s0] =	ssyncadd.remote.s32 $0x1  }
0xbd: {  	_ =	sfence.sel $0xFFFF  }
0xbe: {  	[dreg:$0x0] =	wrdreg $0xFFFFFFFF;
	(pc) =	sbr.abs _section_cstart, $3  }
0xbf: {  	[dreg:$0x1] =	wrdreg $0xFFFFFFFF  }
0xc0: {  	_ =	task.clear_ibuf [dreg:s6], $0x2FFFF;
	_ =	strace $0x9FFFFFFF  }
0xc1: {  	(tm) =	ssettm $0x7FFFFFFF  }
tec
execute0_lowered:
.L_overlay_start_1:
0x0: {  	(tag) =	ssettag $0x1  }
0x1: {  	s0 =	srdreg.scid;
	s2 =	stileid.u32  }
0x2: {  	s1 =	rddreg [dreg:$0x0];
	s8 =	simm.s32 $0x9;
	s9 =	simm.s32 $0x80  }
0x3: {  	s11 =	simm.s32 $0x48;
	s22 =	simm.s32 $0xC800;
	s24 =	simm.s32 $0xE800  }
0x4: {  	s25 =	simm.s32 $0x1;
	s26 =	simm.s32 $0xFA00;
	s28 =	simm.s32 $0x2  }
0x5: {  	s29 =	simm.s32 $0x12C00;
	s30 =	simm.s32 $0x3;
	s31 =	simm.s32 $0x15E00  }
0x6: {  	s10 =	simm.s32 $0x5;
	s12 =	simm.s32 $0x6;
	s13 =	simm.s32 $0x7  }
0x7: {  	s14 =	simm.s32 $0x8;
	s15 =	simm.s32 $0x0;
	s0 =	sand.u32 $0x1, s0  }
0x8: {  	s3 =	sshll.u32 s2, $0x7;
	s2 =	simm.s32 $0x0;
	s4 =	sshll.u32 s0, $0x6  }
.Ltmp0:
0x9: {  	s0 =	ssub.s32 $0x2, s0;
	s3 =	sor.u32 s4, s3;
	(pc) =	sbr.rel .LBB2_1-.Ltmp0, $4  }
0xa: {  	[smem:$0x7FF] =	sst s2;
	s5 =	sshrl.u32 s0, $0x1;
	s4 =	smul.u32 $0x19, s3  }
0xb: {  	_ =	strace $0x80000047;
	s0 =	ssub.s32 s0, s5;
	s5 =	sadd.s32 $0xD800, s1  }
0xc: {  	s7 =	smax.u32 s0, $0x1;
	s0 =	simm.s32 $0x19000;
	s6 =	sadd.s32 s4, s1  }
0xd: {  	s4 =	sadd.s32 $0xF4FC00, s1;
	s1 =	simm.s32 $0x4;
	s6 =	sadd.s32 $0x1000, s6  }
.LBB2_12:
0xe: {  	_ =	swait.ge [sflag:s10], $0x3200  }
0xf: {  	[sflag:s10] =	ssyncset.done $0x0  }
0x10: {  	[sflag:s10] =	ssyncadd.s32 $0xFFFFCE00  }
0x11: {  	_ =	swait.ge [sflag:s12], $0x3200  }
0x12: {  	[sflag:s12] =	ssyncset.done $0x0  }
0x13: {  	s15 =	sadd.s32 $0x1, s15;
	[sflag:s12] =	ssyncadd.s32 $0xFFFFCE00  }
0x14: {  	p0 =	sne.s32 s15, s7;
	_ =	swait.ge [sflag:s13], $0x3200  }
.Ltmp1:
0x15: {  	[sflag:s13] =	ssyncset.done $0x0;
	(pc) =	sbr.rel @!p0 .LBB2_13-.Ltmp1, $4  }
0x16: {  	[sflag:s13] =	ssyncadd.s32 $0xFFFFCE00  }
0x17: {  	_ =	swait.ge [sflag:s14], $0x3200  }
0x18: {  	[sflag:s14] =	ssyncset.done $0x0  }
0x19: {  	[sflag:s14] =	ssyncadd.s32 $0xFFFFCE00  }
.LBB2_1:
0x1a: {  	[tilespmem:s2], [sflag:$0x9] =	stream.linear.gather [hbm4b:s6+s2], $0x3200, $0x38;
	[tilespmem:$0x1C200] =	vst v63  }
0x1b: {  	_ =	swait.ge [sflag:s8], $0x3200  }
0x1c: {  	[sflag:s8] =	ssyncset.done $0x0  }
0x1d: {  	s16 =	simm.s32 $0x3200;
	[sflag:s8] =	ssyncadd.s32 $0xFFFFCE00  }
0x1e: {  	[tilespmem:s16], [sflag:$0x1] =	stream.indirect.gather [hbm4b:s4+s9], $0x40, s2, s9, $0xb8;
	[tilespmem:$0x1C200] =	vst v63  }
0x1f: {  	s19 =	simm.s32 $0x5200  }
0x20: {  	[tilespmem:s19], [sflag:$0x1] =	stream.indirect.gather [hbm4b:s4+s11], $0x40, s9, s11, $0xb8;
	[tilespmem:$0x1C200] =	vst v63  }
0x21: {  	s20 =	simm.s32 $0xC8;
	s17 =	simm.s32 $0x6400  }
0x22: {  	[tilespmem:s17], [sflag:$0x2] =	stream.indirect.gather [hbm4b:s4+s9], $0x40, s20, s9, $0xb8;
	[tilespmem:$0x1C200] =	vst v63  }
0x23: {  	s21 =	simm.s32 $0x148;
	s23 =	simm.s32 $0x8400  }
0x24: {  	[tilespmem:s23], [sflag:$0x2] =	stream.indirect.gather [hbm4b:s4+s11], $0x40, s21, s11, $0xb8;
	[tilespmem:$0x1C200] =	vst v63  }
0x25: {  	s18 =	simm.s32 $0x9600;
	s17 =	simm.s32 $0x190  }
0x26: {  	[tilespmem:s18], [sflag:$0x3] =	stream.indirect.gather [hbm4b:s4+s9], $0x40, s17, s9, $0xb8;
	[tilespmem:$0x1C200] =	vst v63  }
0x27: {  	s19 =	simm.s32 $0x210;
	s20 =	simm.s32 $0xB600  }
0x28: {  	[tilespmem:s20], [sflag:$0x3] =	stream.indirect.gather [hbm4b:s4+s11], $0x40, s19, s11, $0xb8;
	[tilespmem:$0x1C200] =	vst v63  }
0x29: {  	s21 =	simm.s32 $0x258  }
0x2a: {  	[tilespmem:s22], [sflag:$0x4] =	stream.indirect.gather [hbm4b:s4+s9], $0x40, s21, s9, $0xb8;
	[tilespmem:$0x1C200] =	vst v63  }
0x2b: {  	s16 =	simm.s32 $0x0;
	s23 =	simm.s32 $0x2D8  }
0x2c: {  	[tilespmem:s24], [sflag:$0x4] =	stream.indirect.gather [hbm4b:s4+s11], $0x40, s23, s11, $0xb8;
	[tilespmem:$0x1C200] =	vst v63  }
.LBB2_2:
0x2d: {  	_ =	swait.ge [sflag:s25], $0x2000  }
0x2e: {  	[sflag:s25] =	ssyncset.done $0x0  }
0x2f: {  	[sflag:s25] =	ssyncadd.s32 $0xFFFFE000  }
0x30: {  	_ =	swait.ge [sflag:s25], $0x1200  }
0x31: {  	p0 =	seq.s32 s16, $0x0;
	[sflag:s25] =	ssyncset.done $0x0  }
0x32: {  	s17 =	simm.s32 @!p0 $0x5;
	[sflag:s25] =	ssyncadd.s32 $0xFFFFEE00  }
0x33: {  	_ =	swait.ge @!p0 [sflag:s17], $0x3200  }
0x34: {  	[sflag:s17] =	ssyncset.done @!p0 $0x0  }
0x35: {  	s20 =	simm.s32 $0x3300;
	[sflag:s17] =	ssyncadd.s32 @!p0 $0xFFFFCE00  }
0x36: {  	v0 =	vld [tilespmem:s20+$0xC0]  }
0x37: {  	v1 =	vld [tilespmem:s20+$0xFFFFFF40]  }
0x38: {  	v2 =	vld [tilespmem:s20+$0xFFFFFF80]  }
0x39: {  	v3 =	vld [tilespmem:s20+$0xFFFFFFC0]  }
0x3a: {  	v4 =	vld [tilespmem:s20+$0x0]  }
0x3b: {  	v5 =	vld [tilespmem:s20+$0x40];
	v0 =	vmul.f32 $8.000000000e+00, v0  }
0x3c: {  	s18 =	simm.s32 $0xFB00;
	v6 =	vld [tilespmem:s20+$0x80];
	v1 =	vmul.f32 $8.000000000e+00, v1  }
0x3d: {  	v7 =	vld [tilespmem:s20+$0xFFFFFF00];
	v2 =	vmul.f32 $8.000000000e+00, v2;
	[tilespmem:s18+$0xC0] =	vst v0  }
0x3e: {  	[tilespmem:s18+$0xFFFFFF40] =	vst v1;
	v0 =	vmul.f32 $8.000000000e+00, v3;
	v1 =	vld [tilespmem:s20+$0xD0]  }
0x3f: {  	[tilespmem:s18+$0xFFFFFF80] =	vst v2;
	v2 =	vmul.f32 $8.000000000e+00, v4;
	v3 =	vld [tilespmem:s20+$0xFFFFFF50]  }
0x40: {  	v4 =	vld [tilespmem:s20+$0xFFFFFF90];
	[tilespmem:s18+$0xFFFFFFC0] =	vst v0;
	v0 =	vmul.f32 $8.000000000e+00, v5  }
0x41: {  	[tilespmem:s18+$0x0] =	vst v2;
	v2 =	vmul.f32 $8.000000000e+00, v6;
	v5 =	vld [tilespmem:s20+$0xFFFFFFD0]  }
0x42: {  	v6 =	vmul.f32 $8.000000000e+00, v7;
	v7 =	vld [tilespmem:s20+$0x10];
	[tilespmem:s18+$0x40] =	vst v0  }
0x43: {  	[tilespmem:s18+$0x80] =	vst v2;
	v0 =	vld [tilespmem:s20+$0x50];
	v1 =	vmul.f32 $8.000000000e+00, v1  }
0x44: {  	[tilespmem:s18+$0xFFFFFF00] =	vst v6;
	v2 =	vmul.f32 $8.000000000e+00, v3;
	v3 =	vld [tilespmem:s20+$0x90]  }
0x45: {  	v6 =	vld [tilespmem:s20+$0xFFFFFF10];
	v4 =	vmul.f32 $8.000000000e+00, v4;
	[tilespmem:s18+$0xD0] =	vst v1  }
0x46: {  	[tilespmem:s18+$0xFFFFFF50] =	vst v2;
	v1 =	vmul.f32 $8.000000000e+00, v5;
	v2 =	vld [tilespmem:s20+$0xE0]  }
0x47: {  	[tilespmem:s18+$0xFFFFFF90] =	vst v4;
	v4 =	vmul.f32 $8.000000000e+00, v7;
	v5 =	vld [tilespmem:s20+$0xFFFFFF60]  }
0x48: {  	v7 =	vld [tilespmem:s20+$0xFFFFFFA0];
	[tilespmem:s18+$0xFFFFFFD0] =	vst v1;
	v0 =	vmul.f32 $8.000000000e+00, v0  }
0x49: {  	[tilespmem:s18+$0x10] =	vst v4;
	v1 =	vld [tilespmem:s20+$0xFFFFFFE0];
	v3 =	vmul.f32 $8.000000000e+00, v3  }
0x4a: {  	v4 =	vmul.f32 $8.000000000e+00, v6;
	v6 =	vld [tilespmem:s20+$0x20];
	[tilespmem:s18+$0x50] =	vst v0  }
0x4b: {  	v0 =	vld [tilespmem:s20+$0x60];
	[tilespmem:s18+$0x90] =	vst v3;
	v2 =	vmul.f32 $8.000000000e+00, v2  }
0x4c: {  	[tilespmem:s18+$0xFFFFFF10] =	vst v4;
	v3 =	vmul.f32 $8.000000000e+00, v5;
	v4 =	vld [tilespmem:s20+$0xA0]  }
0x4d: {  	v5 =	vld [tilespmem:s20+$0xFFFFFF20];
	v7 =	vmul.f32 $8.000000000e+00, v7;
	[tilespmem:s18+$0xE0] =	vst v2  }
0x4e: {  	[tilespmem:s18+$0xFFFFFF60] =	vst v3;
	v1 =	vmul.f32 $8.000000000e+00, v1;
	v3 =	vld [tilespmem:s20+$0xF0]  }
0x4f: {  	[tilespmem:s18+$0xFFFFFFA0] =	vst v7;
	v2 =	vmul.f32 $8.000000000e+00, v6;
	v8 =	vld [tilespmem:s20+$0xFFFFFF70]  }
0x50: {  	v7 =	vld [tilespmem:s20+$0xFFFFFFB0];
	[tilespmem:s18+$0xFFFFFFE0] =	vst v1;
	v1 =	vmul.f32 $8.000000000e+00, v0  }
0x51: {  	[tilespmem:s18+$0x20] =	vst v2;
	v0 =	vld [tilespmem:s20+$0xFFFFFFF0];
	v4 =	vmul.f32 $8.000000000e+00, v4  }
0x52: {  	v5 =	vmul.f32 $8.000000000e+00, v5;
	v2 =	vld [tilespmem:s20+$0x30];
	[tilespmem:s18+$0x60] =	vst v1  }
0x53: {  	v1 =	vld [tilespmem:s20+$0x70];
	[tilespmem:s18+$0xA0] =	vst v4;
	v9 =	vmul.f32 $8.000000000e+00, v3  }
0x54: {  	[tilespmem:s18+$0xFFFFFF20] =	vst v5;
	v3 =	vld [tilespmem:s20+$0xB0];
	v6 =	vmul.f32 $8.000000000e+00, v8  }
0x55: {  	s19 =	simm.s32 $0x0;
	s17 =	sshll.u32 s16, $0x2;
	v4 =	vld [tilespmem:s20+$0xFFFFFF30];
	v5 =	vmul.f32 $8.000000000e+00, v7;
	s20 =	simm.s32 $0x3500;
	[tilespmem:s18+$0xF0] =	vst v9  }
.LBB2_3:
0x56: {  	v7 =	vld [tilespmem:s20+$0xC0];
	s19 =	sadd.s32 $0x8, s19;
	[tilespmem:s18+$0xFFFFFF70] =	vst v6;
	v0 =	vmul.f32 $8.000000000e+00, v0  }
0x57: {  	v6 =	vld [tilespmem:s20+$0xFFFFFF40];
	p1 =	slt.u32 s19, $0xC0;
	[tilespmem:s18+$0xFFFFFFB0] =	vst v5;
	v2 =	vmul.f32 $8.000000000e+00, v2  }
0x58: {  	v5 =	vld [tilespmem:s20+$0xFFFFFF80];
	[tilespmem:s18+$0xFFFFFFF0] =	vst v0;
	v0 =	vmul.f32 $8.000000000e+00, v1  }
0x59: {  	v1 =	vld [tilespmem:s20+$0xFFFFFFC0];
	[tilespmem:s18+$0x30] =	vst v2;
	v2 =	vmul.f32 $8.000000000e+00, v3  }
0x5a: {  	v3 =	vld [tilespmem:s20+$0x0];
	v4 =	vmul.f32 $8.000000000e+00, v4;
	[tilespmem:s18+$0x70] =	vst v0  }
0x5b: {  	v0 =	vld [tilespmem:s20+$0x40];
	v7 =	vmul.f32 $8.000000000e+00, v7;
	[tilespmem:s18+$0xB0] =	vst v2  }
0x5c: {  	v2 =	vmul.f32 $8.000000000e+00, v6;
	v6 =	vld [tilespmem:s20+$0x80];
	[tilespmem:s18+$0xFFFFFF30] =	vst v4;
	s18 =	sadd.s32 $0x200, s18  }
0x5d: {  	v4 =	vld [tilespmem:s20+$0xFFFFFF00];
	v5 =	vmul.f32 $8.000000000e+00, v5;
	[tilespmem:s18+$0xC0] =	vst v7  }
0x5e: {  	[tilespmem:s18+$0xFFFFFF40] =	vst v2;
	v1 =	vmul.f32 $8.000000000e+00, v1;
	v2 =	vld [tilespmem:s20+$0xD0]  }
0x5f: {  	v7 =	vld [tilespmem:s20+$0xFFFFFF50];
	[tilespmem:s18+$0xFFFFFF80] =	vst v5;
	v3 =	vmul.f32 $8.000000000e+00, v3  }
0x60: {  	v5 =	vld [tilespmem:s20+$0xFFFFFF90];
	[tilespmem:s18+$0xFFFFFFC0] =	vst v1;
	v0 =	vmul.f32 $8.000000000e+00, v0  }
0x61: {  	v1 =	vld [tilespmem:s20+$0xFFFFFFD0];
	[tilespmem:s18+$0x0] =	vst v3;
	v3 =	vmul.f32 $8.000000000e+00, v6  }
0x62: {  	v4 =	vmul.f32 $8.000000000e+00, v4;
	v6 =	vld [tilespmem:s20+$0x10];
	[tilespmem:s18+$0x40] =	vst v0  }
0x63: {  	v0 =	vld [tilespmem:s20+$0x50];
	[tilespmem:s18+$0x80] =	vst v3;
	v2 =	vmul.f32 $8.000000000e+00, v2  }
0x64: {  	[tilespmem:s18+$0xFFFFFF00] =	vst v4;
	v3 =	vmul.f32 $8.000000000e+00, v7;
	v4 =	vld [tilespmem:s20+$0x90]  }
0x65: {  	v7 =	vld [tilespmem:s20+$0xFFFFFF10];
	v5 =	vmul.f32 $8.000000000e+00, v5;
	[tilespmem:s18+$0xD0] =	vst v2  }
0x66: {  	[tilespmem:s18+$0xFFFFFF50] =	vst v3;
	v1 =	vmul.f32 $8.000000000e+00, v1;
	v2 =	vld [tilespmem:s20+$0xE0]  }
0x67: {  	v3 =	vld [tilespmem:s20+$0xFFFFFF60];
	[tilespmem:s18+$0xFFFFFF90] =	vst v5;
	v5 =	vmul.f32 $8.000000000e+00, v6  }
0x68: {  	v6 =	vld [tilespmem:s20+$0xFFFFFFA0];
	[tilespmem:s18+$0xFFFFFFD0] =	vst v1;
	v0 =	vmul.f32 $8.000000000e+00, v0  }
0x69: {  	v1 =	vld [tilespmem:s20+$0xFFFFFFE0];
	[tilespmem:s18+$0x10] =	vst v5;
	v4 =	vmul.f32 $8.000000000e+00, v4  }
0x6a: {  	v5 =	vmul.f32 $8.000000000e+00, v7;
	v7 =	vld [tilespmem:s20+$0x20];
	[tilespmem:s18+$0x50] =	vst v0  }
0x6b: {  	v0 =	vld [tilespmem:s20+$0x60];
	[tilespmem:s18+$0x90] =	vst v4;
	v2 =	vmul.f32 $8.000000000e+00, v2  }
0x6c: {  	[tilespmem:s18+$0xFFFFFF10] =	vst v5;
	v3 =	vmul.f32 $8.000000000e+00, v3;
	v4 =	vld [tilespmem:s20+$0xA0]  }
0x6d: {  	v5 =	vld [tilespmem:s20+$0xFFFFFF20];
	v6 =	vmul.f32 $8.000000000e+00, v6;
	[tilespmem:s18+$0xE0] =	vst v2  }
0x6e: {  	[tilespmem:s18+$0xFFFFFF60] =	vst v3;
	v1 =	vmul.f32 $8.000000000e+00, v1;
	v3 =	vld [tilespmem:s20+$0xF0]  }
0x6f: {  	v8 =	vld [tilespmem:s20+$0xFFFFFF70];
	[tilespmem:s18+$0xFFFFFFA0] =	vst v6;
	v2 =	vmul.f32 $8.000000000e+00, v7  }
0x70: {  	v7 =	vld [tilespmem:s20+$0xFFFFFFB0];
	[tilespmem:s18+$0xFFFFFFE0] =	vst v1;
	v1 =	vmul.f32 $8.000000000e+00, v0  }
.Ltmp2:
0x71: {  	v0 =	vld [tilespmem:s20+$0xFFFFFFF0];
	[tilespmem:s18+$0x20] =	vst v2;
	v4 =	vmul.f32 $8.000000000e+00, v4;
	(pc) =	sbr.rel @p1 .LBB2_3-.Ltmp2, $4  }
0x72: {  	v5 =	vmul.f32 $8.000000000e+00, v5;
	v2 =	vld [tilespmem:s20+$0x30];
	[tilespmem:s18+$0x60] =	vst v1  }
0x73: {  	v1 =	vld [tilespmem:s20+$0x70];
	[tilespmem:s18+$0xA0] =	vst v4;
	v9 =	vmul.f32 $8.000000000e+00, v3  }
0x74: {  	[tilespmem:s18+$0xFFFFFF20] =	vst v5;
	v6 =	vmul.f32 $8.000000000e+00, v8;
	v3 =	vld [tilespmem:s20+$0xB0]  }
0x75: {  	v4 =	vld [tilespmem:s20+$0xFFFFFF30];
	v5 =	vmul.f32 $8.000000000e+00, v7;
	[tilespmem:s18+$0xF0] =	vst v9;
	s20 =	sadd.s32 $0x200, s20  }
0x76: {  	[tilespmem:s18+$0xFFFFFF70] =	vst v6;
	v0 =	vmul.f32 $8.000000000e+00, v0  }
0x77: {  	s19 =	sadd.s32 s3, s17;
	[tilespmem:s18+$0xFFFFFFB0] =	vst v5;
	v2 =	vmul.f32 $8.000000000e+00, v2  }
0x78: {  	s19 =	smul.u32 $0x640, s19;
	[tilespmem:s18+$0xFFFFFFF0] =	vst v0;
	v0 =	vmul.f32 $8.000000000e+00, v1  }
0x79: {  	p1 =	seq.s32 s16, $0xF;
	[tilespmem:s18+$0x30] =	vst v2;
	v1 =	vmul.f32 $8.000000000e+00, v3  }
0x7a: {  	s23 =	sadd.s32 s5, s19;
	s19 =	smul.u32 @!p1 $0xC80, s16;
	v2 =	vmul.f32 $8.000000000e+00, v4;
	[tilespmem:s18+$0x70] =	vst v0  }
0x7b: {  	[tilespmem:s18+$0xB0] =	vst v1  }
0x7c: {  	[tilespmem:s18+$0xFFFFFF30] =	vst v2;
	s18 =	sshra.s32 @!p1 s19, $0x2  }
0x7d: {  	[hbm4b:s23+s2] =	stream.linear.scatter [tilespmem:s26], [sflag:$0x5], $0x3200, $0x38;
	[tilespmem:$0x1C200] =	vst v63  }
0x7e: {  	s20 =	simm.s32 @!p1 $0x80;
	s21 =	simm.s32 @!p1 $0x3200;
	s19 =	sadd.s32 @!p1 $0x320, s18  }
0x7f: {  	[tilespmem:s21], [sflag:$0x1] =	stream.indirect.gather @!p1 [hbm4b:s4+s20], $0x40, s19, s20, $0xb8;
	[tilespmem:$0x1C200] =	vst v63  }
0x80: {  	s19 =	sadd.s32 @!p1 $0x3A0, s18;
	s20 =	simm.s32 @!p1 $0x48;
	s21 =	simm.s32 @!p1 $0x5200  }
0x81: {  	[tilespmem:s21], [sflag:$0x1] =	stream.indirect.gather @!p1 [hbm4b:s4+s20], $0x40, s19, s20, $0xb8;
	[tilespmem:$0x1C200] =	vst v63  }
0x82: {  	_ =	swait.ge [sflag:s28], $0x2000  }
0x83: {  	[sflag:s28] =	ssyncset.done $0x0  }
0x84: {  	[sflag:s28] =	ssyncadd.s32 $0xFFFFE000  }
0x85: {  	_ =	swait.ge [sflag:s28], $0x1200  }
0x86: {  	[sflag:s28] =	ssyncset.done $0x0  }
0x87: {  	s19 =	simm.s32 @!p0 $0x6;
	[sflag:s28] =	ssyncadd.s32 $0xFFFFEE00  }
0x88: {  	_ =	swait.ge @!p0 [sflag:s19], $0x3200  }
0x89: {  	[sflag:s19] =	ssyncset.done @!p0 $0x0  }
0x8a: {  	s23 =	simm.s32 $0x6500;
	[sflag:s19] =	ssyncadd.s32 @!p0 $0xFFFFCE00  }
0x8b: {  	v0 =	vld [tilespmem:s23+$0xC0]  }
0x8c: {  	v1 =	vld [tilespmem:s23+$0xFFFFFF40]  }
0x8d: {  	v2 =	vld [tilespmem:s23+$0xFFFFFF80]  }
0x8e: {  	v3 =	vld [tilespmem:s23+$0xFFFFFFC0]  }
0x8f: {  	v4 =	vld [tilespmem:s23+$0x0]  }
0x90: {  	v5 =	vld [tilespmem:s23+$0x40];
	v0 =	vmul.f32 $8.000000000e+00, v0  }
0x91: {  	s19 =	simm.s32 $0x12D00;
	v6 =	vld [tilespmem:s23+$0x80];
	v1 =	vmul.f32 $8.000000000e+00, v1  }
0x92: {  	v7 =	vld [tilespmem:s23+$0xFFFFFF00];
	v2 =	vmul.f32 $8.000000000e+00, v2;
	[tilespmem:s19+$0xC0] =	vst v0  }
0x93: {  	[tilespmem:s19+$0xFFFFFF40] =	vst v1;
	v0 =	vmul.f32 $8.000000000e+00, v3;
	v1 =	vld [tilespmem:s23+$0xD0]  }
0x94: {  	[tilespmem:s19+$0xFFFFFF80] =	vst v2;
	v2 =	vmul.f32 $8.000000000e+00, v4;
	v3 =	vld [tilespmem:s23+$0xFFFFFF50]  }
0x95: {  	v4 =	vld [tilespmem:s23+$0xFFFFFF90];
	[tilespmem:s19+$0xFFFFFFC0] =	vst v0;
	v0 =	vmul.f32 $8.000000000e+00, v5  }
0x96: {  	[tilespmem:s19+$0x0] =	vst v2;
	v2 =	vmul.f32 $8.000000000e+00, v6;
	v5 =	vld [tilespmem:s23+$0xFFFFFFD0]  }
0x97: {  	v6 =	vmul.f32 $8.000000000e+00, v7;
	v7 =	vld [tilespmem:s23+$0x10];
	[tilespmem:s19+$0x40] =	vst v0  }
0x98: {  	[tilespmem:s19+$0x80] =	vst v2;
	v0 =	vld [tilespmem:s23+$0x50];
	v1 =	vmul.f32 $8.000000000e+00, v1  }
0x99: {  	[tilespmem:s19+$0xFFFFFF00] =	vst v6;
	v2 =	vmul.f32 $8.000000000e+00, v3;
	v3 =	vld [tilespmem:s23+$0x90]  }
0x9a: {  	v6 =	vld [tilespmem:s23+$0xFFFFFF10];
	v4 =	vmul.f32 $8.000000000e+00, v4;
	[tilespmem:s19+$0xD0] =	vst v1  }
0x9b: {  	[tilespmem:s19+$0xFFFFFF50] =	vst v2;
	v1 =	vmul.f32 $8.000000000e+00, v5;
	v2 =	vld [tilespmem:s23+$0xE0]  }
0x9c: {  	[tilespmem:s19+$0xFFFFFF90] =	vst v4;
	v4 =	vmul.f32 $8.000000000e+00, v7;
	v5 =	vld [tilespmem:s23+$0xFFFFFF60]  }
0x9d: {  	v7 =	vld [tilespmem:s23+$0xFFFFFFA0];
	[tilespmem:s19+$0xFFFFFFD0] =	vst v1;
	v0 =	vmul.f32 $8.000000000e+00, v0  }
0x9e: {  	[tilespmem:s19+$0x10] =	vst v4;
	v1 =	vld [tilespmem:s23+$0xFFFFFFE0];
	v3 =	vmul.f32 $8.000000000e+00, v3  }
0x9f: {  	v4 =	vmul.f32 $8.000000000e+00, v6;
	v6 =	vld [tilespmem:s23+$0x20];
	[tilespmem:s19+$0x50] =	vst v0  }
0xa0: {  	v0 =	vld [tilespmem:s23+$0x60];
	[tilespmem:s19+$0x90] =	vst v3;
	v2 =	vmul.f32 $8.000000000e+00, v2  }
0xa1: {  	[tilespmem:s19+$0xFFFFFF10] =	vst v4;
	v3 =	vmul.f32 $8.000000000e+00, v5;
	v4 =	vld [tilespmem:s23+$0xA0]  }
0xa2: {  	v5 =	vld [tilespmem:s23+$0xFFFFFF20];
	v7 =	vmul.f32 $8.000000000e+00, v7;
	[tilespmem:s19+$0xE0] =	vst v2  }
0xa3: {  	[tilespmem:s19+$0xFFFFFF60] =	vst v3;
	v1 =	vmul.f32 $8.000000000e+00, v1;
	v3 =	vld [tilespmem:s23+$0xF0]  }
0xa4: {  	[tilespmem:s19+$0xFFFFFFA0] =	vst v7;
	v2 =	vmul.f32 $8.000000000e+00, v6;
	v8 =	vld [tilespmem:s23+$0xFFFFFF70]  }
0xa5: {  	v7 =	vld [tilespmem:s23+$0xFFFFFFB0];
	[tilespmem:s19+$0xFFFFFFE0] =	vst v1;
	v1 =	vmul.f32 $8.000000000e+00, v0  }
0xa6: {  	[tilespmem:s19+$0x20] =	vst v2;
	v0 =	vld [tilespmem:s23+$0xFFFFFFF0];
	v4 =	vmul.f32 $8.000000000e+00, v4  }
0xa7: {  	v5 =	vmul.f32 $8.000000000e+00, v5;
	v2 =	vld [tilespmem:s23+$0x30];
	[tilespmem:s19+$0x60] =	vst v1  }
0xa8: {  	v1 =	vld [tilespmem:s23+$0x70];
	[tilespmem:s19+$0xA0] =	vst v4;
	v9 =	vmul.f32 $8.000000000e+00, v3  }
0xa9: {  	[tilespmem:s19+$0xFFFFFF20] =	vst v5;
	v3 =	vld [tilespmem:s23+$0xB0];
	v6 =	vmul.f32 $8.000000000e+00, v8  }
0xaa: {  	s20 =	sor.u32 $0x1, s17;
	s21 =	simm.s32 $0x0;
	v4 =	vld [tilespmem:s23+$0xFFFFFF30];
	v5 =	vmul.f32 $8.000000000e+00, v7;
	s23 =	simm.s32 $0x6700;
	[tilespmem:s19+$0xF0] =	vst v9  }
.LBB2_5:
0xab: {  	v7 =	vld [tilespmem:s23+$0xC0];
	s21 =	sadd.s32 $0x8, s21;
	[tilespmem:s19+$0xFFFFFF70] =	vst v6;
	v0 =	vmul.f32 $8.000000000e+00, v0  }
0xac: {  	v6 =	vld [tilespmem:s23+$0xFFFFFF40];
	p2 =	slt.u32 s21, $0xC0;
	[tilespmem:s19+$0xFFFFFFB0] =	vst v5;
	v2 =	vmul.f32 $8.000000000e+00, v2  }
0xad: {  	v5 =	vld [tilespmem:s23+$0xFFFFFF80];
	[tilespmem:s19+$0xFFFFFFF0] =	vst v0;
	v0 =	vmul.f32 $8.000000000e+00, v1  }
0xae: {  	v1 =	vld [tilespmem:s23+$0xFFFFFFC0];
	[tilespmem:s19+$0x30] =	vst v2;
	v2 =	vmul.f32 $8.000000000e+00, v3  }
0xaf: {  	v3 =	vld [tilespmem:s23+$0x0];
	v4 =	vmul.f32 $8.000000000e+00, v4;
	[tilespmem:s19+$0x70] =	vst v0  }
0xb0: {  	v0 =	vld [tilespmem:s23+$0x40];
	v7 =	vmul.f32 $8.000000000e+00, v7;
	[tilespmem:s19+$0xB0] =	vst v2  }
0xb1: {  	v2 =	vmul.f32 $8.000000000e+00, v6;
	v6 =	vld [tilespmem:s23+$0x80];
	[tilespmem:s19+$0xFFFFFF30] =	vst v4;
	s19 =	sadd.s32 $0x200, s19  }
0xb2: {  	v4 =	vld [tilespmem:s23+$0xFFFFFF00];
	v5 =	vmul.f32 $8.000000000e+00, v5;
	[tilespmem:s19+$0xC0] =	vst v7  }
0xb3: {  	[tilespmem:s19+$0xFFFFFF40] =	vst v2;
	v1 =	vmul.f32 $8.000000000e+00, v1;
	v2 =	vld [tilespmem:s23+$0xD0]  }
0xb4: {  	v7 =	vld [tilespmem:s23+$0xFFFFFF50];
	[tilespmem:s19+$0xFFFFFF80] =	vst v5;
	v3 =	vmul.f32 $8.000000000e+00, v3  }
0xb5: {  	v5 =	vld [tilespmem:s23+$0xFFFFFF90];
	[tilespmem:s19+$0xFFFFFFC0] =	vst v1;
	v0 =	vmul.f32 $8.000000000e+00, v0  }
0xb6: {  	v1 =	vld [tilespmem:s23+$0xFFFFFFD0];
	[tilespmem:s19+$0x0] =	vst v3;
	v3 =	vmul.f32 $8.000000000e+00, v6  }
0xb7: {  	v4 =	vmul.f32 $8.000000000e+00, v4;
	v6 =	vld [tilespmem:s23+$0x10];
	[tilespmem:s19+$0x40] =	vst v0  }
0xb8: {  	v0 =	vld [tilespmem:s23+$0x50];
	[tilespmem:s19+$0x80] =	vst v3;
	v2 =	vmul.f32 $8.000000000e+00, v2  }
0xb9: {  	[tilespmem:s19+$0xFFFFFF00] =	vst v4;
	v3 =	vmul.f32 $8.000000000e+00, v7;
	v4 =	vld [tilespmem:s23+$0x90]  }
0xba: {  	v7 =	vld [tilespmem:s23+$0xFFFFFF10];
	v5 =	vmul.f32 $8.000000000e+00, v5;
	[tilespmem:s19+$0xD0] =	vst v2  }
0xbb: {  	[tilespmem:s19+$0xFFFFFF50] =	vst v3;
	v1 =	vmul.f32 $8.000000000e+00, v1;
	v2 =	vld [tilespmem:s23+$0xE0]  }
0xbc: {  	v3 =	vld [tilespmem:s23+$0xFFFFFF60];
	[tilespmem:s19+$0xFFFFFF90] =	vst v5;
	v5 =	vmul.f32 $8.000000000e+00, v6  }
0xbd: {  	v6 =	vld [tilespmem:s23+$0xFFFFFFA0];
	[tilespmem:s19+$0xFFFFFFD0] =	vst v1;
	v0 =	vmul.f32 $8.000000000e+00, v0  }
0xbe: {  	v1 =	vld [tilespmem:s23+$0xFFFFFFE0];
	[tilespmem:s19+$0x10] =	vst v5;
	v4 =	vmul.f32 $8.000000000e+00, v4  }
0xbf: {  	v5 =	vmul.f32 $8.000000000e+00, v7;
	v7 =	vld [tilespmem:s23+$0x20];
	[tilespmem:s19+$0x50] =	vst v0  }
0xc0: {  	v0 =	vld [tilespmem:s23+$0x60];
	[tilespmem:s19+$0x90] =	vst v4;
	v2 =	vmul.f32 $8.000000000e+00, v2  }
0xc1: {  	[tilespmem:s19+$0xFFFFFF10] =	vst v5;
	v3 =	vmul.f32 $8.000000000e+00, v3;
	v4 =	vld [tilespmem:s23+$0xA0]  }
0xc2: {  	v5 =	vld [tilespmem:s23+$0xFFFFFF20];
	v6 =	vmul.f32 $8.000000000e+00, v6;
	[tilespmem:s19+$0xE0] =	vst v2  }
0xc3: {  	[tilespmem:s19+$0xFFFFFF60] =	vst v3;
	v1 =	vmul.f32 $8.000000000e+00, v1;
	v3 =	vld [tilespmem:s23+$0xF0]  }
0xc4: {  	v8 =	vld [tilespmem:s23+$0xFFFFFF70];
	[tilespmem:s19+$0xFFFFFFA0] =	vst v6;
	v2 =	vmul.f32 $8.000000000e+00, v7  }
0xc5: {  	v7 =	vld [tilespmem:s23+$0xFFFFFFB0];
	[tilespmem:s19+$0xFFFFFFE0] =	vst v1;
	v1 =	vmul.f32 $8.000000000e+00, v0  }
.Ltmp3:
0xc6: {  	v0 =	vld [tilespmem:s23+$0xFFFFFFF0];
	[tilespmem:s19+$0x20] =	vst v2;
	v4 =	vmul.f32 $8.000000000e+00, v4;
	(pc) =	sbr.rel @p2 .LBB2_5-.Ltmp3, $4  }
0xc7: {  	v5 =	vmul.f32 $8.000000000e+00, v5;
	v2 =	vld [tilespmem:s23+$0x30];
	[tilespmem:s19+$0x60] =	vst v1  }
0xc8: {  	v1 =	vld [tilespmem:s23+$0x70];
	[tilespmem:s19+$0xA0] =	vst v4;
	v9 =	vmul.f32 $8.000000000e+00, v3  }
0xc9: {  	[tilespmem:s19+$0xFFFFFF20] =	vst v5;
	v6 =	vmul.f32 $8.000000000e+00, v8;
	v3 =	vld [tilespmem:s23+$0xB0]  }
0xca: {  	v4 =	vld [tilespmem:s23+$0xFFFFFF30];
	v5 =	vmul.f32 $8.000000000e+00, v7;
	[tilespmem:s19+$0xF0] =	vst v9;
	s23 =	sadd.s32 $0x200, s23  }
0xcb: {  	[tilespmem:s19+$0xFFFFFF70] =	vst v6;
	v0 =	vmul.f32 $8.000000000e+00, v0  }
0xcc: {  	[tilespmem:s19+$0xFFFFFFB0] =	vst v5;
	v2 =	vmul.f32 $8.000000000e+00, v2  }
0xcd: {  	[tilespmem:s19+$0xFFFFFFF0] =	vst v0;
	v0 =	vmul.f32 $8.000000000e+00, v1  }
0xce: {  	s20 =	sadd.s32 s3, s20;
	[tilespmem:s19+$0x30] =	vst v2;
	v1 =	vmul.f32 $8.000000000e+00, v3  }
0xcf: {  	s20 =	smul.u32 $0x640, s20;
	v2 =	vmul.f32 $8.000000000e+00, v4;
	[tilespmem:s19+$0x70] =	vst v0  }
0xd0: {  	[tilespmem:s19+$0xB0] =	vst v1  }
0xd1: {  	s23 =	sadd.s32 s5, s20;
	[tilespmem:s19+$0xFFFFFF30] =	vst v2  }
0xd2: {  	[hbm4b:s23+s2] =	stream.linear.scatter [tilespmem:s29], [sflag:$0x6], $0x3200, $0x38;
	[tilespmem:$0x1C200] =	vst v63  }
0xd3: {  	s21 =	simm.s32 @!p1 $0x6400;
	s20 =	simm.s32 @!p1 $0x80;
	s19 =	sadd.s32 @!p1 $0x3E8, s18  }
0xd4: {  	[tilespmem:s21], [sflag:$0x2] =	stream.indirect.gather @!p1 [hbm4b:s4+s20], $0x40, s19, s20, $0xb8;
	[tilespmem:$0x1C200] =	vst v63  }
0xd5: {  	s19 =	sadd.s32 @!p1 $0x468, s18;
	s20 =	simm.s32 @!p1 $0x48;
	s21 =	simm.s32 @!p1 $0x8400  }
0xd6: {  	[tilespmem:s21], [sflag:$0x2] =	stream.indirect.gather @!p1 [hbm4b:s4+s20], $0x40, s19, s20, $0xb8;
	[tilespmem:$0x1C200] =	vst v63  }
0xd7: {  	_ =	swait.ge [sflag:s30], $0x2000  }
0xd8: {  	[sflag:s30] =	ssyncset.done $0x0  }
0xd9: {  	[sflag:s30] =	ssyncadd.s32 $0xFFFFE000  }
0xda: {  	_ =	swait.ge [sflag:s30], $0x1200  }
0xdb: {  	[sflag:s30] =	ssyncset.done $0x0  }
0xdc: {  	s19 =	simm.s32 @!p0 $0x7;
	[sflag:s30] =	ssyncadd.s32 $0xFFFFEE00  }
0xdd: {  	_ =	swait.ge @!p0 [sflag:s19], $0x3200  }
0xde: {  	[sflag:s19] =	ssyncset.done @!p0 $0x0  }
0xdf: {  	s23 =	simm.s32 $0x9700;
	[sflag:s19] =	ssyncadd.s32 @!p0 $0xFFFFCE00  }
0xe0: {  	v0 =	vld [tilespmem:s23+$0xC0]  }
0xe1: {  	v1 =	vld [tilespmem:s23+$0xFFFFFF40]  }
0xe2: {  	v2 =	vld [tilespmem:s23+$0xFFFFFF80]  }
0xe3: {  	v3 =	vld [tilespmem:s23+$0xFFFFFFC0]  }
0xe4: {  	v4 =	vld [tilespmem:s23+$0x0]  }
0xe5: {  	v5 =	vld [tilespmem:s23+$0x40];
	v0 =	vmul.f32 $8.000000000e+00, v0  }
0xe6: {  	s19 =	simm.s32 $0x15F00;
	v6 =	vld [tilespmem:s23+$0x80];
	v1 =	vmul.f32 $8.000000000e+00, v1  }
0xe7: {  	v7 =	vld [tilespmem:s23+$0xFFFFFF00];
	v2 =	vmul.f32 $8.000000000e+00, v2;
	[tilespmem:s19+$0xC0] =	vst v0  }
0xe8: {  	[tilespmem:s19+$0xFFFFFF40] =	vst v1;
	v0 =	vmul.f32 $8.000000000e+00, v3;
	v1 =	vld [tilespmem:s23+$0xD0]  }
0xe9: {  	[tilespmem:s19+$0xFFFFFF80] =	vst v2;
	v2 =	vmul.f32 $8.000000000e+00, v4;
	v3 =	vld [tilespmem:s23+$0xFFFFFF50]  }
0xea: {  	v4 =	vld [tilespmem:s23+$0xFFFFFF90];
	[tilespmem:s19+$0xFFFFFFC0] =	vst v0;
	v0 =	vmul.f32 $8.000000000e+00, v5  }
0xeb: {  	[tilespmem:s19+$0x0] =	vst v2;
	v2 =	vmul.f32 $8.000000000e+00, v6;
	v5 =	vld [tilespmem:s23+$0xFFFFFFD0]  }
0xec: {  	v6 =	vmul.f32 $8.000000000e+00, v7;
	v7 =	vld [tilespmem:s23+$0x10];
	[tilespmem:s19+$0x40] =	vst v0  }
0xed: {  	[tilespmem:s19+$0x80] =	vst v2;
	v0 =	vld [tilespmem:s23+$0x50];
	v1 =	vmul.f32 $8.000000000e+00, v1  }
0xee: {  	[tilespmem:s19+$0xFFFFFF00] =	vst v6;
	v2 =	vmul.f32 $8.000000000e+00, v3;
	v3 =	vld [tilespmem:s23+$0x90]  }
0xef: {  	v6 =	vld [tilespmem:s23+$0xFFFFFF10];
	v4 =	vmul.f32 $8.000000000e+00, v4;
	[tilespmem:s19+$0xD0] =	vst v1  }
0xf0: {  	[tilespmem:s19+$0xFFFFFF50] =	vst v2;
	v1 =	vmul.f32 $8.000000000e+00, v5;
	v2 =	vld [tilespmem:s23+$0xE0]  }
0xf1: {  	[tilespmem:s19+$0xFFFFFF90] =	vst v4;
	v4 =	vmul.f32 $8.000000000e+00, v7;
	v5 =	vld [tilespmem:s23+$0xFFFFFF60]  }
0xf2: {  	v7 =	vld [tilespmem:s23+$0xFFFFFFA0];
	[tilespmem:s19+$0xFFFFFFD0] =	vst v1;
	v0 =	vmul.f32 $8.000000000e+00, v0  }
0xf3: {  	[tilespmem:s19+$0x10] =	vst v4;
	v1 =	vld [tilespmem:s23+$0xFFFFFFE0];
	v3 =	vmul.f32 $8.000000000e+00, v3  }
0xf4: {  	v4 =	vmul.f32 $8.000000000e+00, v6;
	v6 =	vld [tilespmem:s23+$0x20];
	[tilespmem:s19+$0x50] =	vst v0  }
0xf5: {  	v0 =	vld [tilespmem:s23+$0x60];
	[tilespmem:s19+$0x90] =	vst v3;
	v2 =	vmul.f32 $8.000000000e+00, v2  }
0xf6: {  	[tilespmem:s19+$0xFFFFFF10] =	vst v4;
	v3 =	vmul.f32 $8.000000000e+00, v5;
	v4 =	vld [tilespmem:s23+$0xA0]  }
0xf7: {  	v5 =	vld [tilespmem:s23+$0xFFFFFF20];
	v7 =	vmul.f32 $8.000000000e+00, v7;
	[tilespmem:s19+$0xE0] =	vst v2  }
0xf8: {  	[tilespmem:s19+$0xFFFFFF60] =	vst v3;
	v1 =	vmul.f32 $8.000000000e+00, v1;
	v3 =	vld [tilespmem:s23+$0xF0]  }
0xf9: {  	[tilespmem:s19+$0xFFFFFFA0] =	vst v7;
	v2 =	vmul.f32 $8.000000000e+00, v6;
	v8 =	vld [tilespmem:s23+$0xFFFFFF70]  }
0xfa: {  	v7 =	vld [tilespmem:s23+$0xFFFFFFB0];
	[tilespmem:s19+$0xFFFFFFE0] =	vst v1;
	v1 =	vmul.f32 $8.000000000e+00, v0  }
0xfb: {  	[tilespmem:s19+$0x20] =	vst v2;
	v0 =	vld [tilespmem:s23+$0xFFFFFFF0];
	v4 =	vmul.f32 $8.000000000e+00, v4  }
0xfc: {  	v5 =	vmul.f32 $8.000000000e+00, v5;
	v2 =	vld [tilespmem:s23+$0x30];
	[tilespmem:s19+$0x60] =	vst v1  }
0xfd: {  	v1 =	vld [tilespmem:s23+$0x70];
	[tilespmem:s19+$0xA0] =	vst v4;
	v9 =	vmul.f32 $8.000000000e+00, v3  }
0xfe: {  	[tilespmem:s19+$0xFFFFFF20] =	vst v5;
	v3 =	vld [tilespmem:s23+$0xB0];
	v6 =	vmul.f32 $8.000000000e+00, v8  }
0xff: {  	s20 =	sor.u32 $0x2, s17;
	s21 =	simm.s32 $0x0;
	v4 =	vld [tilespmem:s23+$0xFFFFFF30];
	v5 =	vmul.f32 $8.000000000e+00, v7;
	s23 =	simm.s32 $0x9900;
	[tilespmem:s19+$0xF0] =	vst v9  }
.LBB2_7:
0x100: {  	v7 =	vld [tilespmem:s23+$0xC0];
	s21 =	sadd.s32 $0x8, s21;
	[tilespmem:s19+$0xFFFFFF70] =	vst v6;
	v0 =	vmul.f32 $8.000000000e+00, v0  }
0x101: {  	v6 =	vld [tilespmem:s23+$0xFFFFFF40];
	p2 =	slt.u32 s21, $0xC0;
	[tilespmem:s19+$0xFFFFFFB0] =	vst v5;
	v2 =	vmul.f32 $8.000000000e+00, v2  }
0x102: {  	v5 =	vld [tilespmem:s23+$0xFFFFFF80];
	[tilespmem:s19+$0xFFFFFFF0] =	vst v0;
	v0 =	vmul.f32 $8.000000000e+00, v1  }
0x103: {  	v1 =	vld [tilespmem:s23+$0xFFFFFFC0];
	[tilespmem:s19+$0x30] =	vst v2;
	v2 =	vmul.f32 $8.000000000e+00, v3  }
0x104: {  	v3 =	vld [tilespmem:s23+$0x0];
	v4 =	vmul.f32 $8.000000000e+00, v4;
	[tilespmem:s19+$0x70] =	vst v0  }
0x105: {  	v0 =	vld [tilespmem:s23+$0x40];
	v7 =	vmul.f32 $8.000000000e+00, v7;
	[tilespmem:s19+$0xB0] =	vst v2  }
0x106: {  	v2 =	vmul.f32 $8.000000000e+00, v6;
	v6 =	vld [tilespmem:s23+$0x80];
	[tilespmem:s19+$0xFFFFFF30] =	vst v4;
	s19 =	sadd.s32 $0x200, s19  }
0x107: {  	v4 =	vld [tilespmem:s23+$0xFFFFFF00];
	v5 =	vmul.f32 $8.000000000e+00, v5;
	[tilespmem:s19+$0xC0] =	vst v7  }
0x108: {  	[tilespmem:s19+$0xFFFFFF40] =	vst v2;
	v1 =	vmul.f32 $8.000000000e+00, v1;
	v2 =	vld [tilespmem:s23+$0xD0]  }
0x109: {  	v7 =	vld [tilespmem:s23+$0xFFFFFF50];
	[tilespmem:s19+$0xFFFFFF80] =	vst v5;
	v3 =	vmul.f32 $8.000000000e+00, v3  }
0x10a: {  	v5 =	vld [tilespmem:s23+$0xFFFFFF90];
	[tilespmem:s19+$0xFFFFFFC0] =	vst v1;
	v0 =	vmul.f32 $8.000000000e+00, v0  }
0x10b: {  	v1 =	vld [tilespmem:s23+$0xFFFFFFD0];
	[tilespmem:s19+$0x0] =	vst v3;
	v3 =	vmul.f32 $8.000000000e+00, v6  }
0x10c: {  	v4 =	vmul.f32 $8.000000000e+00, v4;
	v6 =	vld [tilespmem:s23+$0x10];
	[tilespmem:s19+$0x40] =	vst v0  }
0x10d: {  	v0 =	vld [tilespmem:s23+$0x50];
	[tilespmem:s19+$0x80] =	vst v3;
	v2 =	vmul.f32 $8.000000000e+00, v2  }
0x10e: {  	[tilespmem:s19+$0xFFFFFF00] =	vst v4;
	v3 =	vmul.f32 $8.000000000e+00, v7;
	v4 =	vld [tilespmem:s23+$0x90]  }
0x10f: {  	v7 =	vld [tilespmem:s23+$0xFFFFFF10];
	v5 =	vmul.f32 $8.000000000e+00, v5;
	[tilespmem:s19+$0xD0] =	vst v2  }
0x110: {  	[tilespmem:s19+$0xFFFFFF50] =	vst v3;
	v1 =	vmul.f32 $8.000000000e+00, v1;
	v2 =	vld [tilespmem:s23+$0xE0]  }
0x111: {  	v3 =	vld [tilespmem:s23+$0xFFFFFF60];
	[tilespmem:s19+$0xFFFFFF90] =	vst v5;
	v5 =	vmul.f32 $8.000000000e+00, v6  }
0x112: {  	v6 =	vld [tilespmem:s23+$0xFFFFFFA0];
	[tilespmem:s19+$0xFFFFFFD0] =	vst v1;
	v0 =	vmul.f32 $8.000000000e+00, v0  }
0x113: {  	v1 =	vld [tilespmem:s23+$0xFFFFFFE0];
	[tilespmem:s19+$0x10] =	vst v5;
	v4 =	vmul.f32 $8.000000000e+00, v4  }
0x114: {  	v5 =	vmul.f32 $8.000000000e+00, v7;
	v7 =	vld [tilespmem:s23+$0x20];
	[tilespmem:s19+$0x50] =	vst v0  }
0x115: {  	v0 =	vld [tilespmem:s23+$0x60];
	[tilespmem:s19+$0x90] =	vst v4;
	v2 =	vmul.f32 $8.000000000e+00, v2  }
0x116: {  	[tilespmem:s19+$0xFFFFFF10] =	vst v5;
	v3 =	vmul.f32 $8.000000000e+00, v3;
	v4 =	vld [tilespmem:s23+$0xA0]  }
0x117: {  	v5 =	vld [tilespmem:s23+$0xFFFFFF20];
	v6 =	vmul.f32 $8.000000000e+00, v6;
	[tilespmem:s19+$0xE0] =	vst v2  }
0x118: {  	[tilespmem:s19+$0xFFFFFF60] =	vst v3;
	v1 =	vmul.f32 $8.000000000e+00, v1;
	v3 =	vld [tilespmem:s23+$0xF0]  }
0x119: {  	v8 =	vld [tilespmem:s23+$0xFFFFFF70];
	[tilespmem:s19+$0xFFFFFFA0] =	vst v6;
	v2 =	vmul.f32 $8.000000000e+00, v7  }
0x11a: {  	v7 =	vld [tilespmem:s23+$0xFFFFFFB0];
	[tilespmem:s19+$0xFFFFFFE0] =	vst v1;
	v1 =	vmul.f32 $8.000000000e+00, v0  }
.Ltmp4:
0x11b: {  	v0 =	vld [tilespmem:s23+$0xFFFFFFF0];
	[tilespmem:s19+$0x20] =	vst v2;
	v4 =	vmul.f32 $8.000000000e+00, v4;
	(pc) =	sbr.rel @p2 .LBB2_7-.Ltmp4, $4  }
0x11c: {  	v5 =	vmul.f32 $8.000000000e+00, v5;
	v2 =	vld [tilespmem:s23+$0x30];
	[tilespmem:s19+$0x60] =	vst v1  }
0x11d: {  	v1 =	vld [tilespmem:s23+$0x70];
	[tilespmem:s19+$0xA0] =	vst v4;
	v9 =	vmul.f32 $8.000000000e+00, v3  }
0x11e: {  	[tilespmem:s19+$0xFFFFFF20] =	vst v5;
	v6 =	vmul.f32 $8.000000000e+00, v8;
	v3 =	vld [tilespmem:s23+$0xB0]  }
0x11f: {  	v4 =	vld [tilespmem:s23+$0xFFFFFF30];
	v5 =	vmul.f32 $8.000000000e+00, v7;
	[tilespmem:s19+$0xF0] =	vst v9;
	s23 =	sadd.s32 $0x200, s23  }
0x120: {  	[tilespmem:s19+$0xFFFFFF70] =	vst v6;
	v0 =	vmul.f32 $8.000000000e+00, v0  }
0x121: {  	[tilespmem:s19+$0xFFFFFFB0] =	vst v5;
	v2 =	vmul.f32 $8.000000000e+00, v2  }
0x122: {  	[tilespmem:s19+$0xFFFFFFF0] =	vst v0;
	v0 =	vmul.f32 $8.000000000e+00, v1  }
0x123: {  	s20 =	sadd.s32 s3, s20;
	[tilespmem:s19+$0x30] =	vst v2;
	v1 =	vmul.f32 $8.000000000e+00, v3  }
0x124: {  	s20 =	smul.u32 $0x640, s20;
	v2 =	vmul.f32 $8.000000000e+00, v4;
	[tilespmem:s19+$0x70] =	vst v0  }
0x125: {  	[tilespmem:s19+$0xB0] =	vst v1  }
0x126: {  	s21 =	sadd.s32 s5, s20;
	[tilespmem:s19+$0xFFFFFF30] =	vst v2  }
0x127: {  	[hbm4b:s21+s2] =	stream.linear.scatter [tilespmem:s31], [sflag:$0x7], $0x3200, $0x38;
	[tilespmem:$0x1C200] =	vst v63  }
0x128: {  	s20 =	simm.s32 @!p1 $0x80;
	s19 =	sadd.s32 @!p1 $0x4B0, s18;
	s21 =	simm.s32 @!p1 $0x9600  }
0x129: {  	[tilespmem:s21], [sflag:$0x3] =	stream.indirect.gather @!p1 [hbm4b:s4+s20], $0x40, s19, s20, $0xb8;
	[tilespmem:$0x1C200] =	vst v63  }
0x12a: {  	s18 =	sadd.s32 @!p1 $0x530, s18;
	s19 =	simm.s32 @!p1 $0x48;
	s20 =	simm.s32 @!p1 $0xB600  }
0x12b: {  	[tilespmem:s20], [sflag:$0x3] =	stream.indirect.gather @!p1 [hbm4b:s4+s19], $0x40, s18, s19, $0xb8;
	[tilespmem:$0x1C200] =	vst v63  }
0x12c: {  	_ =	swait.ge [sflag:s1], $0x2000  }
0x12d: {  	[sflag:s1] =	ssyncset.done $0x0  }
0x12e: {  	[sflag:s1] =	ssyncadd.s32 $0xFFFFE000  }
0x12f: {  	_ =	swait.ge [sflag:s1], $0x1200  }
0x130: {  	[sflag:s1] =	ssyncset.done $0x0  }
0x131: {  	s18 =	simm.s32 @!p0 $0x8;
	[sflag:s1] =	ssyncadd.s32 $0xFFFFEE00  }
0x132: {  	_ =	swait.ge @!p0 [sflag:s18], $0x3200  }
0x133: {  	[sflag:s18] =	ssyncset.done @!p0 $0x0  }
0x134: {  	s23 =	simm.s32 $0xC900;
	[sflag:s18] =	ssyncadd.s32 @!p0 $0xFFFFCE00  }
0x135: {  	v0 =	vld [tilespmem:s23+$0xC0]  }
0x136: {  	v1 =	vld [tilespmem:s23+$0xFFFFFF40]  }
0x137: {  	v2 =	vld [tilespmem:s23+$0xFFFFFF80]  }
0x138: {  	v3 =	vld [tilespmem:s23+$0xFFFFFFC0]  }
0x139: {  	v4 =	vld [tilespmem:s23+$0x0]  }
0x13a: {  	v5 =	vld [tilespmem:s23+$0x40];
	v0 =	vmul.f32 $8.000000000e+00, v0  }
0x13b: {  	s18 =	simm.s32 $0x19100;
	v6 =	vld [tilespmem:s23+$0x80];
	v1 =	vmul.f32 $8.000000000e+00, v1  }
0x13c: {  	v7 =	vld [tilespmem:s23+$0xFFFFFF00];
	v2 =	vmul.f32 $8.000000000e+00, v2;
	[tilespmem:s18+$0xC0] =	vst v0  }
0x13d: {  	[tilespmem:s18+$0xFFFFFF40] =	vst v1;
	v0 =	vmul.f32 $8.000000000e+00, v3;
	v1 =	vld [tilespmem:s23+$0xD0]  }
0x13e: {  	[tilespmem:s18+$0xFFFFFF80] =	vst v2;
	v2 =	vmul.f32 $8.000000000e+00, v4;
	v3 =	vld [tilespmem:s23+$0xFFFFFF50]  }
0x13f: {  	v4 =	vld [tilespmem:s23+$0xFFFFFF90];
	[tilespmem:s18+$0xFFFFFFC0] =	vst v0;
	v0 =	vmul.f32 $8.000000000e+00, v5  }
0x140: {  	[tilespmem:s18+$0x0] =	vst v2;
	v2 =	vmul.f32 $8.000000000e+00, v6;
	v5 =	vld [tilespmem:s23+$0xFFFFFFD0]  }
0x141: {  	v6 =	vmul.f32 $8.000000000e+00, v7;
	v7 =	vld [tilespmem:s23+$0x10];
	[tilespmem:s18+$0x40] =	vst v0  }
0x142: {  	[tilespmem:s18+$0x80] =	vst v2;
	v0 =	vld [tilespmem:s23+$0x50];
	v1 =	vmul.f32 $8.000000000e+00, v1  }
0x143: {  	[tilespmem:s18+$0xFFFFFF00] =	vst v6;
	v2 =	vmul.f32 $8.000000000e+00, v3;
	v3 =	vld [tilespmem:s23+$0x90]  }
0x144: {  	v6 =	vld [tilespmem:s23+$0xFFFFFF10];
	v4 =	vmul.f32 $8.000000000e+00, v4;
	[tilespmem:s18+$0xD0] =	vst v1  }
0x145: {  	[tilespmem:s18+$0xFFFFFF50] =	vst v2;
	v1 =	vmul.f32 $8.000000000e+00, v5;
	v2 =	vld [tilespmem:s23+$0xE0]  }
0x146: {  	[tilespmem:s18+$0xFFFFFF90] =	vst v4;
	v4 =	vmul.f32 $8.000000000e+00, v7;
	v5 =	vld [tilespmem:s23+$0xFFFFFF60]  }
0x147: {  	v7 =	vld [tilespmem:s23+$0xFFFFFFA0];
	[tilespmem:s18+$0xFFFFFFD0] =	vst v1;
	v0 =	vmul.f32 $8.000000000e+00, v0  }
0x148: {  	[tilespmem:s18+$0x10] =	vst v4;
	v1 =	vld [tilespmem:s23+$0xFFFFFFE0];
	v3 =	vmul.f32 $8.000000000e+00, v3  }
0x149: {  	v4 =	vmul.f32 $8.000000000e+00, v6;
	v6 =	vld [tilespmem:s23+$0x20];
	[tilespmem:s18+$0x50] =	vst v0  }
0x14a: {  	v0 =	vld [tilespmem:s23+$0x60];
	[tilespmem:s18+$0x90] =	vst v3;
	v2 =	vmul.f32 $8.000000000e+00, v2  }
0x14b: {  	[tilespmem:s18+$0xFFFFFF10] =	vst v4;
	v3 =	vmul.f32 $8.000000000e+00, v5;
	v4 =	vld [tilespmem:s23+$0xA0]  }
0x14c: {  	v5 =	vld [tilespmem:s23+$0xFFFFFF20];
	v7 =	vmul.f32 $8.000000000e+00, v7;
	[tilespmem:s18+$0xE0] =	vst v2  }
0x14d: {  	[tilespmem:s18+$0xFFFFFF60] =	vst v3;
	v1 =	vmul.f32 $8.000000000e+00, v1;
	v3 =	vld [tilespmem:s23+$0xF0]  }
0x14e: {  	[tilespmem:s18+$0xFFFFFFA0] =	vst v7;
	v2 =	vmul.f32 $8.000000000e+00, v6;
	v8 =	vld [tilespmem:s23+$0xFFFFFF70]  }
0x14f: {  	v7 =	vld [tilespmem:s23+$0xFFFFFFB0];
	[tilespmem:s18+$0xFFFFFFE0] =	vst v1;
	v1 =	vmul.f32 $8.000000000e+00, v0  }
0x150: {  	[tilespmem:s18+$0x20] =	vst v2;
	v0 =	vld [tilespmem:s23+$0xFFFFFFF0];
	v4 =	vmul.f32 $8.000000000e+00, v4  }
0x151: {  	v5 =	vmul.f32 $8.000000000e+00, v5;
	v2 =	vld [tilespmem:s23+$0x30];
	[tilespmem:s18+$0x60] =	vst v1  }
0x152: {  	v1 =	vld [tilespmem:s23+$0x70];
	[tilespmem:s18+$0xA0] =	vst v4;
	v9 =	vmul.f32 $8.000000000e+00, v3  }
0x153: {  	[tilespmem:s18+$0xFFFFFF20] =	vst v5;
	v3 =	vld [tilespmem:s23+$0xB0];
	v6 =	vmul.f32 $8.000000000e+00, v8  }
0x154: {  	s17 =	sor.u32 $0x3, s17;
	s19 =	simm.s32 $0x0;
	s20 =	simm.s32 $0xCB00;
	v4 =	vld [tilespmem:s23+$0xFFFFFF30];
	v5 =	vmul.f32 $8.000000000e+00, v7;
	[tilespmem:s18+$0xF0] =	vst v9  }
.LBB2_9:
0x155: {  	v7 =	vld [tilespmem:s20+$0xC0];
	s19 =	sadd.s32 $0x8, s19;
	[tilespmem:s18+$0xFFFFFF70] =	vst v6;
	v0 =	vmul.f32 $8.000000000e+00, v0  }
0x156: {  	v6 =	vld [tilespmem:s20+$0xFFFFFF40];
	p0 =	slt.u32 s19, $0xC0;
	[tilespmem:s18+$0xFFFFFFB0] =	vst v5;
	v2 =	vmul.f32 $8.000000000e+00, v2  }
0x157: {  	v5 =	vld [tilespmem:s20+$0xFFFFFF80];
	[tilespmem:s18+$0xFFFFFFF0] =	vst v0;
	v0 =	vmul.f32 $8.000000000e+00, v1  }
0x158: {  	v1 =	vld [tilespmem:s20+$0xFFFFFFC0];
	[tilespmem:s18+$0x30] =	vst v2;
	v2 =	vmul.f32 $8.000000000e+00, v3  }
0x159: {  	v3 =	vld [tilespmem:s20+$0x0];
	v4 =	vmul.f32 $8.000000000e+00, v4;
	[tilespmem:s18+$0x70] =	vst v0  }
0x15a: {  	v0 =	vld [tilespmem:s20+$0x40];
	v7 =	vmul.f32 $8.000000000e+00, v7;
	[tilespmem:s18+$0xB0] =	vst v2  }
0x15b: {  	v2 =	vmul.f32 $8.000000000e+00, v6;
	v6 =	vld [tilespmem:s20+$0x80];
	[tilespmem:s18+$0xFFFFFF30] =	vst v4;
	s18 =	sadd.s32 $0x200, s18  }
0x15c: {  	v4 =	vld [tilespmem:s20+$0xFFFFFF00];
	v5 =	vmul.f32 $8.000000000e+00, v5;
	[tilespmem:s18+$0xC0] =	vst v7  }
0x15d: {  	[tilespmem:s18+$0xFFFFFF40] =	vst v2;
	v1 =	vmul.f32 $8.000000000e+00, v1;
	v2 =	vld [tilespmem:s20+$0xD0]  }
0x15e: {  	v7 =	vld [tilespmem:s20+$0xFFFFFF50];
	[tilespmem:s18+$0xFFFFFF80] =	vst v5;
	v3 =	vmul.f32 $8.000000000e+00, v3  }
0x15f: {  	v5 =	vld [tilespmem:s20+$0xFFFFFF90];
	[tilespmem:s18+$0xFFFFFFC0] =	vst v1;
	v0 =	vmul.f32 $8.000000000e+00, v0  }
0x160: {  	v1 =	vld [tilespmem:s20+$0xFFFFFFD0];
	[tilespmem:s18+$0x0] =	vst v3;
	v3 =	vmul.f32 $8.000000000e+00, v6  }
0x161: {  	v4 =	vmul.f32 $8.000000000e+00, v4;
	v6 =	vld [tilespmem:s20+$0x10];
	[tilespmem:s18+$0x40] =	vst v0  }
0x162: {  	v0 =	vld [tilespmem:s20+$0x50];
	[tilespmem:s18+$0x80] =	vst v3;
	v2 =	vmul.f32 $8.000000000e+00, v2  }
0x163: {  	[tilespmem:s18+$0xFFFFFF00] =	vst v4;
	v3 =	vmul.f32 $8.000000000e+00, v7;
	v4 =	vld [tilespmem:s20+$0x90]  }
0x164: {  	v7 =	vld [tilespmem:s20+$0xFFFFFF10];
	v5 =	vmul.f32 $8.000000000e+00, v5;
	[tilespmem:s18+$0xD0] =	vst v2  }
0x165: {  	[tilespmem:s18+$0xFFFFFF50] =	vst v3;
	v1 =	vmul.f32 $8.000000000e+00, v1;
	v2 =	vld [tilespmem:s20+$0xE0]  }
0x166: {  	v3 =	vld [tilespmem:s20+$0xFFFFFF60];
	[tilespmem:s18+$0xFFFFFF90] =	vst v5;
	v5 =	vmul.f32 $8.000000000e+00, v6  }
0x167: {  	v6 =	vld [tilespmem:s20+$0xFFFFFFA0];
	[tilespmem:s18+$0xFFFFFFD0] =	vst v1;
	v0 =	vmul.f32 $8.000000000e+00, v0  }
0x168: {  	v1 =	vld [tilespmem:s20+$0xFFFFFFE0];
	[tilespmem:s18+$0x10] =	vst v5;
	v4 =	vmul.f32 $8.000000000e+00, v4  }
0x169: {  	v5 =	vmul.f32 $8.000000000e+00, v7;
	v7 =	vld [tilespmem:s20+$0x20];
	[tilespmem:s18+$0x50] =	vst v0  }
0x16a: {  	v0 =	vld [tilespmem:s20+$0x60];
	[tilespmem:s18+$0x90] =	vst v4;
	v2 =	vmul.f32 $8.000000000e+00, v2  }
0x16b: {  	[tilespmem:s18+$0xFFFFFF10] =	vst v5;
	v3 =	vmul.f32 $8.000000000e+00, v3;
	v4 =	vld [tilespmem:s20+$0xA0]  }
0x16c: {  	v5 =	vld [tilespmem:s20+$0xFFFFFF20];
	v6 =	vmul.f32 $8.000000000e+00, v6;
	[tilespmem:s18+$0xE0] =	vst v2  }
0x16d: {  	[tilespmem:s18+$0xFFFFFF60] =	vst v3;
	v1 =	vmul.f32 $8.000000000e+00, v1;
	v3 =	vld [tilespmem:s20+$0xF0]  }
0x16e: {  	v8 =	vld [tilespmem:s20+$0xFFFFFF70];
	[tilespmem:s18+$0xFFFFFFA0] =	vst v6;
	v2 =	vmul.f32 $8.000000000e+00, v7  }
0x16f: {  	v7 =	vld [tilespmem:s20+$0xFFFFFFB0];
	[tilespmem:s18+$0xFFFFFFE0] =	vst v1;
	v1 =	vmul.f32 $8.000000000e+00, v0  }
.Ltmp5:
0x170: {  	v0 =	vld [tilespmem:s20+$0xFFFFFFF0];
	[tilespmem:s18+$0x20] =	vst v2;
	v4 =	vmul.f32 $8.000000000e+00, v4;
	(pc) =	sbr.rel @p0 .LBB2_9-.Ltmp5, $4  }
0x171: {  	v5 =	vmul.f32 $8.000000000e+00, v5;
	v2 =	vld [tilespmem:s20+$0x30];
	[tilespmem:s18+$0x60] =	vst v1  }
0x172: {  	v1 =	vld [tilespmem:s20+$0x70];
	[tilespmem:s18+$0xA0] =	vst v4;
	v9 =	vmul.f32 $8.000000000e+00, v3  }
0x173: {  	[tilespmem:s18+$0xFFFFFF20] =	vst v5;
	v6 =	vmul.f32 $8.000000000e+00, v8;
	v3 =	vld [tilespmem:s20+$0xB0]  }
0x174: {  	v4 =	vld [tilespmem:s20+$0xFFFFFF30];
	v5 =	vmul.f32 $8.000000000e+00, v7;
	[tilespmem:s18+$0xF0] =	vst v9;
	s20 =	sadd.s32 $0x200, s20  }
0x175: {  	[tilespmem:s18+$0xFFFFFF70] =	vst v6;
	v0 =	vmul.f32 $8.000000000e+00, v0  }
0x176: {  	[tilespmem:s18+$0xFFFFFFB0] =	vst v5;
	v2 =	vmul.f32 $8.000000000e+00, v2  }
0x177: {  	[tilespmem:s18+$0xFFFFFFF0] =	vst v0;
	v61 =	vmul.f32 $8.000000000e+00, v1  }
.Ltmp6:
0x178: {  	s17 =	sadd.s32 s3, s17;
	[tilespmem:s18+$0x30] =	vst v2;
	v62 =	vmul.f32 $8.000000000e+00, v3;
	(pc) =	sbr.rel @p1 .LBB2_12-.Ltmp6, $4  }
0x179: {  	s17 =	smul.u32 $0x640, s17;
	v63 =	vmul.f32 $8.000000000e+00, v4;
	[tilespmem:s18+$0x70] =	vst v61  }
0x17a: {  	[tilespmem:s18+$0xB0] =	vst v62  }
0x17b: {  	s17 =	sadd.s32 s5, s17;
	[tilespmem:s18+$0xFFFFFF30] =	vst v63  }
0x17c: {  	[hbm4b:s17+s2] =	stream.linear.scatter [tilespmem:s0], [sflag:$0x8], $0x3200, $0x38;
	[tilespmem:$0x1C200] =	vst v63  }
0x17d: {  	s17 =	smul.u32 $0xC80, s16;
	_ =	sdelay $0x1  }
.Ltmp7:
0x17e: {  	s17 =	sshra.s32 s17, $0x2;
	(pc) =	sbr.rel .LBB2_2-.Ltmp7, $4  }
0x17f: {  	s18 =	sadd.s32 $0x578, s17  }
0x180: {  	[tilespmem:s22], [sflag:$0x4] =	stream.indirect.gather [hbm4b:s4+s9], $0x40, s18, s9, $0xb8;
	[tilespmem:$0x1C200] =	vst v63  }
0x181: {  	s16 =	sadd.s32 $0x1, s16;
	s17 =	sadd.s32 $0x5F8, s17  }
0x182: {  	[tilespmem:s24], [sflag:$0x4] =	stream.indirect.gather [hbm4b:s4+s11], $0x40, s17, s11, $0xb8;
	[tilespmem:$0x1C200] =	vst v63  }
.LBB2_13:
0x183: {  	_ =	sfence.sel $0x180000  }
0x184: {  	[bflag:$0x0] =	sbarrier.arrive $0xFFFF  }
0x185: {  	_ =	strace $0x90000047  }
0x186: {  	s0 =	stileid.u32;
	[bflag:$0x2] =	sbarrier.arrive $0xFFFF  }
0x187: {  	p0 =	sne.s32 s0, $0x0;
	s0 =	rddreg [dreg:$0x1]  }
0x188: {  	s0 =	sadd.s32 @!p0 $0x100000, s0  }
0x189: {  	[sflag:s0] =	ssyncadd.tile.s32 @!p0 $0x1;
	_ =	shalt  }
.Lfunc_end2:
_tile_overlayer_lowered:
.L_overlay_start_2:
0x18a: {  	(tag) =	ssettag $0x2  }
0x18b: {  	s0 =	rddreg [dreg:$0x0];
	s2 =	stileid.u32  }
0x18c: {  	s1 =	rddreg [dreg:$0x1];
	p0 =	sne.s32 s2, $0x0  }
0x18d: {  	s3 =	rddreg [dreg:$0x2];
	[bflag:$0x3] =	sbarrier.arrive $0xFFFF;
	s2 =	simm.s32 @!p0 $0x1C09  }
0x18e: {  	[timem:s3], [sflag:s2] =	dma.local @!p0 [hbm:s0], s1  }
0x18f: {  	s0 =	simm.s32 @!p0 $0x9  }
0x190: {  	_ =	swait.ge @!p0 [sflag:s0], s1  }
0x191: {  	s1 =	ssub.s32 @!p0 $0x0, s1;
	[sflag:s0] =	ssyncset.done @!p0 $0x0  }
0x192: {  	[sflag:s0] =	ssyncadd.s32 @!p0 s1  }
0x193: {  	[bflag:$0x3] =	sbarrier.arrive $0xFFFF  }
0x194: {  	_ =	shalt  }

// kernel: sparse-core-data-format-call.cloned.1.call-start
scs
called_computation_lowered:
.L_overlay_start_0:
0x0: {  	s2 =	sld [smem:$0x3FD9]  }
0x1: {  	s3 =	sld [smem:$0x3FFE];
	_ =	sdelay $0x1  }
0x2: {  	s1 =	srdreg.scid  }
0x3: {  	s0 =	sand.u32 $0x1, s1  }
0x4: {  	s18 =	sshll.u32 s0, $0xA;
	s2 =	sadd.s32 s3, s2  }
0x5: {  	s2 =	sadd.s32 s2, s18  }
0x6: {  	[smem:$0x3FC6] =	sst s2  }
0x7: {  	_ = 	snop  }
0x8: {  	s2 =	sld [smem:$0x3FD0];
	(tm) =	ssettm $0x1  }
0x9: {  	s19 =	sld [smem:$0x3FFB];
	_ =	sdelay $0x3  }
0xa: {  	_ =	strace s19  }
0xb: {  	s3 =	sld [smem:$0x3FFC];
	_ =	sdelay $0x3  }
0xc: {  	_ =	strace s3  }
0xd: {  	s3 =	sld [smem:$0x3FFD];
	_ =	sdelay $0x3  }
0xe: {  	_ =	strace s3  }
0xf: {  	_ =	strace $0x8FFFFFFF  }
0x10: {  	s20 =	sld [smem:$0x3FDB];
	_ =	sdelay $0x1  }
0x11: {  	s4 =	simm.s32 $_scs_section_size  }
0x12: {  	s5 =	simm.s32 $_size__tile_overlayer_lowered;
	s6 =	simm.s32 $_tile_overlayer_lowered  }
0x13: {  	s23 =	simm.s32 $0x1BFF;
	s22 =	sshll.u32 s6, $0x1;
	s3 =	sadd.s32 s4, s20  }
0x14: {  	s7 =	simm.s32 $0x0;
	s21 =	sshll.u32 s5, $0x1;
	s5 =	sadd.s32 s22, s3  }
0x15: {  	[timem:s7], [sflag:s23] =	dma.local [hbm:s5], s21  }
0x16: {  	_ =	swait.ge [sflag:s23], s21  }
0x17: {  	s4 =	ssub.s32 $0x0, s21;
	[sflag:s23] =	ssyncset.done $0x0  }
0x18: {  	[sflag:s23] =	ssyncadd.s32 s4;
	_ =	sdelay $0x1  }
0x19: {  	s24 =	simm.s32 $0x1B8B  }
0x1a: {  	_ =	swait.ge [sflag:s24], $0x1  }
0x1b: {  	[sflag:s24] =	ssyncset.done $0x0  }
0x1c: {  	s26 =	simm.s32 $0x1B8E;
	s25 =	sld [smem:$0x3FFE];
	[sflag:s24] =	ssyncadd.s32 $0xFFFFFFFF  }
0x1d: {  	s27 =	simm.s32 $execute0_lowered;
	[smem:$0x3FD2] =	sst s26  }
0x1e: {  	s5 =	sshll.u32 s27, $0x1;
	_ =	strace $0x8000004C;
	[dreg:$0x1] =	wrdreg $0xFFFFFFFF  }
0x1f: {  	s28 =	simm.s32 $_size_execute0_lowered;
	s3 =	sadd.s32 s3, s5;
	[dreg:$0x0] =	wrdreg $0x0  }
0x20: {  	s5 =	sshll.u32 s28, $0x1;
	[dreg:$0x2] =	wrdreg s3  }
0x21: {  	[dreg:$0x3] =	wrdreg s5  }
0x22: {  	[dreg:$0x4] =	wrdreg $0xC0  }
0x23: {  	_ =	task [dreg:s7], $0x5FFFF  }
0x24: {  	[dreg:$0x1] =	wrdreg $0xFFFFFFFF  }
0x25: {  	[dreg:$0x0] =	wrdreg $0x60  }
0x26: {  	[dreg:$0x2] =	wrdreg s25  }
0x27: {  	[dreg:$0x3] =	wrdreg s2  }
0x28: {  	[dreg:$0x4] =	wrdreg $0x9  }
0x29: {  	_ =	task.clear_ibuf [dreg:s7], $0x5FFFF;
	_ =	strace $0x9000004C  }
0x2a: {  	s29 =	simm.s32 $0x9;
	_ =	strace $0x8000004E  }
0x2b: {  	_ =	swait.ge [sflag:s29], $0x1  }
0x2c: {  	[sflag:s29] =	ssyncadd.s32 $0xFFFFFFFF  }
0x2d: {  	_ =	strace $0x9000004E  }
0x2e: {  	_ =	sfence  }
0x2f: {  	s30 =	sld [smem:$0x0];
	_ =	sdelay $0x2  }
0x30: {  	s31 =	sshll.u32 s1, $0xD;
	s1 =	sshrl.u32 s1, $0x2  }
0x31: {  	s3 =	sand.u32 $0x4000, s31;
	s1 =	sadd.s32 s1, s30  }
0x32: {  	s0 =	sor.u32 s3, s0;
	s1 =	sshll.u32 s1, $0x11  }
0x33: {  	s0 =	sor.u32 s1, s0  }
0x34: {  	s0 =	sadd.s32 $0x8F2B, s0  }
0x35: {  	[sflag:s0] =	ssyncadd.remote.s32 $0x1  }
0x36: {  	_ =	sfence.sel $0xFFFF  }
0x37: {  	[dreg:$0x0] =	wrdreg $0xFFFFFFFF;
	(pc) =	sbr.abs _section_cstart, $3  }
0x38: {  	[dreg:$0x1] =	wrdreg $0xFFFFFFFF  }
0x39: {  	_ =	task.clear_ibuf [dreg:s7], $0x2FFFF;
	_ =	strace $0x9FFFFFFF  }
0x3a: {  	(tm) =	ssettm $0x7FFFFFFF  }
0x3b: {  	_ =	shalt  }
tec
execute0_lowered:
.L_overlay_start_1:
0x0: {  	(tag) =	ssettag $0x1  }
0x1: {  	s0 =	srdreg.scid  }
0x2: {  	s1 =	sshll.u32 s0, $0x4  }
0x3: {  	s0 =	stileid.u32;
	s1 =	sand.u32 $0x10, s1  }
0x4: {  	s1 =	sor.u32 s0, s1  }
0x5: {  	s6 =	rddreg [dreg:$0x0];
	s4 =	simm.s32 $0x1;
	s2 =	sshll.u32 s1, $0x7  }
0x6: {  	s7 =	simm.s32 $0x2;
	s12 =	simm.s32 $0x0;
	s1 =	ssub.s32 $0x1000, s2  }
0x7: {  	s8 =	simm.s32 $0x8000;
	s13 =	simm.s32 $0x0;
	s3 =	sand.u32 $0xF80, s1  }
0x8: {  	s9 =	simm.s32 $0x0;
	s5 =	sshrl.u32 s1, $0xC;
	p0 =	sne.s32 s3, $0x0  }
.Ltmp0:
0x9: {  	s1 =	rddreg [dreg:$0x2];
	s4 =	simm.s32 @!p0 $0x0;
	(pc) =	sbr.rel .LBB1_1-.Ltmp0, $4  }
0xa: {  	s11 =	simm.s32 $0x0;
	s3 =	rddreg [dreg:$0x1];
	s5 =	sadd.s32 s4, s5  }
0xb: {  	_ =	strace $0x8000004D;
	s4 =	simm.s32 $0x1;
	s5 =	smul.u32 $0xC8, s5  }
0xc: {  	s6 =	sadd.s32 $0xC9A000, s6;
	s10 =	smov.u32 s2;
	[sflag:s4] =	ssyncpa.u1 $0x0  }
0xd: {  	p0 =	por $0x0, $0x0;
	[sflag:s7] =	ssyncpa.u1 $0x0;
	s7 =	sor.u32 $0x1, s5  }
.LBB1_4:
0xe: {  	s16 =	sshll.u32 s13, $0x3;
	s17 =	sand.u32 $0x78, s13  }
0xf: {  	s30 =	sand.u32 $0x7E00, s13;
	s12 =	sshll.u32 s12, $0xF;
	s16 =	sand.u32 $0xC00, s16  }
0x10: {  	[tilespmem:s15+$0x810 ss:$0x81] =	vst.msk $0xffff, v2;
	s31 =	sand.u32 $0x7, s13;
	s16 =	sor.u32 s17, s16;
	s17 =	sadd.s32 s3, s30  }
0x11: {  	[tilespmem:s15+$0x1020 ss:$0x81] =	vst.msk $0xffff, v0;
	s13 =	sshll.u32 s31, $0x12;
	s12 =	sadd.s32 s12, s17;
	s16 =	sshrl.u32 s16, $0x3  }
0x12: {  	[tilespmem:s15+$0x0 ss:$0x81] =	vst.msk $0xffff, v1;
	s13 =	sor.u32 $0x400, s13;
	s12 =	sadd.s32 s16, s12  }
0x13: {  	[hbm4b:s12+s13] =	stream.strided.scatter [tilespmem:s14], [sflag:$0x2], $0x2000, s8, s13, $0x20;
	[tilespmem:$0x8080] =	vst v63  }
.LBB1_5:
0x14: {  	s14 =	sadd.s32 $0x1, s9  }
0x15: {  	s12 =	sadd.s32 $0x1000, s10;
	s16 =	smov.u32 s10;
	p2 =	sgt.s32 s14, $0xC7  }
0x16: {  	s16 =	smov.u32 @p2 s12  }
0x17: {  	s14 =	simm.s32 @p2 $0x0;
	p2 =	sgt.s32 s16, $0xFFF  }
0x18: {  	s16 =	smov.u32 @p2 s2;
	p2 =	sne.s32 s11, s7  }
.Ltmp1:
0x19: {  	p1 =	slt.u32 s11, $0x2;
	(pc) =	sbr.rel @!p2 .LBB1_6-.Ltmp1, $4  }
0x1a: {  	s15 =	simm.s32 @!p1 $0x2  }
0x1b: {  	s13 =	smov.u32 s10;
	p0 =	por !p0, !p0;
	_ =	swait.ge @!p1 [sflag:s15], $0x2000  }
0x1c: {  	s12 =	smov.u32 s9;
	[sflag:s15] =	ssyncset.done @!p1 $0x0;
	s9 =	smov.u32 s14  }
0x1d: {  	s11 =	sadd.s32 $0x1, s11;
	[sflag:s15] =	ssyncadd.s32 @!p1 $0xFFFFE000;
	s10 =	smov.u32 s16  }
.LBB1_1:
0x1e: {  	p1 =	sge.u32 s11, s5  }
0x1f: {  	s14 =	sand.u32 @!p1 $0x1FFFFFF, s9  }
0x20: {  	s15 =	smulhi.u32 @!p1 $0x147AE15, s14;
	_ =	sdelay $0x1  }
0x21: {  	s15 =	smul.u32 @!p1 $0xC8, s15  }
0x22: {  	s16 =	sxor.u32 @!p1 $0xFFFFFFFF, s11;
	s17 =	smul.u32 @!p1 $0xC80, s10  }
0x23: {  	s31 =	sadd.s32 $0xFFFFFFFF, s11;
	s16 =	sshll.u32 @!p1 s16, $0xD;
	s14 =	ssub.s32 @!p1 s14, s15  }
0x24: {  	s15 =	sand.u32 @!p1 $0x2000, s16;
	s16 =	sadd.s32 @!p1 s6, s17;
	s14 =	sshll.u32 @!p1 s14, $0x4  }
0x25: {  	s17 =	simm.s32 @!p1 $0x6400;
	s14 =	sadd.s32 @!p1 s14, s16;
	s16 =	simm.s32 @!p1 $0x40  }
0x26: {  	[tilespmem:s15], [sflag:$0x1] =	stream.strided.gather @!p1 [hbm4b:s14+s16], $0x2000, s17, s16, $0x38;
	[tilespmem:$0x8080] =	vst v63  }
0x27: {  	p1 =	sge.u32 s31, s5  }
.Ltmp2:
0x28: {  	_ = 	snop;
	(pc) =	sbr.rel @p1 .LBB1_5-.Ltmp2, $1  }
0x29: {  	_ =	sdelay $0x3  }
0x2a: {  	s14 =	simm.s32 $0x1  }
0x2b: {  	_ =	swait.ge [sflag:s4], $0x2000;
	s14 =	simm.s32 @!p0 $0x0  }
0x2c: {  	[sflag:s4] =	ssyncset.done $0x0;
	s15 =	sshll.u32 s14, $0xD  }
0x2d: {  	[sflag:s4] =	ssyncadd.s32 $0xFFFFE000;
	s18 =	sor.u32 $0x20, s15  }
0x2e: {  	s14 =	smul.u32 $0x8100, s14;
	v3 =	vld [tilespmem:s18+$0x10]  }
0x2f: {  	s30 =	sand.u32 $0x1, s11;
	v2 =	vld [tilespmem:s18+$0xFFFFFFF0]  }
0x30: {  	s15 =	smul.u32 $0x8100, s30;
	s14 =	sshrl.u32 s14, $0x2;
	v0 =	vld [tilespmem:s18+$0x0]  }
0x31: {  	v1 =	vld [tilespmem:s18+$0xFFFFFFE0];
	s16 =	sor.u32 $0x4000, s14  }
0x32: {  	s31 =	sshrl.u32 s15, $0x2;
	s15 =	sadd.s32 $0x0, s16  }
0x33: {  	s17 =	simm.s32 $0x4;
	s18 =	sadd.s32 $0x40, s18;
	s14 =	sor.u32 $0x4000, s31;
	[tilespmem:s15+$0x1830 ss:$0x81] =	vst.msk $0xffff, v3  }
.LBB1_3:
0x34: {  	v3 =	vld [tilespmem:s18+$0x10];
	p1 =	sne.s32 s17, $0x1FC;
	[tilespmem:s15+$0x810 ss:$0x81] =	vst.msk $0xffff, v2;
	s19 =	smov.u32 s17;
	s17 =	sadd.s32 $0x4, s17  }
.Ltmp3:
0x35: {  	v2 =	vld [tilespmem:s18+$0xFFFFFFF0];
	[tilespmem:s15+$0x1020 ss:$0x81] =	vst.msk $0xffff, v0;
	(pc) =	sbr.rel @p1 .LBB1_3-.Ltmp3, $4  }
0x36: {  	v0 =	vld [tilespmem:s18+$0x0];
	[tilespmem:s15+$0x0 ss:$0x81] =	vst.msk $0xffff, v1  }
0x37: {  	s15 =	sshra.s32 s19, $0x2;
	v1 =	vld [tilespmem:s18+$0xFFFFFFE0]  }
0x38: {  	s15 =	sadd.s32 s15, s16  }
0x39: {  	s18 =	sadd.s32 $0x40, s18;
	[tilespmem:s15+$0x1830 ss:$0x81] =	vst.msk $0xffff, v3  }
.Ltmp4:
0x3a: {  	_ = 	snop;
	(pc) =	sbr.rel .LBB1_4-.Ltmp4, $1  }
0x3b: {  	_ =	sdelay $0x3  }
.LBB1_6:
0x3c: {  	_ =	sfence.sel $0x180000  }
0x3d: {  	s2 =	simm.s32 $0x1;
	[bflag:$0x0] =	sbarrier.arrive $0xFFFF  }
0x3e: {  	s31 =	simm.s32 $0x2;
	[sflag:s2] =	ssyncpa.u1 $0x1  }
0x3f: {  	[sflag:s31] =	ssyncpa.u1 $0x1  }
0x40: {  	p0 =	sne.s32 s0, $0x0;
	_ =	strace $0x9000004D  }
0x41: {  	s0 =	sadd.s32 @!p0 $0x100000, s1;
	[bflag:$0x2] =	sbarrier.arrive $0xFFFF  }
0x42: {  	[sflag:s0] =	ssyncadd.tile.s32 @!p0 $0x1;
	_ =	shalt  }
.Lfunc_end1:
_tile_overlayer_lowered:
.L_overlay_start_2:
0x43: {  	(tag) =	ssettag $0x2  }
0x44: {  	s0 =	rddreg [dreg:$0x0];
	s2 =	stileid.u32  }
0x45: {  	s1 =	rddreg [dreg:$0x1];
	p0 =	sne.s32 s2, $0x0  }
0x46: {  	s3 =	rddreg [dreg:$0x2];
	[bflag:$0x3] =	sbarrier.arrive $0xFFFF;
	s2 =	simm.s32 @!p0 $0x1C01  }
0x47: {  	[timem:s3], [sflag:s2] =	dma.local @!p0 [hbm:s0], s1  }
0x48: {  	s0 =	simm.s32 @!p0 $0x1  }
0x49: {  	_ =	swait.ge @!p0 [sflag:s0], s1  }
0x4a: {  	s1 =	ssub.s32 @!p0 $0x0, s1;
	[sflag:s0] =	ssyncset.done @!p0 $0x0  }
0x4b: {  	[sflag:s0] =	ssyncadd.s32 @!p0 s1  }
0x4c: {  	[bflag:$0x3] =	sbarrier.arrive $0xFFFF  }
0x4d: {  	_ =	shalt  }

</sc_bundles>
